<compile_context>
chip_gen: v7x
topology: tpu7x:2x2x1
jax: 0.10.2.dev20260603
libtpu: 0.0.44.dev20260713+nightly
codegen_flags: <defaults>
</compile_context>

<pallas_src>
import functools

import jax
import jax.numpy as jnp
from jax import lax
from jax.experimental import pallas as pl
from jax.experimental.pallas import tpu as pltpu
from jax.experimental.pallas import tpu_sc as plsc


@functools.lru_cache(maxsize=None)
def _make_gather(V2, D2, B):
    D = D2 // 2
    info = plsc.get_sparse_core_info()
    NC, NS = info.num_cores, info.num_subcores
    NW = NC * NS
    assert B % (8 * NW) == 0, (B, NW)
    b_per_w = B // NW
    C = 256
    while b_per_w % (2 * C):
        C //= 2
    n_chunks = b_per_w // C
    mesh = plsc.VectorSubcoreMesh(core_axis_name="c", subcore_axis_name="s")

    @functools.partial(
        pl.kernel,
        mesh=mesh,
        out_type=jax.ShapeDtypeStruct((B // 2, D2), jnp.float32),
        scratch_types=[
            pltpu.VMEM((b_per_w,), jnp.int32),
            pltpu.VMEM((b_per_w,), jnp.int32),
            pltpu.VMEM((C, D2), jnp.float32),
            pltpu.VMEM((C, D2), jnp.float32),
            pltpu.VMEM((C // 2, D2), jnp.float32),
            pltpu.VMEM((C // 2, D2), jnp.float32),
            pltpu.SemaphoreType.DMA,
            pltpu.SemaphoreType.DMA,
            pltpu.SemaphoreType.DMA,
            pltpu.SemaphoreType.DMA,
        ],
    )
    def k(idx_hbm, table_hbm, out_hbm, idx_v, idx2_v, p0, p1, o0, o1,
          gs0, gs1, ws0, ws1):
        pairs_b = (p0, p1)
        out_b = (o0, o1)
        gs = (gs0, gs1)
        ws = (ws0, ws1)
        wid = lax.axis_index("s") * NC + lax.axis_index("c")
        base = wid * b_per_w

        pltpu.sync_copy(idx_hbm.at[pl.ds(base, b_per_w)], idx_v)

        def prep(i, carry):
            v = idx_v[pl.ds(i * 16, 16)]
            idx2_v[pl.ds(i * 16, 16)] = lax.shift_right_logical(v, 1)
            return carry

        lax.fori_loop(0, b_per_w // 16, prep, 0)

        def start_gather(g, b):
            pltpu.async_copy(
                table_hbm.at[idx2_v.at[pl.ds(g * C, C)]], pairs_b[b], gs[b]
            )

        def wait_gather(b):
            pltpu.make_async_copy(
                table_hbm.at[idx2_v.at[pl.ds(0, C)]], pairs_b[b], gs[b]
            ).wait()

        def start_write(g, b):
            off = pl.multiple_of((base + g * C) // 2, 8)
            pltpu.async_copy(out_b[b], out_hbm.at[pl.ds(off, C // 2)], ws[b])

        def wait_write(b):
            pltpu.make_async_copy(
                out_b[b], out_hbm.at[pl.ds(pl.multiple_of(base // 2, 8), C // 2)],
                ws[b],
            ).wait()

        def compact(g, b):
            pairs = pairs_b[b]
            out = out_b[b]

            def blk16(q, carry):
                r0 = 16 * q
                par = (idx_v[pl.ds(g * C + r0, 16)] & 1) * D
                for j in range(16):
                    p64 = par[j]
                    for kblk in range(D // 16):
                        out[8 * q + j // 2, pl.ds((j % 2) * D + kblk * 16, 16)] = (
                            pairs[r0 + j, pl.ds(p64 + kblk * 16, 16)]
                        )
                return carry

            lax.fori_loop(0, C // 16, blk16, 0)

        start_gather(0, 0)
        start_gather(1, 1)

        def chunk(p, carry):
            g0 = 2 * p
            for b in range(2):
                g = g0 + b
                wait_gather(b)

                @pl.when(g >= 2)
                def _():
                    wait_write(b)

                compact(g, b)
                start_write(g, b)

                @pl.when(g + 2 < n_chunks)
                def _():
                    start_gather(g + 2, b)
            return carry

        lax.fori_loop(0, n_chunks // 2, chunk, 0)
        wait_write(0)
        wait_write(1)

    return k


def kernel(index, cluster_index):
    B_rows, F = index.shape
    V, D = cluster_index.shape
    B = B_rows * F
    idx_flat = index.reshape(B)
    table2 = cluster_index.reshape(V // 2, 2 * D)
    out = _make_gather(V // 2, 2 * D, B)(idx_flat, table2)
    return out.reshape(B_rows, F, D)

# --- scband reference (transcript-rebuilt; emitter-appended) ---
"""Pipeline reference for scband-index-eb-18811956756493 (READ-ONLY COPY).

The authoritative reference and input builder live on the scoring server;
editing this copy changes nothing except your own understanding.
"""

import jax, jax.numpy as jnp
import numpy as np

VOCAB = 1000000
EMBED_DIM = 64
BATCH = 16384
N_FIELDS = 26


def setup_inputs(seed: int = 0) -> dict:
    key = jax.random.key(seed)
    k1, k2 = jax.random.split(key)
    index = jax.random.randint(k1, (BATCH, N_FIELDS), 0, VOCAB, dtype=jnp.int32)
    cluster_index = jax.random.normal(k2, (VOCAB, EMBED_DIM), dtype=jnp.float32)
    return {"index": index, "cluster_index": cluster_index}


def reference(index, cluster_index):
    # Faithful translation of IndexEB.forward: self.cluster_index[index]
    return jnp.take(cluster_index, index, axis=0)

if __name__ == "__main__":
    import jax
    _d = setup_inputs()
    print(jax.jit(kernel)(*tuple(_d.values())))

</pallas_src>

<mosaic_0001>
#map = affine_map<(d0, d1) -> (0)>
#map1 = affine_map<(d0, d1) -> (0, 0)>
module attributes {stable_mosaic.version = 14 : i64} {
  func.func @k(%arg0: i32, %arg1: i32, %arg2: memref<425984xi32, #tpu.memory_space<hbm>>, %arg3: memref<500000x128xf32, #tpu.memory_space<hbm>>, %arg4: memref<212992x128xf32, #tpu.memory_space<hbm>>, %arg5: memref<13312xi32, #tpu.memory_space<vmem>>, %arg6: memref<13312xi32, #tpu.memory_space<vmem>>, %arg7: memref<256x128xf32, #tpu.memory_space<vmem>>, %arg8: memref<256x128xf32, #tpu.memory_space<vmem>>, %arg9: memref<128x128xf32, #tpu.memory_space<vmem>>, %arg10: memref<128x128xf32, #tpu.memory_space<vmem>>, %arg11: memref<!tpu.dma_semaphore, #tpu.memory_space<semaphore_mem>>, %arg12: memref<!tpu.dma_semaphore, #tpu.memory_space<semaphore_mem>>, %arg13: memref<!tpu.dma_semaphore, #tpu.memory_space<semaphore_mem>>, %arg14: memref<!tpu.dma_semaphore, #tpu.memory_space<semaphore_mem>>) attributes {dimension_semantics = [#tpu.dimension_semantics<core_parallel>, #tpu.dimension_semantics<subcore_parallel>], iteration_bounds = array<i64: 2, 16>, scalar_prefetch = 0 : i64, scratch_operands = 10 : i64, tpu.core_type = #tpu.core_type<sc_vector_subcore>, window_params = [{transform_indices = #map}, {transform_indices = #map1}, {transform_indices = #map1}]} {
    %mul3A = arith.constant 2 : i32
    %mul3A_0 = arith.muli %arg1, %mul3A : i32
    %add3A = arith.addi %mul3A_0, %arg0 : i32
    %mul3A_1 = arith.constant 13312 : i32
    %mul3A_2 = arith.muli %add3A, %mul3A_1 : i32
    "tpu.region"() ({
      %run_scoped3A = tpu.sem_alloc : memref<!tpu.dma_semaphore, #tpu.memory_space<semaphore_mem>>
      %dma_start3A_71 = tpu.memref_slice %arg2[%mul3A_2] : memref<425984xi32, #tpu.memory_space<hbm>> -> memref<13312xi32, #tpu.memory_space<hbm>>
      %dma_start3A_72 = tpu.memref_slice %arg2[%mul3A_2] : memref<425984xi32, #tpu.memory_space<hbm>> -> memref<13312xi32, #tpu.memory_space<hbm>>
      tpu.enqueue_dma source(%dma_start3A_72 : memref<13312xi32, #tpu.memory_space<hbm>>) target(%arg5 : memref<13312xi32, #tpu.memory_space<vmem>>) target_semaphore(%run_scoped3A : memref<!tpu.dma_semaphore, #tpu.memory_space<semaphore_mem>>)
      %dma_wait3A_73 = tpu.memref_slice %arg2[%mul3A_2] : memref<425984xi32, #tpu.memory_space<hbm>> -> memref<13312xi32, #tpu.memory_space<hbm>>
      %dma_wait3A_74 = tpu.memref_slice %arg2[%mul3A_2] : memref<425984xi32, #tpu.memory_space<hbm>> -> memref<13312xi32, #tpu.memory_space<hbm>>
      tpu.wait_dma2 semaphore(%run_scoped3A : memref<!tpu.dma_semaphore, #tpu.memory_space<semaphore_mem>>) src(%dma_wait3A_74 : memref<13312xi32, #tpu.memory_space<hbm>>) dst(%arg5 : memref<13312xi32, #tpu.memory_space<vmem>>)
      tpu.yield
    }) : () -> ()
    %scan3A = arith.constant 0 : i32
    %scan3A_3 = arith.constant 0 : i32
    %scan3A_4 = arith.constant 832 : i32
    %scan3A_5 = arith.addi %scan3A_3, %scan3A_4 : i32
    %scan3A_6 = arith.constant 1 : i32
    scf.for %scan3A_71 = %scan3A_3 to %scan3A_5 step %scan3A_6  : i32 {
      %mul3A_72 = arith.constant 16 : i32
      %mul3A_73 = arith.muli %scan3A_71, %mul3A_72 : i32
      %get3A = arith.index_cast %mul3A_73 : i32 to index
      %get3A_74 = tpu.vector_load %arg5[%get3A] {strides = array<i32>} : memref<13312xi32, #tpu.memory_space<vmem>>, vector<16xi32>,
      %get3A_75 = vector.shape_cast %get3A_74 : vector<16xi32> to vector<16xi32>
      %shift_right_logical3A = arith.constant 1 : i32
      %shift_right_logical3A_76 = vector.broadcast %shift_right_logical3A : i32 to vector<16xi32>
      %shift_right_logical3A_77 = arith.shrui %get3A_75, %shift_right_logical3A_76 : vector<16xi32>
      %mul3A_78 = arith.constant 16 : i32
      %mul3A_79 = arith.muli %scan3A_71, %mul3A_78 : i32
      %swap3A = arith.index_cast %mul3A_79 : i32 to index
      %swap3A_80 = tpu.vector_load %arg6[%swap3A] {strides = array<i32>} : memref<13312xi32, #tpu.memory_space<vmem>>, vector<16xi32>,
      %swap3A_81 = vector.shape_cast %swap3A_80 : vector<16xi32> to vector<16xi32>
      %swap3A_82 = vector.shape_cast %shift_right_logical3A_77 : vector<16xi32> to vector<16xi32>
      tpu.vector_store %arg6[%swap3A], %swap3A_82 {strides = array<i32>} : memref<13312xi32, #tpu.memory_space<vmem>>, vector<16xi32>,
    }
    %scan3A_7 = arith.constant 832 : i32
    %dma_start3A = arith.constant 0 : i32
    %dma_start3A_8 = tpu.memref_slice %arg6[%dma_start3A] : memref<13312xi32, #tpu.memory_space<vmem>> -> memref<256xi32, #tpu.memory_space<vmem>>
    %dma_start3A_9 = arith.constant 0 : i32
    %dma_start3A_10 = arith.constant 0 : i32
    %dma_start3A_11 = tpu.memref_slice %arg3[%dma_start3A_9, %dma_start3A_10] : memref<500000x128xf32, #tpu.memory_space<hbm>> -> memref<500000x128xf32, #tpu.memory_space<hbm>>
    tpu.enqueue_indirect_dma source(%dma_start3A_11 : memref<500000x128xf32, #tpu.memory_space<hbm>>) target(%arg7 : memref<256x128xf32, #tpu.memory_space<vmem>>) offsets(%dma_start3A_8 : memref<256xi32, #tpu.memory_space<vmem>>) semaphore(%arg11 : memref<!tpu.dma_semaphore, #tpu.memory_space<semaphore_mem>>)
    %dma_start3A_12 = arith.constant 256 : i32
    %dma_start3A_13 = tpu.memref_slice %arg6[%dma_start3A_12] : memref<13312xi32, #tpu.memory_space<vmem>> -> memref<256xi32, #tpu.memory_space<vmem>>
    %dma_start3A_14 = arith.constant 0 : i32
    %dma_start3A_15 = arith.constant 0 : i32
    %dma_start3A_16 = tpu.memref_slice %arg3[%dma_start3A_14, %dma_start3A_15] : memref<500000x128xf32, #tpu.memory_space<hbm>> -> memref<500000x128xf32, #tpu.memory_space<hbm>>
    tpu.enqueue_indirect_dma source(%dma_start3A_16 : memref<500000x128xf32, #tpu.memory_space<hbm>>) target(%arg8 : memref<256x128xf32, #tpu.memory_space<vmem>>) offsets(%dma_start3A_13 : memref<256xi32, #tpu.memory_space<vmem>>) semaphore(%arg12 : memref<!tpu.dma_semaphore, #tpu.memory_space<semaphore_mem>>)
    %scan3A_17 = arith.constant 0 : i32
    %scan3A_18 = arith.constant 0 : i32
    %scan3A_19 = arith.constant 26 : i32
    %scan3A_20 = arith.addi %scan3A_18, %scan3A_19 : i32
    %scan3A_21 = arith.constant 1 : i32
    scf.for %scan3A_71 = %scan3A_18 to %scan3A_20 step %scan3A_21  : i32 {
      %mul3A_72 = arith.constant 2 : i32
      %mul3A_73 = arith.muli %mul3A_72, %scan3A_71 : i32
      %add3A_74 = arith.constant 0 : i32
      %add3A_75 = arith.addi %mul3A_73, %add3A_74 : i32
      %dma_wait3A_76 = arith.constant 0 : i32
      %dma_wait3A_77 = tpu.memref_slice %arg6[%dma_wait3A_76] : memref<13312xi32, #tpu.memory_space<vmem>> -> memref<256xi32, #tpu.memory_space<vmem>>
      %dma_wait3A_78 = arith.constant 0 : i32
      %dma_wait3A_79 = arith.constant 0 : i32
      %dma_wait3A_80 = tpu.memref_slice %arg3[%dma_wait3A_78, %dma_wait3A_79] : memref<500000x128xf32, #tpu.memory_space<hbm>> -> memref<500000x128xf32, #tpu.memory_space<hbm>>
      tpu.wait_indirect_dma semaphore(%arg11 : memref<!tpu.dma_semaphore, #tpu.memory_space<semaphore_mem>>) src(%dma_wait3A_80 : memref<500000x128xf32, #tpu.memory_space<hbm>>) dst(%arg7 : memref<256x128xf32, #tpu.memory_space<vmem>>)
      %ge3A = arith.constant 2 : i32
      %ge3A_81 = arith.cmpi sge, %add3A_75, %ge3A : i32
      %convert_element_type3A = arith.extui %ge3A_81 : i1 to i32
      %cond3A = arith.constant 0 : i32
      %cond3A_82 = arith.cmpi ne, %convert_element_type3A, %cond3A : i32
      scf.if %cond3A_82 {
        %jit3A_184 = arith.constant 2 : i32
        %div3A_185 = arith.divsi %mul3A_2, %jit3A_184 : i32
        %sign3A_186 = arith.constant 0 : i32
        %sign3A_187 = arith.cmpi sgt, %mul3A_2, %sign3A_186 : i32
        %sign3A_188 = arith.extui %sign3A_187 : i1 to i32
        %sign3A_189 = arith.constant 0 : i32
        %sign3A_190 = arith.cmpi slt, %mul3A_2, %sign3A_189 : i32
        %sign3A_191 = arith.extui %sign3A_190 : i1 to i32
        %sign3A_192 = arith.subi %sign3A_188, %sign3A_191 : i32
        %sign3A_193 = arith.constant 0 : i32
        %sign3A_194 = arith.cmpi sgt, %jit3A_184, %sign3A_193 : i32
        %sign3A_195 = arith.extui %sign3A_194 : i1 to i32
        %sign3A_196 = arith.constant 0 : i32
        %sign3A_197 = arith.cmpi slt, %jit3A_184, %sign3A_196 : i32
        %sign3A_198 = arith.extui %sign3A_197 : i1 to i32
        %sign3A_199 = arith.subi %sign3A_195, %sign3A_198 : i32
        %ne3A_200 = arith.cmpi ne, %sign3A_192, %sign3A_199 : i32
        %rem3A_201 = arith.remsi %mul3A_2, %jit3A_184 : i32
        %ne3A_202 = arith.constant 0 : i32
        %ne3A_203 = arith.cmpi ne, %rem3A_201, %ne3A_202 : i32
        %and3A_204 = arith.andi %ne3A_200, %ne3A_203 : i1
        %sub3A_205 = arith.constant 1 : i32
        %sub3A_206 = arith.subi %div3A_185, %sub3A_205 : i32
        %select_n3A_207 = arith.select %and3A_204, %sub3A_206, %div3A_185 : i32
        %multiple_of3A_208 = tpu.assume_multiple %select_n3A_207, 8 : i32
        %dma_wait3A_209 = arith.constant 0 : i32
        %dma_wait3A_210 = tpu.memref_slice %arg4[%multiple_of3A_208, %dma_wait3A_209] : memref<212992x128xf32, #tpu.memory_space<hbm>> -> memref<128x128xf32, #tpu.memory_space<hbm>>
        %dma_wait3A_211 = arith.constant 0 : i32
        %dma_wait3A_212 = tpu.memref_slice %arg4[%multiple_of3A_208, %dma_wait3A_211] : memref<212992x128xf32, #tpu.memory_space<hbm>> -> memref<128x128xf32, #tpu.memory_space<hbm>>
        tpu.wait_dma2 semaphore(%arg13 : memref<!tpu.dma_semaphore, #tpu.memory_space<semaphore_mem>>) src(%arg9 : memref<128x128xf32, #tpu.memory_space<vmem>>) dst(%dma_wait3A_212 : memref<128x128xf32, #tpu.memory_space<hbm>>)
      } else {
      }
      %scan3A_83 = arith.constant 0 : i32
      %scan3A_84 = arith.constant 0 : i32
      %scan3A_85 = arith.constant 16 : i32
      %scan3A_86 = arith.addi %scan3A_84, %scan3A_85 : i32
      %scan3A_87 = arith.constant 1 : i32
      scf.for %scan3A_184 = %scan3A_84 to %scan3A_86 step %scan3A_87  : i32 {
        %mul3A_185 = arith.constant 16 : i32
        %mul3A_186 = arith.muli %mul3A_185, %scan3A_184 : i32
        %mul3A_187 = arith.constant 256 : i32
        %mul3A_188 = arith.muli %add3A_75, %mul3A_187 : i32
        %add3A_189 = arith.addi %mul3A_188, %mul3A_186 : i32
        %get3A = arith.index_cast %add3A_189 : i32 to index
        %get3A_190 = tpu.vector_load %arg5[%get3A] {strides = array<i32>} : memref<13312xi32, #tpu.memory_space<vmem>>, vector<16xi32>,
        %get3A_191 = vector.shape_cast %get3A_190 : vector<16xi32> to vector<16xi32>
        %and3A_192 = arith.constant 1 : i32
        %and3A_193 = vector.broadcast %and3A_192 : i32 to vector<16xi32>
        %and3A_194 = arith.andi %get3A_191, %and3A_193 : vector<16xi32>
        %mul3A_195 = arith.constant 64 : i32
        %mul3A_196 = vector.broadcast %mul3A_195 : i32 to vector<16xi32>
        %mul3A_197 = arith.muli %and3A_194, %mul3A_196 : vector<16xi32>
        %slice3A = vector.extract_strided_slice %mul3A_197 {offsets = [0], sizes = [1], strides = [1]} : vector<16xi32> to vector<1xi32>
        %squeeze3A = vector.extract %slice3A[0] : i32 from vector<1xi32>
        %add3A_198 = arith.constant 0 : i32
        %add3A_199 = arith.addi %mul3A_186, %add3A_198 : i32
        %add3A_200 = arith.constant 0 : i32
        %add3A_201 = arith.addi %squeeze3A, %add3A_200 : i32
        %get3A_202 = arith.index_cast %add3A_199 : i32 to index
        %get3A_203 = arith.index_cast %add3A_201 : i32 to index
        %get3A_204 = tpu.vector_load %arg7[%get3A_202, %get3A_203] {strides = array<i32>} : memref<256x128xf32, #tpu.memory_space<vmem>>, vector<1x16xf32>,
        %get3A_205 = vector.shape_cast %get3A_204 : vector<1x16xf32> to vector<16xf32>
        %mul3A_206 = arith.constant 8 : i32
        %mul3A_207 = arith.muli %mul3A_206, %scan3A_184 : i32
        %add3A_208 = arith.constant 0 : i32
        %add3A_209 = arith.addi %mul3A_207, %add3A_208 : i32
        %swap3A = arith.index_cast %add3A_209 : i32 to index
        %swap3A_210 = arith.constant 0 : index
        %swap3A_211 = tpu.vector_load %arg9[%swap3A, %swap3A_210] {strides = array<i32>} : memref<128x128xf32, #tpu.memory_space<vmem>>, vector<1x16xf32>,
        %swap3A_212 = vector.shape_cast %swap3A_211 : vector<1x16xf32> to vector<16xf32>
        %swap3A_213 = vector.shape_cast %get3A_205 : vector<16xf32> to vector<1x16xf32>
        tpu.vector_store %arg9[%swap3A, %swap3A_210], %swap3A_213 {strides = array<i32>} : memref<128x128xf32, #tpu.memory_space<vmem>>, vector<1x16xf32>,
        %add3A_214 = arith.constant 0 : i32
        %add3A_215 = arith.addi %mul3A_186, %add3A_214 : i32
        %add3A_216 = arith.constant 16 : i32
        %add3A_217 = arith.addi %squeeze3A, %add3A_216 : i32
        %get3A_218 = arith.index_cast %add3A_215 : i32 to index
        %get3A_219 = arith.index_cast %add3A_217 : i32 to index
        %get3A_220 = tpu.vector_load %arg7[%get3A_218, %get3A_219] {strides = array<i32>} : memref<256x128xf32, #tpu.memory_space<vmem>>, vector<1x16xf32>,
        %get3A_221 = vector.shape_cast %get3A_220 : vector<1x16xf32> to vector<16xf32>
        %mul3A_222 = arith.constant 8 : i32
        %mul3A_223 = arith.muli %mul3A_222, %scan3A_184 : i32
        %add3A_224 = arith.constant 0 : i32
        %add3A_225 = arith.addi %mul3A_223, %add3A_224 : i32
        %swap3A_226 = arith.index_cast %add3A_225 : i32 to index
        %swap3A_227 = arith.constant 16 : index
        %swap3A_228 = tpu.vector_load %arg9[%swap3A_226, %swap3A_227] {strides = array<i32>} : memref<128x128xf32, #tpu.memory_space<vmem>>, vector<1x16xf32>,
        %swap3A_229 = vector.shape_cast %swap3A_228 : vector<1x16xf32> to vector<16xf32>
        %swap3A_230 = vector.shape_cast %get3A_221 : vector<16xf32> to vector<1x16xf32>
        tpu.vector_store %arg9[%swap3A_226, %swap3A_227], %swap3A_230 {strides = array<i32>} : memref<128x128xf32, #tpu.memory_space<vmem>>, vector<1x16xf32>,
        %add3A_231 = arith.constant 0 : i32
        %add3A_232 = arith.addi %mul3A_186, %add3A_231 : i32
        %add3A_233 = arith.constant 32 : i32
        %add3A_234 = arith.addi %squeeze3A, %add3A_233 : i32
        %get3A_235 = arith.index_cast %add3A_232 : i32 to index
        %get3A_236 = arith.index_cast %add3A_234 : i32 to index
        %get3A_237 = tpu.vector_load %arg7[%get3A_235, %get3A_236] {strides = array<i32>} : memref<256x128xf32, #tpu.memory_space<vmem>>, vector<1x16xf32>,
        %get3A_238 = vector.shape_cast %get3A_237 : vector<1x16xf32> to vector<16xf32>
        %mul3A_239 = arith.constant 8 : i32
        %mul3A_240 = arith.muli %mul3A_239, %scan3A_184 : i32
        %add3A_241 = arith.constant 0 : i32
        %add3A_242 = arith.addi %mul3A_240, %add3A_241 : i32
        %swap3A_243 = arith.index_cast %add3A_242 : i32 to index
        %swap3A_244 = arith.constant 32 : index
        %swap3A_245 = tpu.vector_load %arg9[%swap3A_243, %swap3A_244] {strides = array<i32>} : memref<128x128xf32, #tpu.memory_space<vmem>>, vector<1x16xf32>,
        %swap3A_246 = vector.shape_cast %swap3A_245 : vector<1x16xf32> to vector<16xf32>
        %swap3A_247 = vector.shape_cast %get3A_238 : vector<16xf32> to vector<1x16xf32>
        tpu.vector_store %arg9[%swap3A_243, %swap3A_244], %swap3A_247 {strides = array<i32>} : memref<128x128xf32, #tpu.memory_space<vmem>>, vector<1x16xf32>,
        %add3A_248 = arith.constant 0 : i32
        %add3A_249 = arith.addi %mul3A_186, %add3A_248 : i32
        %add3A_250 = arith.constant 48 : i32
        %add3A_251 = arith.addi %squeeze3A, %add3A_250 : i32
        %get3A_252 = arith.index_cast %add3A_249 : i32 to index
        %get3A_253 = arith.index_cast %add3A_251 : i32 to index
        %get3A_254 = tpu.vector_load %arg7[%get3A_252, %get3A_253] {strides = array<i32>} : memref<256x128xf32, #tpu.memory_space<vmem>>, vector<1x16xf32>,
        %get3A_255 = vector.shape_cast %get3A_254 : vector<1x16xf32> to vector<16xf32>
        %mul3A_256 = arith.constant 8 : i32
        %mul3A_257 = arith.muli %mul3A_256, %scan3A_184 : i32
        %add3A_258 = arith.constant 0 : i32
        %add3A_259 = arith.addi %mul3A_257, %add3A_258 : i32
        %swap3A_260 = arith.index_cast %add3A_259 : i32 to index
        %swap3A_261 = arith.constant 48 : index
        %swap3A_262 = tpu.vector_load %arg9[%swap3A_260, %swap3A_261] {strides = array<i32>} : memref<128x128xf32, #tpu.memory_space<vmem>>, vector<1x16xf32>,
        %swap3A_263 = vector.shape_cast %swap3A_262 : vector<1x16xf32> to vector<16xf32>
        %swap3A_264 = vector.shape_cast %get3A_255 : vector<16xf32> to vector<1x16xf32>
        tpu.vector_store %arg9[%swap3A_260, %swap3A_261], %swap3A_264 {strides = array<i32>} : memref<128x128xf32, #tpu.memory_space<vmem>>, vector<1x16xf32>,
        %slice3A_265 = vector.extract_strided_slice %mul3A_197 {offsets = [1], sizes = [1], strides = [1]} : vector<16xi32> to vector<1xi32>
        %squeeze3A_266 = vector.extract %slice3A_265[0] : i32 from vector<1xi32>
        %add3A_267 = arith.constant 1 : i32
        %add3A_268 = arith.addi %mul3A_186, %add3A_267 : i32
        %add3A_269 = arith.constant 0 : i32
        %add3A_270 = arith.addi %squeeze3A_266, %add3A_269 : i32
        %get3A_271 = arith.index_cast %add3A_268 : i32 to index
        %get3A_272 = arith.index_cast %add3A_270 : i32 to index
        %get3A_273 = tpu.vector_load %arg7[%get3A_271, %get3A_272] {strides = array<i32>} : memref<256x128xf32, #tpu.memory_space<vmem>>, vector<1x16xf32>,
        %get3A_274 = vector.shape_cast %get3A_273 : vector<1x16xf32> to vector<16xf32>
        %mul3A_275 = arith.constant 8 : i32
        %mul3A_276 = arith.muli %mul3A_275, %scan3A_184 : i32
        %add3A_277 = arith.constant 0 : i32
        %add3A_278 = arith.addi %mul3A_276, %add3A_277 : i32
        %swap3A_279 = arith.index_cast %add3A_278 : i32 to index
        %swap3A_280 = arith.constant 64 : index
        %swap3A_281 = tpu.vector_load %arg9[%swap3A_279, %swap3A_280] {strides = array<i32>} : memref<128x128xf32, #tpu.memory_space<vmem>>, vector<1x16xf32>,
        %swap3A_282 = vector.shape_cast %swap3A_281 : vector<1x16xf32> to vector<16xf32>
        %swap3A_283 = vector.shape_cast %get3A_274 : vector<16xf32> to vector<1x16xf32>
        tpu.vector_store %arg9[%swap3A_279, %swap3A_280], %swap3A_283 {strides = array<i32>} : memref<128x128xf32, #tpu.memory_space<vmem>>, vector<1x16xf32>,
        %add3A_284 = arith.constant 1 : i32
        %add3A_285 = arith.addi %mul3A_186, %add3A_284 : i32
        %add3A_286 = arith.constant 16 : i32
        %add3A_287 = arith.addi %squeeze3A_266, %add3A_286 : i32
        %get3A_288 = arith.index_cast %add3A_285 : i32 to index
        %get3A_289 = arith.index_cast %add3A_287 : i32 to index
        %get3A_290 = tpu.vector_load %arg7[%get3A_288, %get3A_289] {strides = array<i32>} : memref<256x128xf32, #tpu.memory_space<vmem>>, vector<1x16xf32>,
        %get3A_291 = vector.shape_cast %get3A_290 : vector<1x16xf32> to vector<16xf32>
        %mul3A_292 = arith.constant 8 : i32
        %mul3A_293 = arith.muli %mul3A_292, %scan3A_184 : i32
        %add3A_294 = arith.constant 0 : i32
        %add3A_295 = arith.addi %mul3A_293, %add3A_294 : i32
        %swap3A_296 = arith.index_cast %add3A_295 : i32 to index
        %swap3A_297 = arith.constant 80 : index
        %swap3A_298 = tpu.vector_load %arg9[%swap3A_296, %swap3A_297] {strides = array<i32>} : memref<128x128xf32, #tpu.memory_space<vmem>>, vector<1x16xf32>,
        %swap3A_299 = vector.shape_cast %swap3A_298 : vector<1x16xf32> to vector<16xf32>
        %swap3A_300 = vector.shape_cast %get3A_291 : vector<16xf32> to vector<1x16xf32>
        tpu.vector_store %arg9[%swap3A_296, %swap3A_297], %swap3A_300 {strides = array<i32>} : memref<128x128xf32, #tpu.memory_space<vmem>>, vector<1x16xf32>,
        %add3A_301 = arith.constant 1 : i32
        %add3A_302 = arith.addi %mul3A_186, %add3A_301 : i32
        %add3A_303 = arith.constant 32 : i32
        %add3A_304 = arith.addi %squeeze3A_266, %add3A_303 : i32
        %get3A_305 = arith.index_cast %add3A_302 : i32 to index
        %get3A_306 = arith.index_cast %add3A_304 : i32 to index
        %get3A_307 = tpu.vector_load %arg7[%get3A_305, %get3A_306] {strides = array<i32>} : memref<256x128xf32, #tpu.memory_space<vmem>>, vector<1x16xf32>,
        %get3A_308 = vector.shape_cast %get3A_307 : vector<1x16xf32> to vector<16xf32>
        %mul3A_309 = arith.constant 8 : i32
        %mul3A_310 = arith.muli %mul3A_309, %scan3A_184 : i32
        %add3A_311 = arith.constant 0 : i32
        %add3A_312 = arith.addi %mul3A_310, %add3A_311 : i32
        %swap3A_313 = arith.index_cast %add3A_312 : i32 to index
        %swap3A_314 = arith.constant 96 : index
        %swap3A_315 = tpu.vector_load %arg9[%swap3A_313, %swap3A_314] {strides = array<i32>} : memref<128x128xf32, #tpu.memory_space<vmem>>, vector<1x16xf32>,
        %swap3A_316 = vector.shape_cast %swap3A_315 : vector<1x16xf32> to vector<16xf32>
        %swap3A_317 = vector.shape_cast %get3A_308 : vector<16xf32> to vector<1x16xf32>
        tpu.vector_store %arg9[%swap3A_313, %swap3A_314], %swap3A_317 {strides = array<i32>} : memref<128x128xf32, #tpu.memory_space<vmem>>, vector<1x16xf32>,
        %add3A_318 = arith.constant 1 : i32
        %add3A_319 = arith.addi %mul3A_186, %add3A_318 : i32
        %add3A_320 = arith.constant 48 : i32
        %add3A_321 = arith.addi %squeeze3A_266, %add3A_320 : i32
        %get3A_322 = arith.index_cast %add3A_319 : i32 to index
        %get3A_323 = arith.index_cast %add3A_321 : i32 to index
        %get3A_324 = tpu.vector_load %arg7[%get3A_322, %get3A_323] {strides = array<i32>} : memref<256x128xf32, #tpu.memory_space<vmem>>, vector<1x16xf32>,
        %get3A_325 = vector.shape_cast %get3A_324 : vector<1x16xf32> to vector<16xf32>
        %mul3A_326 = arith.constant 8 : i32
        %mul3A_327 = arith.muli %mul3A_326, %scan3A_184 : i32
        %add3A_328 = arith.constant 0 : i32
        %add3A_329 = arith.addi %mul3A_327, %add3A_328 : i32
        %swap3A_330 = arith.index_cast %add3A_329 : i32 to index
        %swap3A_331 = arith.constant 112 : index
        %swap3A_332 = tpu.vector_load %arg9[%swap3A_330, %swap3A_331] {strides = array<i32>} : memref<128x128xf32, #tpu.memory_space<vmem>>, vector<1x16xf32>,
        %swap3A_333 = vector.shape_cast %swap3A_332 : vector<1x16xf32> to vector<16xf32>
        %swap3A_334 = vector.shape_cast %get3A_325 : vector<16xf32> to vector<1x16xf32>
        tpu.vector_store %arg9[%swap3A_330, %swap3A_331], %swap3A_334 {strides = array<i32>} : memref<128x128xf32, #tpu.memory_space<vmem>>, vector<1x16xf32>,
        %slice3A_335 = vector.extract_strided_slice %mul3A_197 {offsets = [2], sizes = [1], strides = [1]} : vector<16xi32> to vector<1xi32>
        %squeeze3A_336 = vector.extract %slice3A_335[0] : i32 from vector<1xi32>
        %add3A_337 = arith.constant 2 : i32
        %add3A_338 = arith.addi %mul3A_186, %add3A_337 : i32
        %add3A_339 = arith.constant 0 : i32
        %add3A_340 = arith.addi %squeeze3A_336, %add3A_339 : i32
        %get3A_341 = arith.index_cast %add3A_338 : i32 to index
        %get3A_342 = arith.index_cast %add3A_340 : i32 to index
        %get3A_343 = tpu.vector_load %arg7[%get3A_341, %get3A_342] {strides = array<i32>} : memref<256x128xf32, #tpu.memory_space<vmem>>, vector<1x16xf32>,
        %get3A_344 = vector.shape_cast %get3A_343 : vector<1x16xf32> to vector<16xf32>
        %mul3A_345 = arith.constant 8 : i32
        %mul3A_346 = arith.muli %mul3A_345, %scan3A_184 : i32
        %add3A_347 = arith.constant 1 : i32
        %add3A_348 = arith.addi %mul3A_346, %add3A_347 : i32
        %swap3A_349 = arith.index_cast %add3A_348 : i32 to index
        %swap3A_350 = arith.constant 0 : index
        %swap3A_351 = tpu.vector_load %arg9[%swap3A_349, %swap3A_350] {strides = array<i32>} : memref<128x128xf32, #tpu.memory_space<vmem>>, vector<1x16xf32>,
        %swap3A_352 = vector.shape_cast %swap3A_351 : vector<1x16xf32> to vector<16xf32>
        %swap3A_353 = vector.shape_cast %get3A_344 : vector<16xf32> to vector<1x16xf32>
        tpu.vector_store %arg9[%swap3A_349, %swap3A_350], %swap3A_353 {strides = array<i32>} : memref<128x128xf32, #tpu.memory_space<vmem>>, vector<1x16xf32>,
        %add3A_354 = arith.constant 2 : i32
        %add3A_355 = arith.addi %mul3A_186, %add3A_354 : i32
        %add3A_356 = arith.constant 16 : i32
        %add3A_357 = arith.addi %squeeze3A_336, %add3A_356 : i32
        %get3A_358 = arith.index_cast %add3A_355 : i32 to index
        %get3A_359 = arith.index_cast %add3A_357 : i32 to index
        %get3A_360 = tpu.vector_load %arg7[%get3A_358, %get3A_359] {strides = array<i32>} : memref<256x128xf32, #tpu.memory_space<vmem>>, vector<1x16xf32>,
        %get3A_361 = vector.shape_cast %get3A_360 : vector<1x16xf32> to vector<16xf32>
        %mul3A_362 = arith.constant 8 : i32
        %mul3A_363 = arith.muli %mul3A_362, %scan3A_184 : i32
        %add3A_364 = arith.constant 1 : i32
        %add3A_365 = arith.addi %mul3A_363, %add3A_364 : i32
        %swap3A_366 = arith.index_cast %add3A_365 : i32 to index
        %swap3A_367 = arith.constant 16 : index
        %swap3A_368 = tpu.vector_load %arg9[%swap3A_366, %swap3A_367] {strides = array<i32>} : memref<128x128xf32, #tpu.memory_space<vmem>>, vector<1x16xf32>,
        %swap3A_369 = vector.shape_cast %swap3A_368 : vector<1x16xf32> to vector<16xf32>
        %swap3A_370 = vector.shape_cast %get3A_361 : vector<16xf32> to vector<1x16xf32>
        tpu.vector_store %arg9[%swap3A_366, %swap3A_367], %swap3A_370 {strides = array<i32>} : memref<128x128xf32, #tpu.memory_space<vmem>>, vector<1x16xf32>,
        %add3A_371 = arith.constant 2 : i32
        %add3A_372 = arith.addi %mul3A_186, %add3A_371 : i32
        %add3A_373 = arith.constant 32 : i32
        %add3A_374 = arith.addi %squeeze3A_336, %add3A_373 : i32
        %get3A_375 = arith.index_cast %add3A_372 : i32 to index
        %get3A_376 = arith.index_cast %add3A_374 : i32 to index
        %get3A_377 = tpu.vector_load %arg7[%get3A_375, %get3A_376] {strides = array<i32>} : memref<256x128xf32, #tpu.memory_space<vmem>>, vector<1x16xf32>,
        %get3A_378 = vector.shape_cast %get3A_377 : vector<1x16xf32> to vector<16xf32>
        %mul3A_379 = arith.constant 8 : i32
        %mul3A_380 = arith.muli %mul3A_379, %scan3A_184 : i32
        %add3A_381 = arith.constant 1 : i32
        %add3A_382 = arith.addi %mul3A_380, %add3A_381 : i32
        %swap3A_383 = arith.index_cast %add3A_382 : i32 to index
        %swap3A_384 = arith.constant 32 : index
        %swap3A_385 = tpu.vector_load %arg9[%swap3A_383, %swap3A_384] {strides = array<i32>} : memref<128x128xf32, #tpu.memory_space<vmem>>, vector<1x16xf32>,
        %swap3A_386 = vector.shape_cast %swap3A_385 : vector<1x16xf32> to vector<16xf32>
        %swap3A_387 = vector.shape_cast %get3A_378 : vector<16xf32> to vector<1x16xf32>
        tpu.vector_store %arg9[%swap3A_383, %swap3A_384], %swap3A_387 {strides = array<i32>} : memref<128x128xf32, #tpu.memory_space<vmem>>, vector<1x16xf32>,
        %add3A_388 = arith.constant 2 : i32
        %add3A_389 = arith.addi %mul3A_186, %add3A_388 : i32
        %add3A_390 = arith.constant 48 : i32
        %add3A_391 = arith.addi %squeeze3A_336, %add3A_390 : i32
        %get3A_392 = arith.index_cast %add3A_389 : i32 to index
        %get3A_393 = arith.index_cast %add3A_391 : i32 to index
        %get3A_394 = tpu.vector_load %arg7[%get3A_392, %get3A_393] {strides = array<i32>} : memref<256x128xf32, #tpu.memory_space<vmem>>, vector<1x16xf32>,
        %get3A_395 = vector.shape_cast %get3A_394 : vector<1x16xf32> to vector<16xf32>
        %mul3A_396 = arith.constant 8 : i32
        %mul3A_397 = arith.muli %mul3A_396, %scan3A_184 : i32
        %add3A_398 = arith.constant 1 : i32
        %add3A_399 = arith.addi %mul3A_397, %add3A_398 : i32
        %swap3A_400 = arith.index_cast %add3A_399 : i32 to index
        %swap3A_401 = arith.constant 48 : index
        %swap3A_402 = tpu.vector_load %arg9[%swap3A_400, %swap3A_401] {strides = array<i32>} : memref<128x128xf32, #tpu.memory_space<vmem>>, vector<1x16xf32>,
        %swap3A_403 = vector.shape_cast %swap3A_402 : vector<1x16xf32> to vector<16xf32>
        %swap3A_404 = vector.shape_cast %get3A_395 : vector<16xf32> to vector<1x16xf32>
        tpu.vector_store %arg9[%swap3A_400, %swap3A_401], %swap3A_404 {strides = array<i32>} : memref<128x128xf32, #tpu.memory_space<vmem>>, vector<1x16xf32>,
        %slice3A_405 = vector.extract_strided_slice %mul3A_197 {offsets = [3], sizes = [1], strides = [1]} : vector<16xi32> to vector<1xi32>
        %squeeze3A_406 = vector.extract %slice3A_405[0] : i32 from vector<1xi32>
        %add3A_407 = arith.constant 3 : i32
        %add3A_408 = arith.addi %mul3A_186, %add3A_407 : i32
        %add3A_409 = arith.constant 0 : i32
        %add3A_410 = arith.addi %squeeze3A_406, %add3A_409 : i32
        %get3A_411 = arith.index_cast %add3A_408 : i32 to index
        %get3A_412 = arith.index_cast %add3A_410 : i32 to index
        %get3A_413 = tpu.vector_load %arg7[%get3A_411, %get3A_412] {strides = array<i32>} : memref<256x128xf32, #tpu.memory_space<vmem>>, vector<1x16xf32>,
        %get3A_414 = vector.shape_cast %get3A_413 : vector<1x16xf32> to vector<16xf32>
        %mul3A_415 = arith.constant 8 : i32
        %mul3A_416 = arith.muli %mul3A_415, %scan3A_184 : i32
        %add3A_417 = arith.constant 1 : i32
        %add3A_418 = arith.addi %mul3A_416, %add3A_417 : i32
        %swap3A_419 = arith.index_cast %add3A_418 : i32 to index
        %swap3A_420 = arith.constant 64 : index
        %swap3A_421 = tpu.vector_load %arg9[%swap3A_419, %swap3A_420] {strides = array<i32>} : memref<128x128xf32, #tpu.memory_space<vmem>>, vector<1x16xf32>,
        %swap3A_422 = vector.shape_cast %swap3A_421 : vector<1x16xf32> to vector<16xf32>
        %swap3A_423 = vector.shape_cast %get3A_414 : vector<16xf32> to vector<1x16xf32>
        tpu.vector_store %arg9[%swap3A_419, %swap3A_420], %swap3A_423 {strides = array<i32>} : memref<128x128xf32, #tpu.memory_space<vmem>>, vector<1x16xf32>,
        %add3A_424 = arith.constant 3 : i32
        %add3A_425 = arith.addi %mul3A_186, %add3A_424 : i32
        %add3A_426 = arith.constant 16 : i32
        %add3A_427 = arith.addi %squeeze3A_406, %add3A_426 : i32
        %get3A_428 = arith.index_cast %add3A_425 : i32 to index
        %get3A_429 = arith.index_cast %add3A_427 : i32 to index
        %get3A_430 = tpu.vector_load %arg7[%get3A_428, %get3A_429] {strides = array<i32>} : memref<256x128xf32, #tpu.memory_space<vmem>>, vector<1x16xf32>,
        %get3A_431 = vector.shape_cast %get3A_430 : vector<1x16xf32> to vector<16xf32>
        %mul3A_432 = arith.constant 8 : i32
        %mul3A_433 = arith.muli %mul3A_432, %scan3A_184 : i32
        %add3A_434 = arith.constant 1 : i32
        %add3A_435 = arith.addi %mul3A_433, %add3A_434 : i32
        %swap3A_436 = arith.index_cast %add3A_435 : i32 to index
        %swap3A_437 = arith.constant 80 : index
        %swap3A_438 = tpu.vector_load %arg9[%swap3A_436, %swap3A_437] {strides = array<i32>} : memref<128x128xf32, #tpu.memory_space<vmem>>, vector<1x16xf32>,
        %swap3A_439 = vector.shape_cast %swap3A_438 : vector<1x16xf32> to vector<16xf32>
        %swap3A_440 = vector.shape_cast %get3A_431 : vector<16xf32> to vector<1x16xf32>
        tpu.vector_store %arg9[%swap3A_436, %swap3A_437], %swap3A_440 {strides = array<i32>} : memref<128x128xf32, #tpu.memory_space<vmem>>, vector<1x16xf32>,
        %add3A_441 = arith.constant 3 : i32
        %add3A_442 = arith.addi %mul3A_186, %add3A_441 : i32
        %add3A_443 = arith.constant 32 : i32
        %add3A_444 = arith.addi %squeeze3A_406, %add3A_443 : i32
        %get3A_445 = arith.index_cast %add3A_442 : i32 to index
        %get3A_446 = arith.index_cast %add3A_444 : i32 to index
        %get3A_447 = tpu.vector_load %arg7[%get3A_445, %get3A_446] {strides = array<i32>} : memref<256x128xf32, #tpu.memory_space<vmem>>, vector<1x16xf32>,
        %get3A_448 = vector.shape_cast %get3A_447 : vector<1x16xf32> to vector<16xf32>
        %mul3A_449 = arith.constant 8 : i32
        %mul3A_450 = arith.muli %mul3A_449, %scan3A_184 : i32
        %add3A_451 = arith.constant 1 : i32
        %add3A_452 = arith.addi %mul3A_450, %add3A_451 : i32
        %swap3A_453 = arith.index_cast %add3A_452 : i32 to index
        %swap3A_454 = arith.constant 96 : index
        %swap3A_455 = tpu.vector_load %arg9[%swap3A_453, %swap3A_454] {strides = array<i32>} : memref<128x128xf32, #tpu.memory_space<vmem>>, vector<1x16xf32>,
        %swap3A_456 = vector.shape_cast %swap3A_455 : vector<1x16xf32> to vector<16xf32>
        %swap3A_457 = vector.shape_cast %get3A_448 : vector<16xf32> to vector<1x16xf32>
        tpu.vector_store %arg9[%swap3A_453, %swap3A_454], %swap3A_457 {strides = array<i32>} : memref<128x128xf32, #tpu.memory_space<vmem>>, vector<1x16xf32>,
        %add3A_458 = arith.constant 3 : i32
        %add3A_459 = arith.addi %mul3A_186, %add3A_458 : i32
        %add3A_460 = arith.constant 48 : i32
        %add3A_461 = arith.addi %squeeze3A_406, %add3A_460 : i32
        %get3A_462 = arith.index_cast %add3A_459 : i32 to index
        %get3A_463 = arith.index_cast %add3A_461 : i32 to index
        %get3A_464 = tpu.vector_load %arg7[%get3A_462, %get3A_463] {strides = array<i32>} : memref<256x128xf32, #tpu.memory_space<vmem>>, vector<1x16xf32>,
        %get3A_465 = vector.shape_cast %get3A_464 : vector<1x16xf32> to vector<16xf32>
        %mul3A_466 = arith.constant 8 : i32
        %mul3A_467 = arith.muli %mul3A_466, %scan3A_184 : i32
        %add3A_468 = arith.constant 1 : i32
        %add3A_469 = arith.addi %mul3A_467, %add3A_468 : i32
        %swap3A_470 = arith.index_cast %add3A_469 : i32 to index
        %swap3A_471 = arith.constant 112 : index
        %swap3A_472 = tpu.vector_load %arg9[%swap3A_470, %swap3A_471] {strides = array<i32>} : memref<128x128xf32, #tpu.memory_space<vmem>>, vector<1x16xf32>,
        %swap3A_473 = vector.shape_cast %swap3A_472 : vector<1x16xf32> to vector<16xf32>
        %swap3A_474 = vector.shape_cast %get3A_465 : vector<16xf32> to vector<1x16xf32>
        tpu.vector_store %arg9[%swap3A_470, %swap3A_471], %swap3A_474 {strides = array<i32>} : memref<128x128xf32, #tpu.memory_space<vmem>>, vector<1x16xf32>,
        %slice3A_475 = vector.extract_strided_slice %mul3A_197 {offsets = [4], sizes = [1], strides = [1]} : vector<16xi32> to vector<1xi32>
        %squeeze3A_476 = vector.extract %slice3A_475[0] : i32 from vector<1xi32>
        %add3A_477 = arith.constant 4 : i32
        %add3A_478 = arith.addi %mul3A_186, %add3A_477 : i32
        %add3A_479 = arith.constant 0 : i32
        %add3A_480 = arith.addi %squeeze3A_476, %add3A_479 : i32
        %get3A_481 = arith.index_cast %add3A_478 : i32 to index
        %get3A_482 = arith.index_cast %add3A_480 : i32 to index
        %get3A_483 = tpu.vector_load %arg7[%get3A_481, %get3A_482] {strides = array<i32>} : memref<256x128xf32, #tpu.memory_space<vmem>>, vector<1x16xf32>,
        %get3A_484 = vector.shape_cast %get3A_483 : vector<1x16xf32> to vector<16xf32>
        %mul3A_485 = arith.constant 8 : i32
        %mul3A_486 = arith.muli %mul3A_485, %scan3A_184 : i32
        %add3A_487 = arith.constant 2 : i32
        %add3A_488 = arith.addi %mul3A_486, %add3A_487 : i32
        %swap3A_489 = arith.index_cast %add3A_488 : i32 to index
        %swap3A_490 = arith.constant 0 : index
        %swap3A_491 = tpu.vector_load %arg9[%swap3A_489, %swap3A_490] {strides = array<i32>} : memref<128x128xf32, #tpu.memory_space<vmem>>, vector<1x16xf32>,
        %swap3A_492 = vector.shape_cast %swap3A_491 : vector<1x16xf32> to vector<16xf32>
        %swap3A_493 = vector.shape_cast %get3A_484 : vector<16xf32> to vector<1x16xf32>
        tpu.vector_store %arg9[%swap3A_489, %swap3A_490], %swap3A_493 {strides = array<i32>} : memref<128x128xf32, #tpu.memory_space<vmem>>, vector<1x16xf32>,
        %add3A_494 = arith.constant 4 : i32
        %add3A_495 = arith.addi %mul3A_186, %add3A_494 : i32
        %add3A_496 = arith.constant 16 : i32
        %add3A_497 = arith.addi %squeeze3A_476, %add3A_496 : i32
        %get3A_498 = arith.index_cast %add3A_495 : i32 to index
        %get3A_499 = arith.index_cast %add3A_497 : i32 to index
        %get3A_500 = tpu.vector_load %arg7[%get3A_498, %get3A_499] {strides = array<i32>} : memref<256x128xf32, #tpu.memory_space<vmem>>, vector<1x16xf32>,
        %get3A_501 = vector.shape_cast %get3A_500 : vector<1x16xf32> to vector<16xf32>
        %mul3A_502 = arith.constant 8 : i32
        %mul3A_503 = arith.muli %mul3A_502, %scan3A_184 : i32
        %add3A_504 = arith.constant 2 : i32
        %add3A_505 = arith.addi %mul3A_503, %add3A_504 : i32
        %swap3A_506 = arith.index_cast %add3A_505 : i32 to index
        %swap3A_507 = arith.constant 16 : index
        %swap3A_508 = tpu.vector_load %arg9[%swap3A_506, %swap3A_507] {strides = array<i32>} : memref<128x128xf32, #tpu.memory_space<vmem>>, vector<1x16xf32>,
        %swap3A_509 = vector.shape_cast %swap3A_508 : vector<1x16xf32> to vector<16xf32>
        %swap3A_510 = vector.shape_cast %get3A_501 : vector<16xf32> to vector<1x16xf32>
        tpu.vector_store %arg9[%swap3A_506, %swap3A_507], %swap3A_510 {strides = array<i32>} : memref<128x128xf32, #tpu.memory_space<vmem>>, vector<1x16xf32>,
        %add3A_511 = arith.constant 4 : i32
        %add3A_512 = arith.addi %mul3A_186, %add3A_511 : i32
        %add3A_513 = arith.constant 32 : i32
        %add3A_514 = arith.addi %squeeze3A_476, %add3A_513 : i32
        %get3A_515 = arith.index_cast %add3A_512 : i32 to index
        %get3A_516 = arith.index_cast %add3A_514 : i32 to index
        %get3A_517 = tpu.vector_load %arg7[%get3A_515, %get3A_516] {strides = array<i32>} : memref<256x128xf32, #tpu.memory_space<vmem>>, vector<1x16xf32>,
        %get3A_518 = vector.shape_cast %get3A_517 : vector<1x16xf32> to vector<16xf32>
        %mul3A_519 = arith.constant 8 : i32
        %mul3A_520 = arith.muli %mul3A_519, %scan3A_184 : i32
        %add3A_521 = arith.constant 2 : i32
        %add3A_522 = arith.addi %mul3A_520, %add3A_521 : i32
        %swap3A_523 = arith.index_cast %add3A_522 : i32 to index
        %swap3A_524 = arith.constant 32 : index
        %swap3A_525 = tpu.vector_load %arg9[%swap3A_523, %swap3A_524] {strides = array<i32>} : memref<128x128xf32, #tpu.memory_space<vmem>>, vector<1x16xf32>,
        %swap3A_526 = vector.shape_cast %swap3A_525 : vector<1x16xf32> to vector<16xf32>
        %swap3A_527 = vector.shape_cast %get3A_518 : vector<16xf32> to vector<1x16xf32>
        tpu.vector_store %arg9[%swap3A_523, %swap3A_524], %swap3A_527 {strides = array<i32>} : memref<128x128xf32, #tpu.memory_space<vmem>>, vector<1x16xf32>,
        %add3A_528 = arith.constant 4 : i32
        %add3A_529 = arith.addi %mul3A_186, %add3A_528 : i32
        %add3A_530 = arith.constant 48 : i32
        %add3A_531 = arith.addi %squeeze3A_476, %add3A_530 : i32
        %get3A_532 = arith.index_cast %add3A_529 : i32 to index
        %get3A_533 = arith.index_cast %add3A_531 : i32 to index
        %get3A_534 = tpu.vector_load %arg7[%get3A_532, %get3A_533] {strides = array<i32>} : memref<256x128xf32, #tpu.memory_space<vmem>>, vector<1x16xf32>,
        %get3A_535 = vector.shape_cast %get3A_534 : vector<1x16xf32> to vector<16xf32>
        %mul3A_536 = arith.constant 8 : i32
        %mul3A_537 = arith.muli %mul3A_536, %scan3A_184 : i32
        %add3A_538 = arith.constant 2 : i32
        %add3A_539 = arith.addi %mul3A_537, %add3A_538 : i32
        %swap3A_540 = arith.index_cast %add3A_539 : i32 to index
        %swap3A_541 = arith.constant 48 : index
        %swap3A_542 = tpu.vector_load %arg9[%swap3A_540, %swap3A_541] {strides = array<i32>} : memref<128x128xf32, #tpu.memory_space<vmem>>, vector<1x16xf32>,
        %swap3A_543 = vector.shape_cast %swap3A_542 : vector<1x16xf32> to vector<16xf32>
        %swap3A_544 = vector.shape_cast %get3A_535 : vector<16xf32> to vector<1x16xf32>
        tpu.vector_store %arg9[%swap3A_540, %swap3A_541], %swap3A_544 {strides = array<i32>} : memref<128x128xf32, #tpu.memory_space<vmem>>, vector<1x16xf32>,
        %slice3A_545 = vector.extract_strided_slice %mul3A_197 {offsets = [5], sizes = [1], strides = [1]} : vector<16xi32> to vector<1xi32>
        %squeeze3A_546 = vector.extract %slice3A_545[0] : i32 from vector<1xi32>
        %add3A_547 = arith.constant 5 : i32
        %add3A_548 = arith.addi %mul3A_186, %add3A_547 : i32
        %add3A_549 = arith.constant 0 : i32
        %add3A_550 = arith.addi %squeeze3A_546, %add3A_549 : i32
        %get3A_551 = arith.index_cast %add3A_548 : i32 to index
        %get3A_552 = arith.index_cast %add3A_550 : i32 to index
        %get3A_553 = tpu.vector_load %arg7[%get3A_551, %get3A_552] {strides = array<i32>} : memref<256x128xf32, #tpu.memory_space<vmem>>, vector<1x16xf32>,
        %get3A_554 = vector.shape_cast %get3A_553 : vector<1x16xf32> to vector<16xf32>
        %mul3A_555 = arith.constant 8 : i32
        %mul3A_556 = arith.muli %mul3A_555, %scan3A_184 : i32
        %add3A_557 = arith.constant 2 : i32
        %add3A_558 = arith.addi %mul3A_556, %add3A_557 : i32
        %swap3A_559 = arith.index_cast %add3A_558 : i32 to index
        %swap3A_560 = arith.constant 64 : index
        %swap3A_561 = tpu.vector_load %arg9[%swap3A_559, %swap3A_560] {strides = array<i32>} : memref<128x128xf32, #tpu.memory_space<vmem>>, vector<1x16xf32>,
        %swap3A_562 = vector.shape_cast %swap3A_561 : vector<1x16xf32> to vector<16xf32>
        %swap3A_563 = vector.shape_cast %get3A_554 : vector<16xf32> to vector<1x16xf32>
        tpu.vector_store %arg9[%swap3A_559, %swap3A_560], %swap3A_563 {strides = array<i32>} : memref<128x128xf32, #tpu.memory_space<vmem>>, vector<1x16xf32>,
        %add3A_564 = arith.constant 5 : i32
        %add3A_565 = arith.addi %mul3A_186, %add3A_564 : i32
        %add3A_566 = arith.constant 16 : i32
        %add3A_567 = arith.addi %squeeze3A_546, %add3A_566 : i32
        %get3A_568 = arith.index_cast %add3A_565 : i32 to index
        %get3A_569 = arith.index_cast %add3A_567 : i32 to index
        %get3A_570 = tpu.vector_load %arg7[%get3A_568, %get3A_569] {strides = array<i32>} : memref<256x128xf32, #tpu.memory_space<vmem>>, vector<1x16xf32>,
        %get3A_571 = vector.shape_cast %get3A_570 : vector<1x16xf32> to vector<16xf32>
        %mul3A_572 = arith.constant 8 : i32
        %mul3A_573 = arith.muli %mul3A_572, %scan3A_184 : i32
        %add3A_574 = arith.constant 2 : i32
        %add3A_575 = arith.addi %mul3A_573, %add3A_574 : i32
        %swap3A_576 = arith.index_cast %add3A_575 : i32 to index
        %swap3A_577 = arith.constant 80 : index
        %swap3A_578 = tpu.vector_load %arg9[%swap3A_576, %swap3A_577] {strides = array<i32>} : memref<128x128xf32, #tpu.memory_space<vmem>>, vector<1x16xf32>,
        %swap3A_579 = vector.shape_cast %swap3A_578 : vector<1x16xf32> to vector<16xf32>
        %swap3A_580 = vector.shape_cast %get3A_571 : vector<16xf32> to vector<1x16xf32>
        tpu.vector_store %arg9[%swap3A_576, %swap3A_577], %swap3A_580 {strides = array<i32>} : memref<128x128xf32, #tpu.memory_space<vmem>>, vector<1x16xf32>,
        %add3A_581 = arith.constant 5 : i32
        %add3A_582 = arith.addi %mul3A_186, %add3A_581 : i32
        %add3A_583 = arith.constant 32 : i32
        %add3A_584 = arith.addi %squeeze3A_546, %add3A_583 : i32
        %get3A_585 = arith.index_cast %add3A_582 : i32 to index
        %get3A_586 = arith.index_cast %add3A_584 : i32 to index
        %get3A_587 = tpu.vector_load %arg7[%get3A_585, %get3A_586] {strides = array<i32>} : memref<256x128xf32, #tpu.memory_space<vmem>>, vector<1x16xf32>,
        %get3A_588 = vector.shape_cast %get3A_587 : vector<1x16xf32> to vector<16xf32>
        %mul3A_589 = arith.constant 8 : i32
        %mul3A_590 = arith.muli %mul3A_589, %scan3A_184 : i32
        %add3A_591 = arith.constant 2 : i32
        %add3A_592 = arith.addi %mul3A_590, %add3A_591 : i32
        %swap3A_593 = arith.index_cast %add3A_592 : i32 to index
        %swap3A_594 = arith.constant 96 : index
        %swap3A_595 = tpu.vector_load %arg9[%swap3A_593, %swap3A_594] {strides = array<i32>} : memref<128x128xf32, #tpu.memory_space<vmem>>, vector<1x16xf32>,
        %swap3A_596 = vector.shape_cast %swap3A_595 : vector<1x16xf32> to vector<16xf32>
        %swap3A_597 = vector.shape_cast %get3A_588 : vector<16xf32> to vector<1x16xf32>
        tpu.vector_store %arg9[%swap3A_593, %swap3A_594], %swap3A_597 {strides = array<i32>} : memref<128x128xf32, #tpu.memory_space<vmem>>, vector<1x16xf32>,
        %add3A_598 = arith.constant 5 : i32
        %add3A_599 = arith.addi %mul3A_186, %add3A_598 : i32
        %add3A_600 = arith.constant 48 : i32
        %add3A_601 = arith.addi %squeeze3A_546, %add3A_600 : i32
        %get3A_602 = arith.index_cast %add3A_599 : i32 to index
        %get3A_603 = arith.index_cast %add3A_601 : i32 to index
        %get3A_604 = tpu.vector_load %arg7[%get3A_602, %get3A_603] {strides = array<i32>} : memref<256x128xf32, #tpu.memory_space<vmem>>, vector<1x16xf32>,
        %get3A_605 = vector.shape_cast %get3A_604 : vector<1x16xf32> to vector<16xf32>
        %mul3A_606 = arith.constant 8 : i32
        %mul3A_607 = arith.muli %mul3A_606, %scan3A_184 : i32
        %add3A_608 = arith.constant 2 : i32
        %add3A_609 = arith.addi %mul3A_607, %add3A_608 : i32
        %swap3A_610 = arith.index_cast %add3A_609 : i32 to index
        %swap3A_611 = arith.constant 112 : index
        %swap3A_612 = tpu.vector_load %arg9[%swap3A_610, %swap3A_611] {strides = array<i32>} : memref<128x128xf32, #tpu.memory_space<vmem>>, vector<1x16xf32>,
        %swap3A_613 = vector.shape_cast %swap3A_612 : vector<1x16xf32> to vector<16xf32>
        %swap3A_614 = vector.shape_cast %get3A_605 : vector<16xf32> to vector<1x16xf32>
        tpu.vector_store %arg9[%swap3A_610, %swap3A_611], %swap3A_614 {strides = array<i32>} : memref<128x128xf32, #tpu.memory_space<vmem>>, vector<1x16xf32>,
        %slice3A_615 = vector.extract_strided_slice %mul3A_197 {offsets = [6], sizes = [1], strides = [1]} : vector<16xi32> to vector<1xi32>
        %squeeze3A_616 = vector.extract %slice3A_615[0] : i32 from vector<1xi32>
        %add3A_617 = arith.constant 6 : i32
        %add3A_618 = arith.addi %mul3A_186, %add3A_617 : i32
        %add3A_619 = arith.constant 0 : i32
        %add3A_620 = arith.addi %squeeze3A_616, %add3A_619 : i32
        %get3A_621 = arith.index_cast %add3A_618 : i32 to index
        %get3A_622 = arith.index_cast %add3A_620 : i32 to index
        %get3A_623 = tpu.vector_load %arg7[%get3A_621, %get3A_622] {strides = array<i32>} : memref<256x128xf32, #tpu.memory_space<vmem>>, vector<1x16xf32>,
        %get3A_624 = vector.shape_cast %get3A_623 : vector<1x16xf32> to vector<16xf32>
        %mul3A_625 = arith.constant 8 : i32
        %mul3A_626 = arith.muli %mul3A_625, %scan3A_184 : i32
        %add3A_627 = arith.constant 3 : i32
        %add3A_628 = arith.addi %mul3A_626, %add3A_627 : i32
        %swap3A_629 = arith.index_cast %add3A_628 : i32 to index
        %swap3A_630 = arith.constant 0 : index
        %swap3A_631 = tpu.vector_load %arg9[%swap3A_629, %swap3A_630] {strides = array<i32>} : memref<128x128xf32, #tpu.memory_space<vmem>>, vector<1x16xf32>,
        %swap3A_632 = vector.shape_cast %swap3A_631 : vector<1x16xf32> to vector<16xf32>
        %swap3A_633 = vector.shape_cast %get3A_624 : vector<16xf32> to vector<1x16xf32>
        tpu.vector_store %arg9[%swap3A_629, %swap3A_630], %swap3A_633 {strides = array<i32>} : memref<128x128xf32, #tpu.memory_space<vmem>>, vector<1x16xf32>,
        %add3A_634 = arith.constant 6 : i32
        %add3A_635 = arith.addi %mul3A_186, %add3A_634 : i32
        %add3A_636 = arith.constant 16 : i32
        %add3A_637 = arith.addi %squeeze3A_616, %add3A_636 : i32
        %get3A_638 = arith.index_cast %add3A_635 : i32 to index
        %get3A_639 = arith.index_cast %add3A_637 : i32 to index
        %get3A_640 = tpu.vector_load %arg7[%get3A_638, %get3A_639] {strides = array<i32>} : memref<256x128xf32, #tpu.memory_space<vmem>>, vector<1x16xf32>,
        %get3A_641 = vector.shape_cast %get3A_640 : vector<1x16xf32> to vector<16xf32>
        %mul3A_642 = arith.constant 8 : i32
        %mul3A_643 = arith.muli %mul3A_642, %scan3A_184 : i32
        %add3A_644 = arith.constant 3 : i32
        %add3A_645 = arith.addi %mul3A_643, %add3A_644 : i32
        %swap3A_646 = arith.index_cast %add3A_645 : i32 to index
        %swap3A_647 = arith.constant 16 : index
        %swap3A_648 = tpu.vector_load %arg9[%swap3A_646, %swap3A_647] {strides = array<i32>} : memref<128x128xf32, #tpu.memory_space<vmem>>, vector<1x16xf32>,
        %swap3A_649 = vector.shape_cast %swap3A_648 : vector<1x16xf32> to vector<16xf32>
        %swap3A_650 = vector.shape_cast %get3A_641 : vector<16xf32> to vector<1x16xf32>
        tpu.vector_store %arg9[%swap3A_646, %swap3A_647], %swap3A_650 {strides = array<i32>} : memref<128x128xf32, #tpu.memory_space<vmem>>, vector<1x16xf32>,
        %add3A_651 = arith.constant 6 : i32
        %add3A_652 = arith.addi %mul3A_186, %add3A_651 : i32
        %add3A_653 = arith.constant 32 : i32
        %add3A_654 = arith.addi %squeeze3A_616, %add3A_653 : i32
        %get3A_655 = arith.index_cast %add3A_652 : i32 to index
        %get3A_656 = arith.index_cast %add3A_654 : i32 to index
        %get3A_657 = tpu.vector_load %arg7[%get3A_655, %get3A_656] {strides = array<i32>} : memref<256x128xf32, #tpu.memory_space<vmem>>, vector<1x16xf32>,
        %get3A_658 = vector.shape_cast %get3A_657 : vector<1x16xf32> to vector<16xf32>
        %mul3A_659 = arith.constant 8 : i32
        %mul3A_660 = arith.muli %mul3A_659, %scan3A_184 : i32
        %add3A_661 = arith.constant 3 : i32
        %add3A_662 = arith.addi %mul3A_660, %add3A_661 : i32
        %swap3A_663 = arith.index_cast %add3A_662 : i32 to index
        %swap3A_664 = arith.constant 32 : index
        %swap3A_665 = tpu.vector_load %arg9[%swap3A_663, %swap3A_664] {strides = array<i32>} : memref<128x128xf32, #tpu.memory_space<vmem>>, vector<1x16xf32>,
        %swap3A_666 = vector.shape_cast %swap3A_665 : vector<1x16xf32> to vector<16xf32>
        %swap3A_667 = vector.shape_cast %get3A_658 : vector<16xf32> to vector<1x16xf32>
        tpu.vector_store %arg9[%swap3A_663, %swap3A_664], %swap3A_667 {strides = array<i32>} : memref<128x128xf32, #tpu.memory_space<vmem>>, vector<1x16xf32>,
        %add3A_668 = arith.constant 6 : i32
        %add3A_669 = arith.addi %mul3A_186, %add3A_668 : i32
        %add3A_670 = arith.constant 48 : i32
        %add3A_671 = arith.addi %squeeze3A_616, %add3A_670 : i32
        %get3A_672 = arith.index_cast %add3A_669 : i32 to index
        %get3A_673 = arith.index_cast %add3A_671 : i32 to index
        %get3A_674 = tpu.vector_load %arg7[%get3A_672, %get3A_673] {strides = array<i32>} : memref<256x128xf32, #tpu.memory_space<vmem>>, vector<1x16xf32>,
        %get3A_675 = vector.shape_cast %get3A_674 : vector<1x16xf32> to vector<16xf32>
        %mul3A_676 = arith.constant 8 : i32
        %mul3A_677 = arith.muli %mul3A_676, %scan3A_184 : i32
        %add3A_678 = arith.constant 3 : i32
        %add3A_679 = arith.addi %mul3A_677, %add3A_678 : i32
        %swap3A_680 = arith.index_cast %add3A_679 : i32 to index
        %swap3A_681 = arith.constant 48 : index
        %swap3A_682 = tpu.vector_load %arg9[%swap3A_680, %swap3A_681] {strides = array<i32>} : memref<128x128xf32, #tpu.memory_space<vmem>>, vector<1x16xf32>,
        %swap3A_683 = vector.shape_cast %swap3A_682 : vector<1x16xf32> to vector<16xf32>
        %swap3A_684 = vector.shape_cast %get3A_675 : vector<16xf32> to vector<1x16xf32>
        tpu.vector_store %arg9[%swap3A_680, %swap3A_681], %swap3A_684 {strides = array<i32>} : memref<128x128xf32, #tpu.memory_space<vmem>>, vector<1x16xf32>,
        %slice3A_685 = vector.extract_strided_slice %mul3A_197 {offsets = [7], sizes = [1], strides = [1]} : vector<16xi32> to vector<1xi32>
        %squeeze3A_686 = vector.extract %slice3A_685[0] : i32 from vector<1xi32>
        %add3A_687 = arith.constant 7 : i32
        %add3A_688 = arith.addi %mul3A_186, %add3A_687 : i32
        %add3A_689 = arith.constant 0 : i32
        %add3A_690 = arith.addi %squeeze3A_686, %add3A_689 : i32
        %get3A_691 = arith.index_cast %add3A_688 : i32 to index
        %get3A_692 = arith.index_cast %add3A_690 : i32 to index
        %get3A_693 = tpu.vector_load %arg7[%get3A_691, %get3A_692] {strides = array<i32>} : memref<256x128xf32, #tpu.memory_space<vmem>>, vector<1x16xf32>,
        %get3A_694 = vector.shape_cast %get3A_693 : vector<1x16xf32> to vector<16xf32>
        %mul3A_695 = arith.constant 8 : i32
        %mul3A_696 = arith.muli %mul3A_695, %scan3A_184 : i32
        %add3A_697 = arith.constant 3 : i32
        %add3A_698 = arith.addi %mul3A_696, %add3A_697 : i32
        %swap3A_699 = arith.index_cast %add3A_698 : i32 to index
        %swap3A_700 = arith.constant 64 : index
        %swap3A_701 = tpu.vector_load %arg9[%swap3A_699, %swap3A_700] {strides = array<i32>} : memref<128x128xf32, #tpu.memory_space<vmem>>, vector<1x16xf32>,
        %swap3A_702 = vector.shape_cast %swap3A_701 : vector<1x16xf32> to vector<16xf32>
        %swap3A_703 = vector.shape_cast %get3A_694 : vector<16xf32> to vector<1x16xf32>
        tpu.vector_store %arg9[%swap3A_699, %swap3A_700], %swap3A_703 {strides = array<i32>} : memref<128x128xf32, #tpu.memory_space<vmem>>, vector<1x16xf32>,
        %add3A_704 = arith.constant 7 : i32
        %add3A_705 = arith.addi %mul3A_186, %add3A_704 : i32
        %add3A_706 = arith.constant 16 : i32
        %add3A_707 = arith.addi %squeeze3A_686, %add3A_706 : i32
        %get3A_708 = arith.index_cast %add3A_705 : i32 to index
        %get3A_709 = arith.index_cast %add3A_707 : i32 to index
        %get3A_710 = tpu.vector_load %arg7[%get3A_708, %get3A_709] {strides = array<i32>} : memref<256x128xf32, #tpu.memory_space<vmem>>, vector<1x16xf32>,
        %get3A_711 = vector.shape_cast %get3A_710 : vector<1x16xf32> to vector<16xf32>
        %mul3A_712 = arith.constant 8 : i32
        %mul3A_713 = arith.muli %mul3A_712, %scan3A_184 : i32
        %add3A_714 = arith.constant 3 : i32
        %add3A_715 = arith.addi %mul3A_713, %add3A_714 : i32
        %swap3A_716 = arith.index_cast %add3A_715 : i32 to index
        %swap3A_717 = arith.constant 80 : index
        %swap3A_718 = tpu.vector_load %arg9[%swap3A_716, %swap3A_717] {strides = array<i32>} : memref<128x128xf32, #tpu.memory_space<vmem>>, vector<1x16xf32>,
        %swap3A_719 = vector.shape_cast %swap3A_718 : vector<1x16xf32> to vector<16xf32>
        %swap3A_720 = vector.shape_cast %get3A_711 : vector<16xf32> to vector<1x16xf32>
        tpu.vector_store %arg9[%swap3A_716, %swap3A_717], %swap3A_720 {strides = array<i32>} : memref<128x128xf32, #tpu.memory_space<vmem>>, vector<1x16xf32>,
        %add3A_721 = arith.constant 7 : i32
        %add3A_722 = arith.addi %mul3A_186, %add3A_721 : i32
        %add3A_723 = arith.constant 32 : i32
        %add3A_724 = arith.addi %squeeze3A_686, %add3A_723 : i32
        %get3A_725 = arith.index_cast %add3A_722 : i32 to index
        %get3A_726 = arith.index_cast %add3A_724 : i32 to index
        %get3A_727 = tpu.vector_load %arg7[%get3A_725, %get3A_726] {strides = array<i32>} : memref<256x128xf32, #tpu.memory_space<vmem>>, vector<1x16xf32>,
        %get3A_728 = vector.shape_cast %get3A_727 : vector<1x16xf32> to vector<16xf32>
        %mul3A_729 = arith.constant 8 : i32
        %mul3A_730 = arith.muli %mul3A_729, %scan3A_184 : i32
        %add3A_731 = arith.constant 3 : i32
        %add3A_732 = arith.addi %mul3A_730, %add3A_731 : i32
        %swap3A_733 = arith.index_cast %add3A_732 : i32 to index
        %swap3A_734 = arith.constant 96 : index
        %swap3A_735 = tpu.vector_load %arg9[%swap3A_733, %swap3A_734] {strides = array<i32>} : memref<128x128xf32, #tpu.memory_space<vmem>>, vector<1x16xf32>,
        %swap3A_736 = vector.shape_cast %swap3A_735 : vector<1x16xf32> to vector<16xf32>
        %swap3A_737 = vector.shape_cast %get3A_728 : vector<16xf32> to vector<1x16xf32>
        tpu.vector_store %arg9[%swap3A_733, %swap3A_734], %swap3A_737 {strides = array<i32>} : memref<128x128xf32, #tpu.memory_space<vmem>>, vector<1x16xf32>,
        %add3A_738 = arith.constant 7 : i32
        %add3A_739 = arith.addi %mul3A_186, %add3A_738 : i32
        %add3A_740 = arith.constant 48 : i32
        %add3A_741 = arith.addi %squeeze3A_686, %add3A_740 : i32
        %get3A_742 = arith.index_cast %add3A_739 : i32 to index
        %get3A_743 = arith.index_cast %add3A_741 : i32 to index
        %get3A_744 = tpu.vector_load %arg7[%get3A_742, %get3A_743] {strides = array<i32>} : memref<256x128xf32, #tpu.memory_space<vmem>>, vector<1x16xf32>,
        %get3A_745 = vector.shape_cast %get3A_744 : vector<1x16xf32> to vector<16xf32>
        %mul3A_746 = arith.constant 8 : i32
        %mul3A_747 = arith.muli %mul3A_746, %scan3A_184 : i32
        %add3A_748 = arith.constant 3 : i32
        %add3A_749 = arith.addi %mul3A_747, %add3A_748 : i32
        %swap3A_750 = arith.index_cast %add3A_749 : i32 to index
        %swap3A_751 = arith.constant 112 : index
        %swap3A_752 = tpu.vector_load %arg9[%swap3A_750, %swap3A_751] {strides = array<i32>} : memref<128x128xf32, #tpu.memory_space<vmem>>, vector<1x16xf32>,
        %swap3A_753 = vector.shape_cast %swap3A_752 : vector<1x16xf32> to vector<16xf32>
        %swap3A_754 = vector.shape_cast %get3A_745 : vector<16xf32> to vector<1x16xf32>
        tpu.vector_store %arg9[%swap3A_750, %swap3A_751], %swap3A_754 {strides = array<i32>} : memref<128x128xf32, #tpu.memory_space<vmem>>, vector<1x16xf32>,
        %slice3A_755 = vector.extract_strided_slice %mul3A_197 {offsets = [8], sizes = [1], strides = [1]} : vector<16xi32> to vector<1xi32>
        %squeeze3A_756 = vector.extract %slice3A_755[0] : i32 from vector<1xi32>
        %add3A_757 = arith.constant 8 : i32
        %add3A_758 = arith.addi %mul3A_186, %add3A_757 : i32
        %add3A_759 = arith.constant 0 : i32
        %add3A_760 = arith.addi %squeeze3A_756, %add3A_759 : i32
        %get3A_761 = arith.index_cast %add3A_758 : i32 to index
        %get3A_762 = arith.index_cast %add3A_760 : i32 to index
        %get3A_763 = tpu.vector_load %arg7[%get3A_761, %get3A_762] {strides = array<i32>} : memref<256x128xf32, #tpu.memory_space<vmem>>, vector<1x16xf32>,
        %get3A_764 = vector.shape_cast %get3A_763 : vector<1x16xf32> to vector<16xf32>
        %mul3A_765 = arith.constant 8 : i32
        %mul3A_766 = arith.muli %mul3A_765, %scan3A_184 : i32
        %add3A_767 = arith.constant 4 : i32
        %add3A_768 = arith.addi %mul3A_766, %add3A_767 : i32
        %swap3A_769 = arith.index_cast %add3A_768 : i32 to index
        %swap3A_770 = arith.constant 0 : index
        %swap3A_771 = tpu.vector_load %arg9[%swap3A_769, %swap3A_770] {strides = array<i32>} : memref<128x128xf32, #tpu.memory_space<vmem>>, vector<1x16xf32>,
        %swap3A_772 = vector.shape_cast %swap3A_771 : vector<1x16xf32> to vector<16xf32>
        %swap3A_773 = vector.shape_cast %get3A_764 : vector<16xf32> to vector<1x16xf32>
        tpu.vector_store %arg9[%swap3A_769, %swap3A_770], %swap3A_773 {strides = array<i32>} : memref<128x128xf32, #tpu.memory_space<vmem>>, vector<1x16xf32>,
        %add3A_774 = arith.constant 8 : i32
        %add3A_775 = arith.addi %mul3A_186, %add3A_774 : i32
        %add3A_776 = arith.constant 16 : i32
        %add3A_777 = arith.addi %squeeze3A_756, %add3A_776 : i32
        %get3A_778 = arith.index_cast %add3A_775 : i32 to index
        %get3A_779 = arith.index_cast %add3A_777 : i32 to index
        %get3A_780 = tpu.vector_load %arg7[%get3A_778, %get3A_779] {strides = array<i32>} : memref<256x128xf32, #tpu.memory_space<vmem>>, vector<1x16xf32>,
        %get3A_781 = vector.shape_cast %get3A_780 : vector<1x16xf32> to vector<16xf32>
        %mul3A_782 = arith.constant 8 : i32
        %mul3A_783 = arith.muli %mul3A_782, %scan3A_184 : i32
        %add3A_784 = arith.constant 4 : i32
        %add3A_785 = arith.addi %mul3A_783, %add3A_784 : i32
        %swap3A_786 = arith.index_cast %add3A_785 : i32 to index
        %swap3A_787 = arith.constant 16 : index
        %swap3A_788 = tpu.vector_load %arg9[%swap3A_786, %swap3A_787] {strides = array<i32>} : memref<128x128xf32, #tpu.memory_space<vmem>>, vector<1x16xf32>,
        %swap3A_789 = vector.shape_cast %swap3A_788 : vector<1x16xf32> to vector<16xf32>
        %swap3A_790 = vector.shape_cast %get3A_781 : vector<16xf32> to vector<1x16xf32>
        tpu.vector_store %arg9[%swap3A_786, %swap3A_787], %swap3A_790 {strides = array<i32>} : memref<128x128xf32, #tpu.memory_space<vmem>>, vector<1x16xf32>,
        %add3A_791 = arith.constant 8 : i32
        %add3A_792 = arith.addi %mul3A_186, %add3A_791 : i32
        %add3A_793 = arith.constant 32 : i32
        %add3A_794 = arith.addi %squeeze3A_756, %add3A_793 : i32
        %get3A_795 = arith.index_cast %add3A_792 : i32 to index
        %get3A_796 = arith.index_cast %add3A_794 : i32 to index
        %get3A_797 = tpu.vector_load %arg7[%get3A_795, %get3A_796] {strides = array<i32>} : memref<256x128xf32, #tpu.memory_space<vmem>>, vector<1x16xf32>,
        %get3A_798 = vector.shape_cast %get3A_797 : vector<1x16xf32> to vector<16xf32>
        %mul3A_799 = arith.constant 8 : i32
        %mul3A_800 = arith.muli %mul3A_799, %scan3A_184 : i32
        %add3A_801 = arith.constant 4 : i32
        %add3A_802 = arith.addi %mul3A_800, %add3A_801 : i32
        %swap3A_803 = arith.index_cast %add3A_802 : i32 to index
        %swap3A_804 = arith.constant 32 : index
        %swap3A_805 = tpu.vector_load %arg9[%swap3A_803, %swap3A_804] {strides = array<i32>} : memref<128x128xf32, #tpu.memory_space<vmem>>, vector<1x16xf32>,
        %swap3A_806 = vector.shape_cast %swap3A_805 : vector<1x16xf32> to vector<16xf32>
        %swap3A_807 = vector.shape_cast %get3A_798 : vector<16xf32> to vector<1x16xf32>
        tpu.vector_store %arg9[%swap3A_803, %swap3A_804], %swap3A_807 {strides = array<i32>} : memref<128x128xf32, #tpu.memory_space<vmem>>, vector<1x16xf32>,
        %add3A_808 = arith.constant 8 : i32
        %add3A_809 = arith.addi %mul3A_186, %add3A_808 : i32
        %add3A_810 = arith.constant 48 : i32
        %add3A_811 = arith.addi %squeeze3A_756, %add3A_810 : i32
        %get3A_812 = arith.index_cast %add3A_809 : i32 to index
        %get3A_813 = arith.index_cast %add3A_811 : i32 to index
        %get3A_814 = tpu.vector_load %arg7[%get3A_812, %get3A_813] {strides = array<i32>} : memref<256x128xf32, #tpu.memory_space<vmem>>, vector<1x16xf32>,
        %get3A_815 = vector.shape_cast %get3A_814 : vector<1x16xf32> to vector<16xf32>
        %mul3A_816 = arith.constant 8 : i32
        %mul3A_817 = arith.muli %mul3A_816, %scan3A_184 : i32
        %add3A_818 = arith.constant 4 : i32
        %add3A_819 = arith.addi %mul3A_817, %add3A_818 : i32
        %swap3A_820 = arith.index_cast %add3A_819 : i32 to index
        %swap3A_821 = arith.constant 48 : index
        %swap3A_822 = tpu.vector_load %arg9[%swap3A_820, %swap3A_821] {strides = array<i32>} : memref<128x128xf32, #tpu.memory_space<vmem>>, vector<1x16xf32>,
        %swap3A_823 = vector.shape_cast %swap3A_822 : vector<1x16xf32> to vector<16xf32>
        %swap3A_824 = vector.shape_cast %get3A_815 : vector<16xf32> to vector<1x16xf32>
        tpu.vector_store %arg9[%swap3A_820, %swap3A_821], %swap3A_824 {strides = array<i32>} : memref<128x128xf32, #tpu.memory_space<vmem>>, vector<1x16xf32>,
        %slice3A_825 = vector.extract_strided_slice %mul3A_197 {offsets = [9], sizes = [1], strides = [1]} : vector<16xi32> to vector<1xi32>
        %squeeze3A_826 = vector.extract %slice3A_825[0] : i32 from vector<1xi32>
        %add3A_827 = arith.constant 9 : i32
        %add3A_828 = arith.addi %mul3A_186, %add3A_827 : i32
        %add3A_829 = arith.constant 0 : i32
        %add3A_830 = arith.addi %squeeze3A_826, %add3A_829 : i32
        %get3A_831 = arith.index_cast %add3A_828 : i32 to index
        %get3A_832 = arith.index_cast %add3A_830 : i32 to index
        %get3A_833 = tpu.vector_load %arg7[%get3A_831, %get3A_832] {strides = array<i32>} : memref<256x128xf32, #tpu.memory_space<vmem>>, vector<1x16xf32>,
        %get3A_834 = vector.shape_cast %get3A_833 : vector<1x16xf32> to vector<16xf32>
        %mul3A_835 = arith.constant 8 : i32
        %mul3A_836 = arith.muli %mul3A_835, %scan3A_184 : i32
        %add3A_837 = arith.constant 4 : i32
        %add3A_838 = arith.addi %mul3A_836, %add3A_837 : i32
        %swap3A_839 = arith.index_cast %add3A_838 : i32 to index
        %swap3A_840 = arith.constant 64 : index
        %swap3A_841 = tpu.vector_load %arg9[%swap3A_839, %swap3A_840] {strides = array<i32>} : memref<128x128xf32, #tpu.memory_space<vmem>>, vector<1x16xf32>,
        %swap3A_842 = vector.shape_cast %swap3A_841 : vector<1x16xf32> to vector<16xf32>
        %swap3A_843 = vector.shape_cast %get3A_834 : vector<16xf32> to vector<1x16xf32>
        tpu.vector_store %arg9[%swap3A_839, %swap3A_840], %swap3A_843 {strides = array<i32>} : memref<128x128xf32, #tpu.memory_space<vmem>>, vector<1x16xf32>,
        %add3A_844 = arith.constant 9 : i32
        %add3A_845 = arith.addi %mul3A_186, %add3A_844 : i32
        %add3A_846 = arith.constant 16 : i32
        %add3A_847 = arith.addi %squeeze3A_826, %add3A_846 : i32
        %get3A_848 = arith.index_cast %add3A_845 : i32 to index
        %get3A_849 = arith.index_cast %add3A_847 : i32 to index
        %get3A_850 = tpu.vector_load %arg7[%get3A_848, %get3A_849] {strides = array<i32>} : memref<256x128xf32, #tpu.memory_space<vmem>>, vector<1x16xf32>,
        %get3A_851 = vector.shape_cast %get3A_850 : vector<1x16xf32> to vector<16xf32>
        %mul3A_852 = arith.constant 8 : i32
        %mul3A_853 = arith.muli %mul3A_852, %scan3A_184 : i32
        %add3A_854 = arith.constant 4 : i32
        %add3A_855 = arith.addi %mul3A_853, %add3A_854 : i32
        %swap3A_856 = arith.index_cast %add3A_855 : i32 to index
        %swap3A_857 = arith.constant 80 : index
        %swap3A_858 = tpu.vector_load %arg9[%swap3A_856, %swap3A_857] {strides = array<i32>} : memref<128x128xf32, #tpu.memory_space<vmem>>, vector<1x16xf32>,
        %swap3A_859 = vector.shape_cast %swap3A_858 : vector<1x16xf32> to vector<16xf32>
        %swap3A_860 = vector.shape_cast %get3A_851 : vector<16xf32> to vector<1x16xf32>
        tpu.vector_store %arg9[%swap3A_856, %swap3A_857], %swap3A_860 {strides = array<i32>} : memref<128x128xf32, #tpu.memory_space<vmem>>, vector<1x16xf32>,
        %add3A_861 = arith.constant 9 : i32
        %add3A_862 = arith.addi %mul3A_186, %add3A_861 : i32
        %add3A_863 = arith.constant 32 : i32
        %add3A_864 = arith.addi %squeeze3A_826, %add3A_863 : i32
        %get3A_865 = arith.index_cast %add3A_862 : i32 to index
        %get3A_866 = arith.index_cast %add3A_864 : i32 to index
        %get3A_867 = tpu.vector_load %arg7[%get3A_865, %get3A_866] {strides = array<i32>} : memref<256x128xf32, #tpu.memory_space<vmem>>, vector<1x16xf32>,
        %get3A_868 = vector.shape_cast %get3A_867 : vector<1x16xf32> to vector<16xf32>
        %mul3A_869 = arith.constant 8 : i32
        %mul3A_870 = arith.muli %mul3A_869, %scan3A_184 : i32
        %add3A_871 = arith.constant 4 : i32
        %add3A_872 = arith.addi %mul3A_870, %add3A_871 : i32
        %swap3A_873 = arith.index_cast %add3A_872 : i32 to index
        %swap3A_874 = arith.constant 96 : index
        %swap3A_875 = tpu.vector_load %arg9[%swap3A_873, %swap3A_874] {strides = array<i32>} : memref<128x128xf32, #tpu.memory_space<vmem>>, vector<1x16xf32>,
        %swap3A_876 = vector.shape_cast %swap3A_875 : vector<1x16xf32> to vector<16xf32>
        %swap3A_877 = vector.shape_cast %get3A_868 : vector<16xf32> to vector<1x16xf32>
        tpu.vector_store %arg9[%swap3A_873, %swap3A_874], %swap3A_877 {strides = array<i32>} : memref<128x128xf32, #tpu.memory_space<vmem>>, vector<1x16xf32>,
        %add3A_878 = arith.constant 9 : i32
        %add3A_879 = arith.addi %mul3A_186, %add3A_878 : i32
        %add3A_880 = arith.constant 48 : i32
        %add3A_881 = arith.addi %squeeze3A_826, %add3A_880 : i32
        %get3A_882 = arith.index_cast %add3A_879 : i32 to index
        %get3A_883 = arith.index_cast %add3A_881 : i32 to index
        %get3A_884 = tpu.vector_load %arg7[%get3A_882, %get3A_883] {strides = array<i32>} : memref<256x128xf32, #tpu.memory_space<vmem>>, vector<1x16xf32>,
        %get3A_885 = vector.shape_cast %get3A_884 : vector<1x16xf32> to vector<16xf32>
        %mul3A_886 = arith.constant 8 : i32
        %mul3A_887 = arith.muli %mul3A_886, %scan3A_184 : i32
        %add3A_888 = arith.constant 4 : i32
        %add3A_889 = arith.addi %mul3A_887, %add3A_888 : i32
        %swap3A_890 = arith.index_cast %add3A_889 : i32 to index
        %swap3A_891 = arith.constant 112 : index
        %swap3A_892 = tpu.vector_load %arg9[%swap3A_890, %swap3A_891] {strides = array<i32>} : memref<128x128xf32, #tpu.memory_space<vmem>>, vector<1x16xf32>,
        %swap3A_893 = vector.shape_cast %swap3A_892 : vector<1x16xf32> to vector<16xf32>
        %swap3A_894 = vector.shape_cast %get3A_885 : vector<16xf32> to vector<1x16xf32>
        tpu.vector_store %arg9[%swap3A_890, %swap3A_891], %swap3A_894 {strides = array<i32>} : memref<128x128xf32, #tpu.memory_space<vmem>>, vector<1x16xf32>,
        %slice3A_895 = vector.extract_strided_slice %mul3A_197 {offsets = [10], sizes = [1], strides = [1]} : vector<16xi32> to vector<1xi32>
        %squeeze3A_896 = vector.extract %slice3A_895[0] : i32 from vector<1xi32>
        %add3A_897 = arith.constant 10 : i32
        %add3A_898 = arith.addi %mul3A_186, %add3A_897 : i32
        %add3A_899 = arith.constant 0 : i32
        %add3A_900 = arith.addi %squeeze3A_896, %add3A_899 : i32
        %get3A_901 = arith.index_cast %add3A_898 : i32 to index
        %get3A_902 = arith.index_cast %add3A_900 : i32 to index
        %get3A_903 = tpu.vector_load %arg7[%get3A_901, %get3A_902] {strides = array<i32>} : memref<256x128xf32, #tpu.memory_space<vmem>>, vector<1x16xf32>,
        %get3A_904 = vector.shape_cast %get3A_903 : vector<1x16xf32> to vector<16xf32>
        %mul3A_905 = arith.constant 8 : i32
        %mul3A_906 = arith.muli %mul3A_905, %scan3A_184 : i32
        %add3A_907 = arith.constant 5 : i32
        %add3A_908 = arith.addi %mul3A_906, %add3A_907 : i32
        %swap3A_909 = arith.index_cast %add3A_908 : i32 to index
        %swap3A_910 = arith.constant 0 : index
        %swap3A_911 = tpu.vector_load %arg9[%swap3A_909, %swap3A_910] {strides = array<i32>} : memref<128x128xf32, #tpu.memory_space<vmem>>, vector<1x16xf32>,
        %swap3A_912 = vector.shape_cast %swap3A_911 : vector<1x16xf32> to vector<16xf32>
        %swap3A_913 = vector.shape_cast %get3A_904 : vector<16xf32> to vector<1x16xf32>
        tpu.vector_store %arg9[%swap3A_909, %swap3A_910], %swap3A_913 {strides = array<i32>} : memref<128x128xf32, #tpu.memory_space<vmem>>, vector<1x16xf32>,
        %add3A_914 = arith.constant 10 : i32
        %add3A_915 = arith.addi %mul3A_186, %add3A_914 : i32
        %add3A_916 = arith.constant 16 : i32
        %add3A_917 = arith.addi %squeeze3A_896, %add3A_916 : i32
        %get3A_918 = arith.index_cast %add3A_915 : i32 to index
        %get3A_919 = arith.index_cast %add3A_917 : i32 to index
        %get3A_920 = tpu.vector_load %arg7[%get3A_918, %get3A_919] {strides = array<i32>} : memref<256x128xf32, #tpu.memory_space<vmem>>, vector<1x16xf32>,
        %get3A_921 = vector.shape_cast %get3A_920 : vector<1x16xf32> to vector<16xf32>
        %mul3A_922 = arith.constant 8 : i32
        %mul3A_923 = arith.muli %mul3A_922, %scan3A_184 : i32
        %add3A_924 = arith.constant 5 : i32
        %add3A_925 = arith.addi %mul3A_923, %add3A_924 : i32
        %swap3A_926 = arith.index_cast %add3A_925 : i32 to index
        %swap3A_927 = arith.constant 16 : index
        %swap3A_928 = tpu.vector_load %arg9[%swap3A_926, %swap3A_927] {strides = array<i32>} : memref<128x128xf32, #tpu.memory_space<vmem>>, vector<1x16xf32>,
        %swap3A_929 = vector.shape_cast %swap3A_928 : vector<1x16xf32> to vector<16xf32>
        %swap3A_930 = vector.shape_cast %get3A_921 : vector<16xf32> to vector<1x16xf32>
        tpu.vector_store %arg9[%swap3A_926, %swap3A_927], %swap3A_930 {strides = array<i32>} : memref<128x128xf32, #tpu.memory_space<vmem>>, vector<1x16xf32>,
        %add3A_931 = arith.constant 10 : i32
        %add3A_932 = arith.addi %mul3A_186, %add3A_931 : i32
        %add3A_933 = arith.constant 32 : i32
        %add3A_934 = arith.addi %squeeze3A_896, %add3A_933 : i32
        %get3A_935 = arith.index_cast %add3A_932 : i32 to index
        %get3A_936 = arith.index_cast %add3A_934 : i32 to index
        %get3A_937 = tpu.vector_load %arg7[%get3A_935, %get3A_936] {strides = array<i32>} : memref<256x128xf32, #tpu.memory_space<vmem>>, vector<1x16xf32>,
        %get3A_938 = vector.shape_cast %get3A_937 : vector<1x16xf32> to vector<16xf32>
        %mul3A_939 = arith.constant 8 : i32
        %mul3A_940 = arith.muli %mul3A_939, %scan3A_184 : i32
        %add3A_941 = arith.constant 5 : i32
        %add3A_942 = arith.addi %mul3A_940, %add3A_941 : i32
        %swap3A_943 = arith.index_cast %add3A_942 : i32 to index
        %swap3A_944 = arith.constant 32 : index
        %swap3A_945 = tpu.vector_load %arg9[%swap3A_943, %swap3A_944] {strides = array<i32>} : memref<128x128xf32, #tpu.memory_space<vmem>>, vector<1x16xf32>,
        %swap3A_946 = vector.shape_cast %swap3A_945 : vector<1x16xf32> to vector<16xf32>
        %swap3A_947 = vector.shape_cast %get3A_938 : vector<16xf32> to vector<1x16xf32>
        tpu.vector_store %arg9[%swap3A_943, %swap3A_944], %swap3A_947 {strides = array<i32>} : memref<128x128xf32, #tpu.memory_space<vmem>>, vector<1x16xf32>,
        %add3A_948 = arith.constant 10 : i32
        %add3A_949 = arith.addi %mul3A_186, %add3A_948 : i32
        %add3A_950 = arith.constant 48 : i32
        %add3A_951 = arith.addi %squeeze3A_896, %add3A_950 : i32
        %get3A_952 = arith.index_cast %add3A_949 : i32 to index
        %get3A_953 = arith.index_cast %add3A_951 : i32 to index
        %get3A_954 = tpu.vector_load %arg7[%get3A_952, %get3A_953] {strides = array<i32>} : memref<256x128xf32, #tpu.memory_space<vmem>>, vector<1x16xf32>,
        %get3A_955 = vector.shape_cast %get3A_954 : vector<1x16xf32> to vector<16xf32>
        %mul3A_956 = arith.constant 8 : i32
        %mul3A_957 = arith.muli %mul3A_956, %scan3A_184 : i32
        %add3A_958 = arith.constant 5 : i32
        %add3A_959 = arith.addi %mul3A_957, %add3A_958 : i32
        %swap3A_960 = arith.index_cast %add3A_959 : i32 to index
        %swap3A_961 = arith.constant 48 : index
        %swap3A_962 = tpu.vector_load %arg9[%swap3A_960, %swap3A_961] {strides = array<i32>} : memref<128x128xf32, #tpu.memory_space<vmem>>, vector<1x16xf32>,
        %swap3A_963 = vector.shape_cast %swap3A_962 : vector<1x16xf32> to vector<16xf32>
        %swap3A_964 = vector.shape_cast %get3A_955 : vector<16xf32> to vector<1x16xf32>
        tpu.vector_store %arg9[%swap3A_960, %swap3A_961], %swap3A_964 {strides = array<i32>} : memref<128x128xf32, #tpu.memory_space<vmem>>, vector<1x16xf32>,
        %slice3A_965 = vector.extract_strided_slice %mul3A_197 {offsets = [11], sizes = [1], strides = [1]} : vector<16xi32> to vector<1xi32>
        %squeeze3A_966 = vector.extract %slice3A_965[0] : i32 from vector<1xi32>
        %add3A_967 = arith.constant 11 : i32
        %add3A_968 = arith.addi %mul3A_186, %add3A_967 : i32
        %add3A_969 = arith.constant 0 : i32
        %add3A_970 = arith.addi %squeeze3A_966, %add3A_969 : i32
        %get3A_971 = arith.index_cast %add3A_968 : i32 to index
        %get3A_972 = arith.index_cast %add3A_970 : i32 to index
        %get3A_973 = tpu.vector_load %arg7[%get3A_971, %get3A_972] {strides = array<i32>} : memref<256x128xf32, #tpu.memory_space<vmem>>, vector<1x16xf32>,
        %get3A_974 = vector.shape_cast %get3A_973 : vector<1x16xf32> to vector<16xf32>
        %mul3A_975 = arith.constant 8 : i32
        %mul3A_976 = arith.muli %mul3A_975, %scan3A_184 : i32
        %add3A_977 = arith.constant 5 : i32
        %add3A_978 = arith.addi %mul3A_976, %add3A_977 : i32
        %swap3A_979 = arith.index_cast %add3A_978 : i32 to index
        %swap3A_980 = arith.constant 64 : index
        %swap3A_981 = tpu.vector_load %arg9[%swap3A_979, %swap3A_980] {strides = array<i32>} : memref<128x128xf32, #tpu.memory_space<vmem>>, vector<1x16xf32>,
        %swap3A_982 = vector.shape_cast %swap3A_981 : vector<1x16xf32> to vector<16xf32>
        %swap3A_983 = vector.shape_cast %get3A_974 : vector<16xf32> to vector<1x16xf32>
        tpu.vector_store %arg9[%swap3A_979, %swap3A_980], %swap3A_983 {strides = array<i32>} : memref<128x128xf32, #tpu.memory_space<vmem>>, vector<1x16xf32>,
        %add3A_984 = arith.constant 11 : i32
        %add3A_985 = arith.addi %mul3A_186, %add3A_984 : i32
        %add3A_986 = arith.constant 16 : i32
        %add3A_987 = arith.addi %squeeze3A_966, %add3A_986 : i32
        %get3A_988 = arith.index_cast %add3A_985 : i32 to index
        %get3A_989 = arith.index_cast %add3A_987 : i32 to index
        %get3A_990 = tpu.vector_load %arg7[%get3A_988, %get3A_989] {strides = array<i32>} : memref<256x128xf32, #tpu.memory_space<vmem>>, vector<1x16xf32>,
        %get3A_991 = vector.shape_cast %get3A_990 : vector<1x16xf32> to vector<16xf32>
        %mul3A_992 = arith.constant 8 : i32
        %mul3A_993 = arith.muli %mul3A_992, %scan3A_184 : i32
        %add3A_994 = arith.constant 5 : i32
        %add3A_995 = arith.addi %mul3A_993, %add3A_994 : i32
        %swap3A_996 = arith.index_cast %add3A_995 : i32 to index
        %swap3A_997 = arith.constant 80 : index
        %swap3A_998 = tpu.vector_load %arg9[%swap3A_996, %swap3A_997] {strides = array<i32>} : memref<128x128xf32, #tpu.memory_space<vmem>>, vector<1x16xf32>,
        %swap3A_999 = vector.shape_cast %swap3A_998 : vector<1x16xf32> to vector<16xf32>
        %swap3A_1000 = vector.shape_cast %get3A_991 : vector<16xf32> to vector<1x16xf32>
        tpu.vector_store %arg9[%swap3A_996, %swap3A_997], %swap3A_1000 {strides = array<i32>} : memref<128x128xf32, #tpu.memory_space<vmem>>, vector<1x16xf32>,
        %add3A_1001 = arith.constant 11 : i32
        %add3A_1002 = arith.addi %mul3A_186, %add3A_1001 : i32
        %add3A_1003 = arith.constant 32 : i32
        %add3A_1004 = arith.addi %squeeze3A_966, %add3A_1003 : i32
        %get3A_1005 = arith.index_cast %add3A_1002 : i32 to index
        %get3A_1006 = arith.index_cast %add3A_1004 : i32 to index
        %get3A_1007 = tpu.vector_load %arg7[%get3A_1005, %get3A_1006] {strides = array<i32>} : memref<256x128xf32, #tpu.memory_space<vmem>>, vector<1x16xf32>,
        %get3A_1008 = vector.shape_cast %get3A_1007 : vector<1x16xf32> to vector<16xf32>
        %mul3A_1009 = arith.constant 8 : i32
        %mul3A_1010 = arith.muli %mul3A_1009, %scan3A_184 : i32
        %add3A_1011 = arith.constant 5 : i32
        %add3A_1012 = arith.addi %mul3A_1010, %add3A_1011 : i32
        %swap3A_1013 = arith.index_cast %add3A_1012 : i32 to index
        %swap3A_1014 = arith.constant 96 : index
        %swap3A_1015 = tpu.vector_load %arg9[%swap3A_1013, %swap3A_1014] {strides = array<i32>} : memref<128x128xf32, #tpu.memory_space<vmem>>, vector<1x16xf32>,
        %swap3A_1016 = vector.shape_cast %swap3A_1015 : vector<1x16xf32> to vector<16xf32>
        %swap3A_1017 = vector.shape_cast %get3A_1008 : vector<16xf32> to vector<1x16xf32>
        tpu.vector_store %arg9[%swap3A_1013, %swap3A_1014], %swap3A_1017 {strides = array<i32>} : memref<128x128xf32, #tpu.memory_space<vmem>>, vector<1x16xf32>,
        %add3A_1018 = arith.constant 11 : i32
        %add3A_1019 = arith.addi %mul3A_186, %add3A_1018 : i32
        %add3A_1020 = arith.constant 48 : i32
        %add3A_1021 = arith.addi %squeeze3A_966, %add3A_1020 : i32
        %get3A_1022 = arith.index_cast %add3A_1019 : i32 to index
        %get3A_1023 = arith.index_cast %add3A_1021 : i32 to index
        %get3A_1024 = tpu.vector_load %arg7[%get3A_1022, %get3A_1023] {strides = array<i32>} : memref<256x128xf32, #tpu.memory_space<vmem>>, vector<1x16xf32>,
        %get3A_1025 = vector.shape_cast %get3A_1024 : vector<1x16xf32> to vector<16xf32>
        %mul3A_1026 = arith.constant 8 : i32
        %mul3A_1027 = arith.muli %mul3A_1026, %scan3A_184 : i32
        %add3A_1028 = arith.constant 5 : i32
        %add3A_1029 = arith.addi %mul3A_1027, %add3A_1028 : i32
        %swap3A_1030 = arith.index_cast %add3A_1029 : i32 to index
        %swap3A_1031 = arith.constant 112 : index
        %swap3A_1032 = tpu.vector_load %arg9[%swap3A_1030, %swap3A_1031] {strides = array<i32>} : memref<128x128xf32, #tpu.memory_space<vmem>>, vector<1x16xf32>,
        %swap3A_1033 = vector.shape_cast %swap3A_1032 : vector<1x16xf32> to vector<16xf32>
        %swap3A_1034 = vector.shape_cast %get3A_1025 : vector<16xf32> to vector<1x16xf32>
        tpu.vector_store %arg9[%swap3A_1030, %swap3A_1031], %swap3A_1034 {strides = array<i32>} : memref<128x128xf32, #tpu.memory_space<vmem>>, vector<1x16xf32>,
        %slice3A_1035 = vector.extract_strided_slice %mul3A_197 {offsets = [12], sizes = [1], strides = [1]} : vector<16xi32> to vector<1xi32>
        %squeeze3A_1036 = vector.extract %slice3A_1035[0] : i32 from vector<1xi32>
        %add3A_1037 = arith.constant 12 : i32
        %add3A_1038 = arith.addi %mul3A_186, %add3A_1037 : i32
        %add3A_1039 = arith.constant 0 : i32
        %add3A_1040 = arith.addi %squeeze3A_1036, %add3A_1039 : i32
        %get3A_1041 = arith.index_cast %add3A_1038 : i32 to index
        %get3A_1042 = arith.index_cast %add3A_1040 : i32 to index
        %get3A_1043 = tpu.vector_load %arg7[%get3A_1041, %get3A_1042] {strides = array<i32>} : memref<256x128xf32, #tpu.memory_space<vmem>>, vector<1x16xf32>,
        %get3A_1044 = vector.shape_cast %get3A_1043 : vector<1x16xf32> to vector<16xf32>
        %mul3A_1045 = arith.constant 8 : i32
        %mul3A_1046 = arith.muli %mul3A_1045, %scan3A_184 : i32
        %add3A_1047 = arith.constant 6 : i32
        %add3A_1048 = arith.addi %mul3A_1046, %add3A_1047 : i32
        %swap3A_1049 = arith.index_cast %add3A_1048 : i32 to index
        %swap3A_1050 = arith.constant 0 : index
        %swap3A_1051 = tpu.vector_load %arg9[%swap3A_1049, %swap3A_1050] {strides = array<i32>} : memref<128x128xf32, #tpu.memory_space<vmem>>, vector<1x16xf32>,
        %swap3A_1052 = vector.shape_cast %swap3A_1051 : vector<1x16xf32> to vector<16xf32>
        %swap3A_1053 = vector.shape_cast %get3A_1044 : vector<16xf32> to vector<1x16xf32>
        tpu.vector_store %arg9[%swap3A_1049, %swap3A_1050], %swap3A_1053 {strides = array<i32>} : memref<128x128xf32, #tpu.memory_space<vmem>>, vector<1x16xf32>,
        %add3A_1054 = arith.constant 12 : i32
        %add3A_1055 = arith.addi %mul3A_186, %add3A_1054 : i32
        %add3A_1056 = arith.constant 16 : i32
        %add3A_1057 = arith.addi %squeeze3A_1036, %add3A_1056 : i32
        %get3A_1058 = arith.index_cast %add3A_1055 : i32 to index
        %get3A_1059 = arith.index_cast %add3A_1057 : i32 to index
        %get3A_1060 = tpu.vector_load %arg7[%get3A_1058, %get3A_1059] {strides = array<i32>} : memref<256x128xf32, #tpu.memory_space<vmem>>, vector<1x16xf32>,
        %get3A_1061 = vector.shape_cast %get3A_1060 : vector<1x16xf32> to vector<16xf32>
        %mul3A_1062 = arith.constant 8 : i32
        %mul3A_1063 = arith.muli %mul3A_1062, %scan3A_184 : i32
        %add3A_1064 = arith.constant 6 : i32
        %add3A_1065 = arith.addi %mul3A_1063, %add3A_1064 : i32
        %swap3A_1066 = arith.index_cast %add3A_1065 : i32 to index
        %swap3A_1067 = arith.constant 16 : index
        %swap3A_1068 = tpu.vector_load %arg9[%swap3A_1066, %swap3A_1067] {strides = array<i32>} : memref<128x128xf32, #tpu.memory_space<vmem>>, vector<1x16xf32>,
        %swap3A_1069 = vector.shape_cast %swap3A_1068 : vector<1x16xf32> to vector<16xf32>
        %swap3A_1070 = vector.shape_cast %get3A_1061 : vector<16xf32> to vector<1x16xf32>
        tpu.vector_store %arg9[%swap3A_1066, %swap3A_1067], %swap3A_1070 {strides = array<i32>} : memref<128x128xf32, #tpu.memory_space<vmem>>, vector<1x16xf32>,
        %add3A_1071 = arith.constant 12 : i32
        %add3A_1072 = arith.addi %mul3A_186, %add3A_1071 : i32
        %add3A_1073 = arith.constant 32 : i32
        %add3A_1074 = arith.addi %squeeze3A_1036, %add3A_1073 : i32
        %get3A_1075 = arith.index_cast %add3A_1072 : i32 to index
        %get3A_1076 = arith.index_cast %add3A_1074 : i32 to index
        %get3A_1077 = tpu.vector_load %arg7[%get3A_1075, %get3A_1076] {strides = array<i32>} : memref<256x128xf32, #tpu.memory_space<vmem>>, vector<1x16xf32>,
        %get3A_1078 = vector.shape_cast %get3A_1077 : vector<1x16xf32> to vector<16xf32>
        %mul3A_1079 = arith.constant 8 : i32
        %mul3A_1080 = arith.muli %mul3A_1079, %scan3A_184 : i32
        %add3A_1081 = arith.constant 6 : i32
        %add3A_1082 = arith.addi %mul3A_1080, %add3A_1081 : i32
        %swap3A_1083 = arith.index_cast %add3A_1082 : i32 to index
        %swap3A_1084 = arith.constant 32 : index
        %swap3A_1085 = tpu.vector_load %arg9[%swap3A_1083, %swap3A_1084] {strides = array<i32>} : memref<128x128xf32, #tpu.memory_space<vmem>>, vector<1x16xf32>,
        %swap3A_1086 = vector.shape_cast %swap3A_1085 : vector<1x16xf32> to vector<16xf32>
        %swap3A_1087 = vector.shape_cast %get3A_1078 : vector<16xf32> to vector<1x16xf32>
        tpu.vector_store %arg9[%swap3A_1083, %swap3A_1084], %swap3A_1087 {strides = array<i32>} : memref<128x128xf32, #tpu.memory_space<vmem>>, vector<1x16xf32>,
        %add3A_1088 = arith.constant 12 : i32
        %add3A_1089 = arith.addi %mul3A_186, %add3A_1088 : i32
        %add3A_1090 = arith.constant 48 : i32
        %add3A_1091 = arith.addi %squeeze3A_1036, %add3A_1090 : i32
        %get3A_1092 = arith.index_cast %add3A_1089 : i32 to index
        %get3A_1093 = arith.index_cast %add3A_1091 : i32 to index
        %get3A_1094 = tpu.vector_load %arg7[%get3A_1092, %get3A_1093] {strides = array<i32>} : memref<256x128xf32, #tpu.memory_space<vmem>>, vector<1x16xf32>,
        %get3A_1095 = vector.shape_cast %get3A_1094 : vector<1x16xf32> to vector<16xf32>
        %mul3A_1096 = arith.constant 8 : i32
        %mul3A_1097 = arith.muli %mul3A_1096, %scan3A_184 : i32
        %add3A_1098 = arith.constant 6 : i32
        %add3A_1099 = arith.addi %mul3A_1097, %add3A_1098 : i32
        %swap3A_1100 = arith.index_cast %add3A_1099 : i32 to index
        %swap3A_1101 = arith.constant 48 : index
        %swap3A_1102 = tpu.vector_load %arg9[%swap3A_1100, %swap3A_1101] {strides = array<i32>} : memref<128x128xf32, #tpu.memory_space<vmem>>, vector<1x16xf32>,
        %swap3A_1103 = vector.shape_cast %swap3A_1102 : vector<1x16xf32> to vector<16xf32>
        %swap3A_1104 = vector.shape_cast %get3A_1095 : vector<16xf32> to vector<1x16xf32>
        tpu.vector_store %arg9[%swap3A_1100, %swap3A_1101], %swap3A_1104 {strides = array<i32>} : memref<128x128xf32, #tpu.memory_space<vmem>>, vector<1x16xf32>,
        %slice3A_1105 = vector.extract_strided_slice %mul3A_197 {offsets = [13], sizes = [1], strides = [1]} : vector<16xi32> to vector<1xi32>
        %squeeze3A_1106 = vector.extract %slice3A_1105[0] : i32 from vector<1xi32>
        %add3A_1107 = arith.constant 13 : i32
        %add3A_1108 = arith.addi %mul3A_186, %add3A_1107 : i32
        %add3A_1109 = arith.constant 0 : i32
        %add3A_1110 = arith.addi %squeeze3A_1106, %add3A_1109 : i32
        %get3A_1111 = arith.index_cast %add3A_1108 : i32 to index
        %get3A_1112 = arith.index_cast %add3A_1110 : i32 to index
        %get3A_1113 = tpu.vector_load %arg7[%get3A_1111, %get3A_1112] {strides = array<i32>} : memref<256x128xf32, #tpu.memory_space<vmem>>, vector<1x16xf32>,
        %get3A_1114 = vector.shape_cast %get3A_1113 : vector<1x16xf32> to vector<16xf32>
        %mul3A_1115 = arith.constant 8 : i32
        %mul3A_1116 = arith.muli %mul3A_1115, %scan3A_184 : i32
        %add3A_1117 = arith.constant 6 : i32
        %add3A_1118 = arith.addi %mul3A_1116, %add3A_1117 : i32
        %swap3A_1119 = arith.index_cast %add3A_1118 : i32 to index
        %swap3A_1120 = arith.constant 64 : index
        %swap3A_1121 = tpu.vector_load %arg9[%swap3A_1119, %swap3A_1120] {strides = array<i32>} : memref<128x128xf32, #tpu.memory_space<vmem>>, vector<1x16xf32>,
        %swap3A_1122 = vector.shape_cast %swap3A_1121 : vector<1x16xf32> to vector<16xf32>
        %swap3A_1123 = vector.shape_cast %get3A_1114 : vector<16xf32> to vector<1x16xf32>
        tpu.vector_store %arg9[%swap3A_1119, %swap3A_1120], %swap3A_1123 {strides = array<i32>} : memref<128x128xf32, #tpu.memory_space<vmem>>, vector<1x16xf32>,
        %add3A_1124 = arith.constant 13 : i32
        %add3A_1125 = arith.addi %mul3A_186, %add3A_1124 : i32
        %add3A_1126 = arith.constant 16 : i32
        %add3A_1127 = arith.addi %squeeze3A_1106, %add3A_1126 : i32
        %get3A_1128 = arith.index_cast %add3A_1125 : i32 to index
        %get3A_1129 = arith.index_cast %add3A_1127 : i32 to index
        %get3A_1130 = tpu.vector_load %arg7[%get3A_1128, %get3A_1129] {strides = array<i32>} : memref<256x128xf32, #tpu.memory_space<vmem>>, vector<1x16xf32>,
        %get3A_1131 = vector.shape_cast %get3A_1130 : vector<1x16xf32> to vector<16xf32>
        %mul3A_1132 = arith.constant 8 : i32
        %mul3A_1133 = arith.muli %mul3A_1132, %scan3A_184 : i32
        %add3A_1134 = arith.constant 6 : i32
        %add3A_1135 = arith.addi %mul3A_1133, %add3A_1134 : i32
        %swap3A_1136 = arith.index_cast %add3A_1135 : i32 to index
        %swap3A_1137 = arith.constant 80 : index
        %swap3A_1138 = tpu.vector_load %arg9[%swap3A_1136, %swap3A_1137] {strides = array<i32>} : memref<128x128xf32, #tpu.memory_space<vmem>>, vector<1x16xf32>,
        %swap3A_1139 = vector.shape_cast %swap3A_1138 : vector<1x16xf32> to vector<16xf32>
        %swap3A_1140 = vector.shape_cast %get3A_1131 : vector<16xf32> to vector<1x16xf32>
        tpu.vector_store %arg9[%swap3A_1136, %swap3A_1137], %swap3A_1140 {strides = array<i32>} : memref<128x128xf32, #tpu.memory_space<vmem>>, vector<1x16xf32>,
        %add3A_1141 = arith.constant 13 : i32
        %add3A_1142 = arith.addi %mul3A_186, %add3A_1141 : i32
        %add3A_1143 = arith.constant 32 : i32
        %add3A_1144 = arith.addi %squeeze3A_1106, %add3A_1143 : i32
        %get3A_1145 = arith.index_cast %add3A_1142 : i32 to index
        %get3A_1146 = arith.index_cast %add3A_1144 : i32 to index
        %get3A_1147 = tpu.vector_load %arg7[%get3A_1145, %get3A_1146] {strides = array<i32>} : memref<256x128xf32, #tpu.memory_space<vmem>>, vector<1x16xf32>,
        %get3A_1148 = vector.shape_cast %get3A_1147 : vector<1x16xf32> to vector<16xf32>
        %mul3A_1149 = arith.constant 8 : i32
        %mul3A_1150 = arith.muli %mul3A_1149, %scan3A_184 : i32
        %add3A_1151 = arith.constant 6 : i32
        %add3A_1152 = arith.addi %mul3A_1150, %add3A_1151 : i32
        %swap3A_1153 = arith.index_cast %add3A_1152 : i32 to index
        %swap3A_1154 = arith.constant 96 : index
        %swap3A_1155 = tpu.vector_load %arg9[%swap3A_1153, %swap3A_1154] {strides = array<i32>} : memref<128x128xf32, #tpu.memory_space<vmem>>, vector<1x16xf32>,
        %swap3A_1156 = vector.shape_cast %swap3A_1155 : vector<1x16xf32> to vector<16xf32>
        %swap3A_1157 = vector.shape_cast %get3A_1148 : vector<16xf32> to vector<1x16xf32>
        tpu.vector_store %arg9[%swap3A_1153, %swap3A_1154], %swap3A_1157 {strides = array<i32>} : memref<128x128xf32, #tpu.memory_space<vmem>>, vector<1x16xf32>,
        %add3A_1158 = arith.constant 13 : i32
        %add3A_1159 = arith.addi %mul3A_186, %add3A_1158 : i32
        %add3A_1160 = arith.constant 48 : i32
        %add3A_1161 = arith.addi %squeeze3A_1106, %add3A_1160 : i32
        %get3A_1162 = arith.index_cast %add3A_1159 : i32 to index
        %get3A_1163 = arith.index_cast %add3A_1161 : i32 to index
        %get3A_1164 = tpu.vector_load %arg7[%get3A_1162, %get3A_1163] {strides = array<i32>} : memref<256x128xf32, #tpu.memory_space<vmem>>, vector<1x16xf32>,
        %get3A_1165 = vector.shape_cast %get3A_1164 : vector<1x16xf32> to vector<16xf32>
        %mul3A_1166 = arith.constant 8 : i32
        %mul3A_1167 = arith.muli %mul3A_1166, %scan3A_184 : i32
        %add3A_1168 = arith.constant 6 : i32
        %add3A_1169 = arith.addi %mul3A_1167, %add3A_1168 : i32
        %swap3A_1170 = arith.index_cast %add3A_1169 : i32 to index
        %swap3A_1171 = arith.constant 112 : index
        %swap3A_1172 = tpu.vector_load %arg9[%swap3A_1170, %swap3A_1171] {strides = array<i32>} : memref<128x128xf32, #tpu.memory_space<vmem>>, vector<1x16xf32>,
        %swap3A_1173 = vector.shape_cast %swap3A_1172 : vector<1x16xf32> to vector<16xf32>
        %swap3A_1174 = vector.shape_cast %get3A_1165 : vector<16xf32> to vector<1x16xf32>
        tpu.vector_store %arg9[%swap3A_1170, %swap3A_1171], %swap3A_1174 {strides = array<i32>} : memref<128x128xf32, #tpu.memory_space<vmem>>, vector<1x16xf32>,
        %slice3A_1175 = vector.extract_strided_slice %mul3A_197 {offsets = [14], sizes = [1], strides = [1]} : vector<16xi32> to vector<1xi32>
        %squeeze3A_1176 = vector.extract %slice3A_1175[0] : i32 from vector<1xi32>
        %add3A_1177 = arith.constant 14 : i32
        %add3A_1178 = arith.addi %mul3A_186, %add3A_1177 : i32
        %add3A_1179 = arith.constant 0 : i32
        %add3A_1180 = arith.addi %squeeze3A_1176, %add3A_1179 : i32
        %get3A_1181 = arith.index_cast %add3A_1178 : i32 to index
        %get3A_1182 = arith.index_cast %add3A_1180 : i32 to index
        %get3A_1183 = tpu.vector_load %arg7[%get3A_1181, %get3A_1182] {strides = array<i32>} : memref<256x128xf32, #tpu.memory_space<vmem>>, vector<1x16xf32>,
        %get3A_1184 = vector.shape_cast %get3A_1183 : vector<1x16xf32> to vector<16xf32>
        %mul3A_1185 = arith.constant 8 : i32
        %mul3A_1186 = arith.muli %mul3A_1185, %scan3A_184 : i32
        %add3A_1187 = arith.constant 7 : i32
        %add3A_1188 = arith.addi %mul3A_1186, %add3A_1187 : i32
        %swap3A_1189 = arith.index_cast %add3A_1188 : i32 to index
        %swap3A_1190 = arith.constant 0 : index
        %swap3A_1191 = tpu.vector_load %arg9[%swap3A_1189, %swap3A_1190] {strides = array<i32>} : memref<128x128xf32, #tpu.memory_space<vmem>>, vector<1x16xf32>,
        %swap3A_1192 = vector.shape_cast %swap3A_1191 : vector<1x16xf32> to vector<16xf32>
        %swap3A_1193 = vector.shape_cast %get3A_1184 : vector<16xf32> to vector<1x16xf32>
        tpu.vector_store %arg9[%swap3A_1189, %swap3A_1190], %swap3A_1193 {strides = array<i32>} : memref<128x128xf32, #tpu.memory_space<vmem>>, vector<1x16xf32>,
        %add3A_1194 = arith.constant 14 : i32
        %add3A_1195 = arith.addi %mul3A_186, %add3A_1194 : i32
        %add3A_1196 = arith.constant 16 : i32
        %add3A_1197 = arith.addi %squeeze3A_1176, %add3A_1196 : i32
        %get3A_1198 = arith.index_cast %add3A_1195 : i32 to index
        %get3A_1199 = arith.index_cast %add3A_1197 : i32 to index
        %get3A_1200 = tpu.vector_load %arg7[%get3A_1198, %get3A_1199] {strides = array<i32>} : memref<256x128xf32, #tpu.memory_space<vmem>>, vector<1x16xf32>,
        %get3A_1201 = vector.shape_cast %get3A_1200 : vector<1x16xf32> to vector<16xf32>
        %mul3A_1202 = arith.constant 8 : i32
        %mul3A_1203 = arith.muli %mul3A_1202, %scan3A_184 : i32
        %add3A_1204 = arith.constant 7 : i32
        %add3A_1205 = arith.addi %mul3A_1203, %add3A_1204 : i32
        %swap3A_1206 = arith.index_cast %add3A_1205 : i32 to index
        %swap3A_1207 = arith.constant 16 : index
        %swap3A_1208 = tpu.vector_load %arg9[%swap3A_1206, %swap3A_1207] {strides = array<i32>} : memref<128x128xf32, #tpu.memory_space<vmem>>, vector<1x16xf32>,
        %swap3A_1209 = vector.shape_cast %swap3A_1208 : vector<1x16xf32> to vector<16xf32>
        %swap3A_1210 = vector.shape_cast %get3A_1201 : vector<16xf32> to vector<1x16xf32>
        tpu.vector_store %arg9[%swap3A_1206, %swap3A_1207], %swap3A_1210 {strides = array<i32>} : memref<128x128xf32, #tpu.memory_space<vmem>>, vector<1x16xf32>,
        %add3A_1211 = arith.constant 14 : i32
        %add3A_1212 = arith.addi %mul3A_186, %add3A_1211 : i32
        %add3A_1213 = arith.constant 32 : i32
        %add3A_1214 = arith.addi %squeeze3A_1176, %add3A_1213 : i32
        %get3A_1215 = arith.index_cast %add3A_1212 : i32 to index
        %get3A_1216 = arith.index_cast %add3A_1214 : i32 to index
        %get3A_1217 = tpu.vector_load %arg7[%get3A_1215, %get3A_1216] {strides = array<i32>} : memref<256x128xf32, #tpu.memory_space<vmem>>, vector<1x16xf32>,
        %get3A_1218 = vector.shape_cast %get3A_1217 : vector<1x16xf32> to vector<16xf32>
        %mul3A_1219 = arith.constant 8 : i32
        %mul3A_1220 = arith.muli %mul3A_1219, %scan3A_184 : i32
        %add3A_1221 = arith.constant 7 : i32
        %add3A_1222 = arith.addi %mul3A_1220, %add3A_1221 : i32
        %swap3A_1223 = arith.index_cast %add3A_1222 : i32 to index
        %swap3A_1224 = arith.constant 32 : index
        %swap3A_1225 = tpu.vector_load %arg9[%swap3A_1223, %swap3A_1224] {strides = array<i32>} : memref<128x128xf32, #tpu.memory_space<vmem>>, vector<1x16xf32>,
        %swap3A_1226 = vector.shape_cast %swap3A_1225 : vector<1x16xf32> to vector<16xf32>
        %swap3A_1227 = vector.shape_cast %get3A_1218 : vector<16xf32> to vector<1x16xf32>
        tpu.vector_store %arg9[%swap3A_1223, %swap3A_1224], %swap3A_1227 {strides = array<i32>} : memref<128x128xf32, #tpu.memory_space<vmem>>, vector<1x16xf32>,
        %add3A_1228 = arith.constant 14 : i32
        %add3A_1229 = arith.addi %mul3A_186, %add3A_1228 : i32
        %add3A_1230 = arith.constant 48 : i32
        %add3A_1231 = arith.addi %squeeze3A_1176, %add3A_1230 : i32
        %get3A_1232 = arith.index_cast %add3A_1229 : i32 to index
        %get3A_1233 = arith.index_cast %add3A_1231 : i32 to index
        %get3A_1234 = tpu.vector_load %arg7[%get3A_1232, %get3A_1233] {strides = array<i32>} : memref<256x128xf32, #tpu.memory_space<vmem>>, vector<1x16xf32>,
        %get3A_1235 = vector.shape_cast %get3A_1234 : vector<1x16xf32> to vector<16xf32>
        %mul3A_1236 = arith.constant 8 : i32
        %mul3A_1237 = arith.muli %mul3A_1236, %scan3A_184 : i32
        %add3A_1238 = arith.constant 7 : i32
        %add3A_1239 = arith.addi %mul3A_1237, %add3A_1238 : i32
        %swap3A_1240 = arith.index_cast %add3A_1239 : i32 to index
        %swap3A_1241 = arith.constant 48 : index
        %swap3A_1242 = tpu.vector_load %arg9[%swap3A_1240, %swap3A_1241] {strides = array<i32>} : memref<128x128xf32, #tpu.memory_space<vmem>>, vector<1x16xf32>,
        %swap3A_1243 = vector.shape_cast %swap3A_1242 : vector<1x16xf32> to vector<16xf32>
        %swap3A_1244 = vector.shape_cast %get3A_1235 : vector<16xf32> to vector<1x16xf32>
        tpu.vector_store %arg9[%swap3A_1240, %swap3A_1241], %swap3A_1244 {strides = array<i32>} : memref<128x128xf32, #tpu.memory_space<vmem>>, vector<1x16xf32>,
        %slice3A_1245 = vector.extract_strided_slice %mul3A_197 {offsets = [15], sizes = [1], strides = [1]} : vector<16xi32> to vector<1xi32>
        %squeeze3A_1246 = vector.extract %slice3A_1245[0] : i32 from vector<1xi32>
        %add3A_1247 = arith.constant 15 : i32
        %add3A_1248 = arith.addi %mul3A_186, %add3A_1247 : i32
        %add3A_1249 = arith.constant 0 : i32
        %add3A_1250 = arith.addi %squeeze3A_1246, %add3A_1249 : i32
        %get3A_1251 = arith.index_cast %add3A_1248 : i32 to index
        %get3A_1252 = arith.index_cast %add3A_1250 : i32 to index
        %get3A_1253 = tpu.vector_load %arg7[%get3A_1251, %get3A_1252] {strides = array<i32>} : memref<256x128xf32, #tpu.memory_space<vmem>>, vector<1x16xf32>,
        %get3A_1254 = vector.shape_cast %get3A_1253 : vector<1x16xf32> to vector<16xf32>
        %mul3A_1255 = arith.constant 8 : i32
        %mul3A_1256 = arith.muli %mul3A_1255, %scan3A_184 : i32
        %add3A_1257 = arith.constant 7 : i32
        %add3A_1258 = arith.addi %mul3A_1256, %add3A_1257 : i32
        %swap3A_1259 = arith.index_cast %add3A_1258 : i32 to index
        %swap3A_1260 = arith.constant 64 : index
        %swap3A_1261 = tpu.vector_load %arg9[%swap3A_1259, %swap3A_1260] {strides = array<i32>} : memref<128x128xf32, #tpu.memory_space<vmem>>, vector<1x16xf32>,
        %swap3A_1262 = vector.shape_cast %swap3A_1261 : vector<1x16xf32> to vector<16xf32>
        %swap3A_1263 = vector.shape_cast %get3A_1254 : vector<16xf32> to vector<1x16xf32>
        tpu.vector_store %arg9[%swap3A_1259, %swap3A_1260], %swap3A_1263 {strides = array<i32>} : memref<128x128xf32, #tpu.memory_space<vmem>>, vector<1x16xf32>,
        %add3A_1264 = arith.constant 15 : i32
        %add3A_1265 = arith.addi %mul3A_186, %add3A_1264 : i32
        %add3A_1266 = arith.constant 16 : i32
        %add3A_1267 = arith.addi %squeeze3A_1246, %add3A_1266 : i32
        %get3A_1268 = arith.index_cast %add3A_1265 : i32 to index
        %get3A_1269 = arith.index_cast %add3A_1267 : i32 to index
        %get3A_1270 = tpu.vector_load %arg7[%get3A_1268, %get3A_1269] {strides = array<i32>} : memref<256x128xf32, #tpu.memory_space<vmem>>, vector<1x16xf32>,
        %get3A_1271 = vector.shape_cast %get3A_1270 : vector<1x16xf32> to vector<16xf32>
        %mul3A_1272 = arith.constant 8 : i32
        %mul3A_1273 = arith.muli %mul3A_1272, %scan3A_184 : i32
        %add3A_1274 = arith.constant 7 : i32
        %add3A_1275 = arith.addi %mul3A_1273, %add3A_1274 : i32
        %swap3A_1276 = arith.index_cast %add3A_1275 : i32 to index
        %swap3A_1277 = arith.constant 80 : index
        %swap3A_1278 = tpu.vector_load %arg9[%swap3A_1276, %swap3A_1277] {strides = array<i32>} : memref<128x128xf32, #tpu.memory_space<vmem>>, vector<1x16xf32>,
        %swap3A_1279 = vector.shape_cast %swap3A_1278 : vector<1x16xf32> to vector<16xf32>
        %swap3A_1280 = vector.shape_cast %get3A_1271 : vector<16xf32> to vector<1x16xf32>
        tpu.vector_store %arg9[%swap3A_1276, %swap3A_1277], %swap3A_1280 {strides = array<i32>} : memref<128x128xf32, #tpu.memory_space<vmem>>, vector<1x16xf32>,
        %add3A_1281 = arith.constant 15 : i32
        %add3A_1282 = arith.addi %mul3A_186, %add3A_1281 : i32
        %add3A_1283 = arith.constant 32 : i32
        %add3A_1284 = arith.addi %squeeze3A_1246, %add3A_1283 : i32
        %get3A_1285 = arith.index_cast %add3A_1282 : i32 to index
        %get3A_1286 = arith.index_cast %add3A_1284 : i32 to index
        %get3A_1287 = tpu.vector_load %arg7[%get3A_1285, %get3A_1286] {strides = array<i32>} : memref<256x128xf32, #tpu.memory_space<vmem>>, vector<1x16xf32>,
        %get3A_1288 = vector.shape_cast %get3A_1287 : vector<1x16xf32> to vector<16xf32>
        %mul3A_1289 = arith.constant 8 : i32
        %mul3A_1290 = arith.muli %mul3A_1289, %scan3A_184 : i32
        %add3A_1291 = arith.constant 7 : i32
        %add3A_1292 = arith.addi %mul3A_1290, %add3A_1291 : i32
        %swap3A_1293 = arith.index_cast %add3A_1292 : i32 to index
        %swap3A_1294 = arith.constant 96 : index
        %swap3A_1295 = tpu.vector_load %arg9[%swap3A_1293, %swap3A_1294] {strides = array<i32>} : memref<128x128xf32, #tpu.memory_space<vmem>>, vector<1x16xf32>,
        %swap3A_1296 = vector.shape_cast %swap3A_1295 : vector<1x16xf32> to vector<16xf32>
        %swap3A_1297 = vector.shape_cast %get3A_1288 : vector<16xf32> to vector<1x16xf32>
        tpu.vector_store %arg9[%swap3A_1293, %swap3A_1294], %swap3A_1297 {strides = array<i32>} : memref<128x128xf32, #tpu.memory_space<vmem>>, vector<1x16xf32>,
        %add3A_1298 = arith.constant 15 : i32
        %add3A_1299 = arith.addi %mul3A_186, %add3A_1298 : i32
        %add3A_1300 = arith.constant 48 : i32
        %add3A_1301 = arith.addi %squeeze3A_1246, %add3A_1300 : i32
        %get3A_1302 = arith.index_cast %add3A_1299 : i32 to index
        %get3A_1303 = arith.index_cast %add3A_1301 : i32 to index
        %get3A_1304 = tpu.vector_load %arg7[%get3A_1302, %get3A_1303] {strides = array<i32>} : memref<256x128xf32, #tpu.memory_space<vmem>>, vector<1x16xf32>,
        %get3A_1305 = vector.shape_cast %get3A_1304 : vector<1x16xf32> to vector<16xf32>
        %mul3A_1306 = arith.constant 8 : i32
        %mul3A_1307 = arith.muli %mul3A_1306, %scan3A_184 : i32
        %add3A_1308 = arith.constant 7 : i32
        %add3A_1309 = arith.addi %mul3A_1307, %add3A_1308 : i32
        %swap3A_1310 = arith.index_cast %add3A_1309 : i32 to index
        %swap3A_1311 = arith.constant 112 : index
        %swap3A_1312 = tpu.vector_load %arg9[%swap3A_1310, %swap3A_1311] {strides = array<i32>} : memref<128x128xf32, #tpu.memory_space<vmem>>, vector<1x16xf32>,
        %swap3A_1313 = vector.shape_cast %swap3A_1312 : vector<1x16xf32> to vector<16xf32>
        %swap3A_1314 = vector.shape_cast %get3A_1305 : vector<16xf32> to vector<1x16xf32>
        tpu.vector_store %arg9[%swap3A_1310, %swap3A_1311], %swap3A_1314 {strides = array<i32>} : memref<128x128xf32, #tpu.memory_space<vmem>>, vector<1x16xf32>,
      }
      %scan3A_88 = arith.constant 16 : i32
      %mul3A_89 = arith.constant 256 : i32
      %mul3A_90 = arith.muli %add3A_75, %mul3A_89 : i32
      %add3A_91 = arith.addi %mul3A_2, %mul3A_90 : i32
      %jit3A_92 = arith.constant 2 : i32
      %div3A_93 = arith.divsi %add3A_91, %jit3A_92 : i32
      %sign3A_94 = arith.constant 0 : i32
      %sign3A_95 = arith.cmpi sgt, %add3A_91, %sign3A_94 : i32
      %sign3A_96 = arith.extui %sign3A_95 : i1 to i32
      %sign3A_97 = arith.constant 0 : i32
      %sign3A_98 = arith.cmpi slt, %add3A_91, %sign3A_97 : i32
      %sign3A_99 = arith.extui %sign3A_98 : i1 to i32
      %sign3A_100 = arith.subi %sign3A_96, %sign3A_99 : i32
      %sign3A_101 = arith.constant 0 : i32
      %sign3A_102 = arith.cmpi sgt, %jit3A_92, %sign3A_101 : i32
      %sign3A_103 = arith.extui %sign3A_102 : i1 to i32
      %sign3A_104 = arith.constant 0 : i32
      %sign3A_105 = arith.cmpi slt, %jit3A_92, %sign3A_104 : i32
      %sign3A_106 = arith.extui %sign3A_105 : i1 to i32
      %sign3A_107 = arith.subi %sign3A_103, %sign3A_106 : i32
      %ne3A_108 = arith.cmpi ne, %sign3A_100, %sign3A_107 : i32
      %rem3A_109 = arith.remsi %add3A_91, %jit3A_92 : i32
      %ne3A_110 = arith.constant 0 : i32
      %ne3A_111 = arith.cmpi ne, %rem3A_109, %ne3A_110 : i32
      %and3A_112 = arith.andi %ne3A_108, %ne3A_111 : i1
      %sub3A_113 = arith.constant 1 : i32
      %sub3A_114 = arith.subi %div3A_93, %sub3A_113 : i32
      %select_n3A_115 = arith.select %and3A_112, %sub3A_114, %div3A_93 : i32
      %multiple_of3A_116 = tpu.assume_multiple %select_n3A_115, 8 : i32
      %dma_start3A_117 = arith.constant 0 : i32
      %dma_start3A_118 = tpu.memref_slice %arg4[%multiple_of3A_116, %dma_start3A_117] : memref<212992x128xf32, #tpu.memory_space<hbm>> -> memref<128x128xf32, #tpu.memory_space<hbm>>
      %dma_start3A_119 = arith.constant 0 : i32
      %dma_start3A_120 = tpu.memref_slice %arg4[%multiple_of3A_116, %dma_start3A_119] : memref<212992x128xf32, #tpu.memory_space<hbm>> -> memref<128x128xf32, #tpu.memory_space<hbm>>
      tpu.enqueue_dma source(%arg9 : memref<128x128xf32, #tpu.memory_space<vmem>>) target(%dma_start3A_120 : memref<128x128xf32, #tpu.memory_space<hbm>>) target_semaphore(%arg13 : memref<!tpu.dma_semaphore, #tpu.memory_space<semaphore_mem>>)
      %add3A_121 = arith.constant 2 : i32
      %add3A_122 = arith.addi %add3A_75, %add3A_121 : i32
      %lt3A = arith.constant 52 : i32
      %lt3A_123 = arith.cmpi slt, %add3A_122, %lt3A : i32
      %convert_element_type3A_124 = arith.extui %lt3A_123 : i1 to i32
      %cond3A_125 = arith.constant 0 : i32
      %cond3A_126 = arith.cmpi ne, %convert_element_type3A_124, %cond3A_125 : i32
      scf.if %cond3A_126 {
        %add3A_184 = arith.constant 2 : i32
        %add3A_185 = arith.addi %add3A_75, %add3A_184 : i32
        %mul3A_186 = arith.constant 256 : i32
        %mul3A_187 = arith.muli %add3A_185, %mul3A_186 : i32
        %dma_start3A_188 = tpu.memref_slice %arg6[%mul3A_187] : memref<13312xi32, #tpu.memory_space<vmem>> -> memref<256xi32, #tpu.memory_space<vmem>>
        %dma_start3A_189 = arith.constant 0 : i32
        %dma_start3A_190 = arith.constant 0 : i32
        %dma_start3A_191 = tpu.memref_slice %arg3[%dma_start3A_189, %dma_start3A_190] : memref<500000x128xf32, #tpu.memory_space<hbm>> -> memref<500000x128xf32, #tpu.memory_space<hbm>>
        tpu.enqueue_indirect_dma source(%dma_start3A_191 : memref<500000x128xf32, #tpu.memory_space<hbm>>) target(%arg7 : memref<256x128xf32, #tpu.memory_space<vmem>>) offsets(%dma_start3A_188 : memref<256xi32, #tpu.memory_space<vmem>>) semaphore(%arg11 : memref<!tpu.dma_semaphore, #tpu.memory_space<semaphore_mem>>)
      } else {
      }
      %add3A_127 = arith.constant 1 : i32
      %add3A_128 = arith.addi %mul3A_73, %add3A_127 : i32
      %dma_wait3A_129 = arith.constant 0 : i32
      %dma_wait3A_130 = tpu.memref_slice %arg6[%dma_wait3A_129] : memref<13312xi32, #tpu.memory_space<vmem>> -> memref<256xi32, #tpu.memory_space<vmem>>
      %dma_wait3A_131 = arith.constant 0 : i32
      %dma_wait3A_132 = arith.constant 0 : i32
      %dma_wait3A_133 = tpu.memref_slice %arg3[%dma_wait3A_131, %dma_wait3A_132] : memref<500000x128xf32, #tpu.memory_space<hbm>> -> memref<500000x128xf32, #tpu.memory_space<hbm>>
      tpu.wait_indirect_dma semaphore(%arg12 : memref<!tpu.dma_semaphore, #tpu.memory_space<semaphore_mem>>) src(%dma_wait3A_133 : memref<500000x128xf32, #tpu.memory_space<hbm>>) dst(%arg8 : memref<256x128xf32, #tpu.memory_space<vmem>>)
      %ge3A_134 = arith.constant 2 : i32
      %ge3A_135 = arith.cmpi sge, %add3A_128, %ge3A_134 : i32
      %convert_element_type3A_136 = arith.extui %ge3A_135 : i1 to i32
      %cond3A_137 = arith.constant 0 : i32
      %cond3A_138 = arith.cmpi ne, %convert_element_type3A_136, %cond3A_137 : i32
      scf.if %cond3A_138 {
        %jit3A_184 = arith.constant 2 : i32
        %div3A_185 = arith.divsi %mul3A_2, %jit3A_184 : i32
        %sign3A_186 = arith.constant 0 : i32
        %sign3A_187 = arith.cmpi sgt, %mul3A_2, %sign3A_186 : i32
        %sign3A_188 = arith.extui %sign3A_187 : i1 to i32
        %sign3A_189 = arith.constant 0 : i32
        %sign3A_190 = arith.cmpi slt, %mul3A_2, %sign3A_189 : i32
        %sign3A_191 = arith.extui %sign3A_190 : i1 to i32
        %sign3A_192 = arith.subi %sign3A_188, %sign3A_191 : i32
        %sign3A_193 = arith.constant 0 : i32
        %sign3A_194 = arith.cmpi sgt, %jit3A_184, %sign3A_193 : i32
        %sign3A_195 = arith.extui %sign3A_194 : i1 to i32
        %sign3A_196 = arith.constant 0 : i32
        %sign3A_197 = arith.cmpi slt, %jit3A_184, %sign3A_196 : i32
        %sign3A_198 = arith.extui %sign3A_197 : i1 to i32
        %sign3A_199 = arith.subi %sign3A_195, %sign3A_198 : i32
        %ne3A_200 = arith.cmpi ne, %sign3A_192, %sign3A_199 : i32
        %rem3A_201 = arith.remsi %mul3A_2, %jit3A_184 : i32
        %ne3A_202 = arith.constant 0 : i32
        %ne3A_203 = arith.cmpi ne, %rem3A_201, %ne3A_202 : i32
        %and3A_204 = arith.andi %ne3A_200, %ne3A_203 : i1
        %sub3A_205 = arith.constant 1 : i32
        %sub3A_206 = arith.subi %div3A_185, %sub3A_205 : i32
        %select_n3A_207 = arith.select %and3A_204, %sub3A_206, %div3A_185 : i32
        %multiple_of3A_208 = tpu.assume_multiple %select_n3A_207, 8 : i32
        %dma_wait3A_209 = arith.constant 0 : i32
        %dma_wait3A_210 = tpu.memref_slice %arg4[%multiple_of3A_208, %dma_wait3A_209] : memref<212992x128xf32, #tpu.memory_space<hbm>> -> memref<128x128xf32, #tpu.memory_space<hbm>>
        %dma_wait3A_211 = arith.constant 0 : i32
        %dma_wait3A_212 = tpu.memref_slice %arg4[%multiple_of3A_208, %dma_wait3A_211] : memref<212992x128xf32, #tpu.memory_space<hbm>> -> memref<128x128xf32, #tpu.memory_space<hbm>>
        tpu.wait_dma2 semaphore(%arg14 : memref<!tpu.dma_semaphore, #tpu.memory_space<semaphore_mem>>) src(%arg10 : memref<128x128xf32, #tpu.memory_space<vmem>>) dst(%dma_wait3A_212 : memref<128x128xf32, #tpu.memory_space<hbm>>)
      } else {
      }
      %scan3A_139 = arith.constant 0 : i32
      %scan3A_140 = arith.constant 0 : i32
      %scan3A_141 = arith.constant 16 : i32
      %scan3A_142 = arith.addi %scan3A_140, %scan3A_141 : i32
      %scan3A_143 = arith.constant 1 : i32
      scf.for %scan3A_184 = %scan3A_140 to %scan3A_142 step %scan3A_143  : i32 {
        %mul3A_185 = arith.constant 16 : i32
        %mul3A_186 = arith.muli %mul3A_185, %scan3A_184 : i32
        %mul3A_187 = arith.constant 256 : i32
        %mul3A_188 = arith.muli %add3A_128, %mul3A_187 : i32
        %add3A_189 = arith.addi %mul3A_188, %mul3A_186 : i32
        %get3A = arith.index_cast %add3A_189 : i32 to index
        %get3A_190 = tpu.vector_load %arg5[%get3A] {strides = array<i32>} : memref<13312xi32, #tpu.memory_space<vmem>>, vector<16xi32>,
        %get3A_191 = vector.shape_cast %get3A_190 : vector<16xi32> to vector<16xi32>
        %and3A_192 = arith.constant 1 : i32
        %and3A_193 = vector.broadcast %and3A_192 : i32 to vector<16xi32>
        %and3A_194 = arith.andi %get3A_191, %and3A_193 : vector<16xi32>
        %mul3A_195 = arith.constant 64 : i32
        %mul3A_196 = vector.broadcast %mul3A_195 : i32 to vector<16xi32>
        %mul3A_197 = arith.muli %and3A_194, %mul3A_196 : vector<16xi32>
        %slice3A = vector.extract_strided_slice %mul3A_197 {offsets = [0], sizes = [1], strides = [1]} : vector<16xi32> to vector<1xi32>
        %squeeze3A = vector.extract %slice3A[0] : i32 from vector<1xi32>
        %add3A_198 = arith.constant 0 : i32
        %add3A_199 = arith.addi %mul3A_186, %add3A_198 : i32
        %add3A_200 = arith.constant 0 : i32
        %add3A_201 = arith.addi %squeeze3A, %add3A_200 : i32
        %get3A_202 = arith.index_cast %add3A_199 : i32 to index
        %get3A_203 = arith.index_cast %add3A_201 : i32 to index
        %get3A_204 = tpu.vector_load %arg8[%get3A_202, %get3A_203] {strides = array<i32>} : memref<256x128xf32, #tpu.memory_space<vmem>>, vector<1x16xf32>,
        %get3A_205 = vector.shape_cast %get3A_204 : vector<1x16xf32> to vector<16xf32>
        %mul3A_206 = arith.constant 8 : i32
        %mul3A_207 = arith.muli %mul3A_206, %scan3A_184 : i32
        %add3A_208 = arith.constant 0 : i32
        %add3A_209 = arith.addi %mul3A_207, %add3A_208 : i32
        %swap3A = arith.index_cast %add3A_209 : i32 to index
        %swap3A_210 = arith.constant 0 : index
        %swap3A_211 = tpu.vector_load %arg10[%swap3A, %swap3A_210] {strides = array<i32>} : memref<128x128xf32, #tpu.memory_space<vmem>>, vector<1x16xf32>,
        %swap3A_212 = vector.shape_cast %swap3A_211 : vector<1x16xf32> to vector<16xf32>
        %swap3A_213 = vector.shape_cast %get3A_205 : vector<16xf32> to vector<1x16xf32>
        tpu.vector_store %arg10[%swap3A, %swap3A_210], %swap3A_213 {strides = array<i32>} : memref<128x128xf32, #tpu.memory_space<vmem>>, vector<1x16xf32>,
        %add3A_214 = arith.constant 0 : i32
        %add3A_215 = arith.addi %mul3A_186, %add3A_214 : i32
        %add3A_216 = arith.constant 16 : i32
        %add3A_217 = arith.addi %squeeze3A, %add3A_216 : i32
        %get3A_218 = arith.index_cast %add3A_215 : i32 to index
        %get3A_219 = arith.index_cast %add3A_217 : i32 to index
        %get3A_220 = tpu.vector_load %arg8[%get3A_218, %get3A_219] {strides = array<i32>} : memref<256x128xf32, #tpu.memory_space<vmem>>, vector<1x16xf32>,
        %get3A_221 = vector.shape_cast %get3A_220 : vector<1x16xf32> to vector<16xf32>
        %mul3A_222 = arith.constant 8 : i32
        %mul3A_223 = arith.muli %mul3A_222, %scan3A_184 : i32
        %add3A_224 = arith.constant 0 : i32
        %add3A_225 = arith.addi %mul3A_223, %add3A_224 : i32
        %swap3A_226 = arith.index_cast %add3A_225 : i32 to index
        %swap3A_227 = arith.constant 16 : index
        %swap3A_228 = tpu.vector_load %arg10[%swap3A_226, %swap3A_227] {strides = array<i32>} : memref<128x128xf32, #tpu.memory_space<vmem>>, vector<1x16xf32>,
        %swap3A_229 = vector.shape_cast %swap3A_228 : vector<1x16xf32> to vector<16xf32>
        %swap3A_230 = vector.shape_cast %get3A_221 : vector<16xf32> to vector<1x16xf32>
        tpu.vector_store %arg10[%swap3A_226, %swap3A_227], %swap3A_230 {strides = array<i32>} : memref<128x128xf32, #tpu.memory_space<vmem>>, vector<1x16xf32>,
        %add3A_231 = arith.constant 0 : i32
        %add3A_232 = arith.addi %mul3A_186, %add3A_231 : i32
        %add3A_233 = arith.constant 32 : i32
        %add3A_234 = arith.addi %squeeze3A, %add3A_233 : i32
        %get3A_235 = arith.index_cast %add3A_232 : i32 to index
        %get3A_236 = arith.index_cast %add3A_234 : i32 to index
        %get3A_237 = tpu.vector_load %arg8[%get3A_235, %get3A_236] {strides = array<i32>} : memref<256x128xf32, #tpu.memory_space<vmem>>, vector<1x16xf32>,
        %get3A_238 = vector.shape_cast %get3A_237 : vector<1x16xf32> to vector<16xf32>
        %mul3A_239 = arith.constant 8 : i32
        %mul3A_240 = arith.muli %mul3A_239, %scan3A_184 : i32
        %add3A_241 = arith.constant 0 : i32
        %add3A_242 = arith.addi %mul3A_240, %add3A_241 : i32
        %swap3A_243 = arith.index_cast %add3A_242 : i32 to index
        %swap3A_244 = arith.constant 32 : index
        %swap3A_245 = tpu.vector_load %arg10[%swap3A_243, %swap3A_244] {strides = array<i32>} : memref<128x128xf32, #tpu.memory_space<vmem>>, vector<1x16xf32>,
        %swap3A_246 = vector.shape_cast %swap3A_245 : vector<1x16xf32> to vector<16xf32>
        %swap3A_247 = vector.shape_cast %get3A_238 : vector<16xf32> to vector<1x16xf32>
        tpu.vector_store %arg10[%swap3A_243, %swap3A_244], %swap3A_247 {strides = array<i32>} : memref<128x128xf32, #tpu.memory_space<vmem>>, vector<1x16xf32>,
        %add3A_248 = arith.constant 0 : i32
        %add3A_249 = arith.addi %mul3A_186, %add3A_248 : i32
        %add3A_250 = arith.constant 48 : i32
        %add3A_251 = arith.addi %squeeze3A, %add3A_250 : i32
        %get3A_252 = arith.index_cast %add3A_249 : i32 to index
        %get3A_253 = arith.index_cast %add3A_251 : i32 to index
        %get3A_254 = tpu.vector_load %arg8[%get3A_252, %get3A_253] {strides = array<i32>} : memref<256x128xf32, #tpu.memory_space<vmem>>, vector<1x16xf32>,
        %get3A_255 = vector.shape_cast %get3A_254 : vector<1x16xf32> to vector<16xf32>
        %mul3A_256 = arith.constant 8 : i32
        %mul3A_257 = arith.muli %mul3A_256, %scan3A_184 : i32
        %add3A_258 = arith.constant 0 : i32
        %add3A_259 = arith.addi %mul3A_257, %add3A_258 : i32
        %swap3A_260 = arith.index_cast %add3A_259 : i32 to index
        %swap3A_261 = arith.constant 48 : index
        %swap3A_262 = tpu.vector_load %arg10[%swap3A_260, %swap3A_261] {strides = array<i32>} : memref<128x128xf32, #tpu.memory_space<vmem>>, vector<1x16xf32>,
        %swap3A_263 = vector.shape_cast %swap3A_262 : vector<1x16xf32> to vector<16xf32>
        %swap3A_264 = vector.shape_cast %get3A_255 : vector<16xf32> to vector<1x16xf32>
        tpu.vector_store %arg10[%swap3A_260, %swap3A_261], %swap3A_264 {strides = array<i32>} : memref<128x128xf32, #tpu.memory_space<vmem>>, vector<1x16xf32>,
        %slice3A_265 = vector.extract_strided_slice %mul3A_197 {offsets = [1], sizes = [1], strides = [1]} : vector<16xi32> to vector<1xi32>
        %squeeze3A_266 = vector.extract %slice3A_265[0] : i32 from vector<1xi32>
        %add3A_267 = arith.constant 1 : i32
        %add3A_268 = arith.addi %mul3A_186, %add3A_267 : i32
        %add3A_269 = arith.constant 0 : i32
        %add3A_270 = arith.addi %squeeze3A_266, %add3A_269 : i32
        %get3A_271 = arith.index_cast %add3A_268 : i32 to index
        %get3A_272 = arith.index_cast %add3A_270 : i32 to index
        %get3A_273 = tpu.vector_load %arg8[%get3A_271, %get3A_272] {strides = array<i32>} : memref<256x128xf32, #tpu.memory_space<vmem>>, vector<1x16xf32>,
        %get3A_274 = vector.shape_cast %get3A_273 : vector<1x16xf32> to vector<16xf32>
        %mul3A_275 = arith.constant 8 : i32
        %mul3A_276 = arith.muli %mul3A_275, %scan3A_184 : i32
        %add3A_277 = arith.constant 0 : i32
        %add3A_278 = arith.addi %mul3A_276, %add3A_277 : i32
        %swap3A_279 = arith.index_cast %add3A_278 : i32 to index
        %swap3A_280 = arith.constant 64 : index
        %swap3A_281 = tpu.vector_load %arg10[%swap3A_279, %swap3A_280] {strides = array<i32>} : memref<128x128xf32, #tpu.memory_space<vmem>>, vector<1x16xf32>,
        %swap3A_282 = vector.shape_cast %swap3A_281 : vector<1x16xf32> to vector<16xf32>
        %swap3A_283 = vector.shape_cast %get3A_274 : vector<16xf32> to vector<1x16xf32>
        tpu.vector_store %arg10[%swap3A_279, %swap3A_280], %swap3A_283 {strides = array<i32>} : memref<128x128xf32, #tpu.memory_space<vmem>>, vector<1x16xf32>,
        %add3A_284 = arith.constant 1 : i32
        %add3A_285 = arith.addi %mul3A_186, %add3A_284 : i32
        %add3A_286 = arith.constant 16 : i32
        %add3A_287 = arith.addi %squeeze3A_266, %add3A_286 : i32
        %get3A_288 = arith.index_cast %add3A_285 : i32 to index
        %get3A_289 = arith.index_cast %add3A_287 : i32 to index
        %get3A_290 = tpu.vector_load %arg8[%get3A_288, %get3A_289] {strides = array<i32>} : memref<256x128xf32, #tpu.memory_space<vmem>>, vector<1x16xf32>,
        %get3A_291 = vector.shape_cast %get3A_290 : vector<1x16xf32> to vector<16xf32>
        %mul3A_292 = arith.constant 8 : i32
        %mul3A_293 = arith.muli %mul3A_292, %scan3A_184 : i32
        %add3A_294 = arith.constant 0 : i32
        %add3A_295 = arith.addi %mul3A_293, %add3A_294 : i32
        %swap3A_296 = arith.index_cast %add3A_295 : i32 to index
        %swap3A_297 = arith.constant 80 : index
        %swap3A_298 = tpu.vector_load %arg10[%swap3A_296, %swap3A_297] {strides = array<i32>} : memref<128x128xf32, #tpu.memory_space<vmem>>, vector<1x16xf32>,
        %swap3A_299 = vector.shape_cast %swap3A_298 : vector<1x16xf32> to vector<16xf32>
        %swap3A_300 = vector.shape_cast %get3A_291 : vector<16xf32> to vector<1x16xf32>
        tpu.vector_store %arg10[%swap3A_296, %swap3A_297], %swap3A_300 {strides = array<i32>} : memref<128x128xf32, #tpu.memory_space<vmem>>, vector<1x16xf32>,
        %add3A_301 = arith.constant 1 : i32
        %add3A_302 = arith.addi %mul3A_186, %add3A_301 : i32
        %add3A_303 = arith.constant 32 : i32
        %add3A_304 = arith.addi %squeeze3A_266, %add3A_303 : i32
        %get3A_305 = arith.index_cast %add3A_302 : i32 to index
        %get3A_306 = arith.index_cast %add3A_304 : i32 to index
        %get3A_307 = tpu.vector_load %arg8[%get3A_305, %get3A_306] {strides = array<i32>} : memref<256x128xf32, #tpu.memory_space<vmem>>, vector<1x16xf32>,
        %get3A_308 = vector.shape_cast %get3A_307 : vector<1x16xf32> to vector<16xf32>
        %mul3A_309 = arith.constant 8 : i32
        %mul3A_310 = arith.muli %mul3A_309, %scan3A_184 : i32
        %add3A_311 = arith.constant 0 : i32
        %add3A_312 = arith.addi %mul3A_310, %add3A_311 : i32
        %swap3A_313 = arith.index_cast %add3A_312 : i32 to index
        %swap3A_314 = arith.constant 96 : index
        %swap3A_315 = tpu.vector_load %arg10[%swap3A_313, %swap3A_314] {strides = array<i32>} : memref<128x128xf32, #tpu.memory_space<vmem>>, vector<1x16xf32>,
        %swap3A_316 = vector.shape_cast %swap3A_315 : vector<1x16xf32> to vector<16xf32>
        %swap3A_317 = vector.shape_cast %get3A_308 : vector<16xf32> to vector<1x16xf32>
        tpu.vector_store %arg10[%swap3A_313, %swap3A_314], %swap3A_317 {strides = array<i32>} : memref<128x128xf32, #tpu.memory_space<vmem>>, vector<1x16xf32>,
        %add3A_318 = arith.constant 1 : i32
        %add3A_319 = arith.addi %mul3A_186, %add3A_318 : i32
        %add3A_320 = arith.constant 48 : i32
        %add3A_321 = arith.addi %squeeze3A_266, %add3A_320 : i32
        %get3A_322 = arith.index_cast %add3A_319 : i32 to index
        %get3A_323 = arith.index_cast %add3A_321 : i32 to index
        %get3A_324 = tpu.vector_load %arg8[%get3A_322, %get3A_323] {strides = array<i32>} : memref<256x128xf32, #tpu.memory_space<vmem>>, vector<1x16xf32>,
        %get3A_325 = vector.shape_cast %get3A_324 : vector<1x16xf32> to vector<16xf32>
        %mul3A_326 = arith.constant 8 : i32
        %mul3A_327 = arith.muli %mul3A_326, %scan3A_184 : i32
        %add3A_328 = arith.constant 0 : i32
        %add3A_329 = arith.addi %mul3A_327, %add3A_328 : i32
        %swap3A_330 = arith.index_cast %add3A_329 : i32 to index
        %swap3A_331 = arith.constant 112 : index
        %swap3A_332 = tpu.vector_load %arg10[%swap3A_330, %swap3A_331] {strides = array<i32>} : memref<128x128xf32, #tpu.memory_space<vmem>>, vector<1x16xf32>,
        %swap3A_333 = vector.shape_cast %swap3A_332 : vector<1x16xf32> to vector<16xf32>
        %swap3A_334 = vector.shape_cast %get3A_325 : vector<16xf32> to vector<1x16xf32>
        tpu.vector_store %arg10[%swap3A_330, %swap3A_331], %swap3A_334 {strides = array<i32>} : memref<128x128xf32, #tpu.memory_space<vmem>>, vector<1x16xf32>,
        %slice3A_335 = vector.extract_strided_slice %mul3A_197 {offsets = [2], sizes = [1], strides = [1]} : vector<16xi32> to vector<1xi32>
        %squeeze3A_336 = vector.extract %slice3A_335[0] : i32 from vector<1xi32>
        %add3A_337 = arith.constant 2 : i32
        %add3A_338 = arith.addi %mul3A_186, %add3A_337 : i32
        %add3A_339 = arith.constant 0 : i32
        %add3A_340 = arith.addi %squeeze3A_336, %add3A_339 : i32
        %get3A_341 = arith.index_cast %add3A_338 : i32 to index
        %get3A_342 = arith.index_cast %add3A_340 : i32 to index
        %get3A_343 = tpu.vector_load %arg8[%get3A_341, %get3A_342] {strides = array<i32>} : memref<256x128xf32, #tpu.memory_space<vmem>>, vector<1x16xf32>,
        %get3A_344 = vector.shape_cast %get3A_343 : vector<1x16xf32> to vector<16xf32>
        %mul3A_345 = arith.constant 8 : i32
        %mul3A_346 = arith.muli %mul3A_345, %scan3A_184 : i32
        %add3A_347 = arith.constant 1 : i32
        %add3A_348 = arith.addi %mul3A_346, %add3A_347 : i32
        %swap3A_349 = arith.index_cast %add3A_348 : i32 to index
        %swap3A_350 = arith.constant 0 : index
        %swap3A_351 = tpu.vector_load %arg10[%swap3A_349, %swap3A_350] {strides = array<i32>} : memref<128x128xf32, #tpu.memory_space<vmem>>, vector<1x16xf32>,
        %swap3A_352 = vector.shape_cast %swap3A_351 : vector<1x16xf32> to vector<16xf32>
        %swap3A_353 = vector.shape_cast %get3A_344 : vector<16xf32> to vector<1x16xf32>
        tpu.vector_store %arg10[%swap3A_349, %swap3A_350], %swap3A_353 {strides = array<i32>} : memref<128x128xf32, #tpu.memory_space<vmem>>, vector<1x16xf32>,
        %add3A_354 = arith.constant 2 : i32
        %add3A_355 = arith.addi %mul3A_186, %add3A_354 : i32
        %add3A_356 = arith.constant 16 : i32
        %add3A_357 = arith.addi %squeeze3A_336, %add3A_356 : i32
        %get3A_358 = arith.index_cast %add3A_355 : i32 to index
        %get3A_359 = arith.index_cast %add3A_357 : i32 to index
        %get3A_360 = tpu.vector_load %arg8[%get3A_358, %get3A_359] {strides = array<i32>} : memref<256x128xf32, #tpu.memory_space<vmem>>, vector<1x16xf32>,
        %get3A_361 = vector.shape_cast %get3A_360 : vector<1x16xf32> to vector<16xf32>
        %mul3A_362 = arith.constant 8 : i32
        %mul3A_363 = arith.muli %mul3A_362, %scan3A_184 : i32
        %add3A_364 = arith.constant 1 : i32
        %add3A_365 = arith.addi %mul3A_363, %add3A_364 : i32
        %swap3A_366 = arith.index_cast %add3A_365 : i32 to index
        %swap3A_367 = arith.constant 16 : index
        %swap3A_368 = tpu.vector_load %arg10[%swap3A_366, %swap3A_367] {strides = array<i32>} : memref<128x128xf32, #tpu.memory_space<vmem>>, vector<1x16xf32>,
        %swap3A_369 = vector.shape_cast %swap3A_368 : vector<1x16xf32> to vector<16xf32>
        %swap3A_370 = vector.shape_cast %get3A_361 : vector<16xf32> to vector<1x16xf32>
        tpu.vector_store %arg10[%swap3A_366, %swap3A_367], %swap3A_370 {strides = array<i32>} : memref<128x128xf32, #tpu.memory_space<vmem>>, vector<1x16xf32>,
        %add3A_371 = arith.constant 2 : i32
        %add3A_372 = arith.addi %mul3A_186, %add3A_371 : i32
        %add3A_373 = arith.constant 32 : i32
        %add3A_374 = arith.addi %squeeze3A_336, %add3A_373 : i32
        %get3A_375 = arith.index_cast %add3A_372 : i32 to index
        %get3A_376 = arith.index_cast %add3A_374 : i32 to index
        %get3A_377 = tpu.vector_load %arg8[%get3A_375, %get3A_376] {strides = array<i32>} : memref<256x128xf32, #tpu.memory_space<vmem>>, vector<1x16xf32>,
        %get3A_378 = vector.shape_cast %get3A_377 : vector<1x16xf32> to vector<16xf32>
        %mul3A_379 = arith.constant 8 : i32
        %mul3A_380 = arith.muli %mul3A_379, %scan3A_184 : i32
        %add3A_381 = arith.constant 1 : i32
        %add3A_382 = arith.addi %mul3A_380, %add3A_381 : i32
        %swap3A_383 = arith.index_cast %add3A_382 : i32 to index
        %swap3A_384 = arith.constant 32 : index
        %swap3A_385 = tpu.vector_load %arg10[%swap3A_383, %swap3A_384] {strides = array<i32>} : memref<128x128xf32, #tpu.memory_space<vmem>>, vector<1x16xf32>,
        %swap3A_386 = vector.shape_cast %swap3A_385 : vector<1x16xf32> to vector<16xf32>
        %swap3A_387 = vector.shape_cast %get3A_378 : vector<16xf32> to vector<1x16xf32>
        tpu.vector_store %arg10[%swap3A_383, %swap3A_384], %swap3A_387 {strides = array<i32>} : memref<128x128xf32, #tpu.memory_space<vmem>>, vector<1x16xf32>,
        %add3A_388 = arith.constant 2 : i32
        %add3A_389 = arith.addi %mul3A_186, %add3A_388 : i32
        %add3A_390 = arith.constant 48 : i32
        %add3A_391 = arith.addi %squeeze3A_336, %add3A_390 : i32
        %get3A_392 = arith.index_cast %add3A_389 : i32 to index
        %get3A_393 = arith.index_cast %add3A_391 : i32 to index
        %get3A_394 = tpu.vector_load %arg8[%get3A_392, %get3A_393] {strides = array<i32>} : memref<256x128xf32, #tpu.memory_space<vmem>>, vector<1x16xf32>,
        %get3A_395 = vector.shape_cast %get3A_394 : vector<1x16xf32> to vector<16xf32>
        %mul3A_396 = arith.constant 8 : i32
        %mul3A_397 = arith.muli %mul3A_396, %scan3A_184 : i32
        %add3A_398 = arith.constant 1 : i32
        %add3A_399 = arith.addi %mul3A_397, %add3A_398 : i32
        %swap3A_400 = arith.index_cast %add3A_399 : i32 to index
        %swap3A_401 = arith.constant 48 : index
        %swap3A_402 = tpu.vector_load %arg10[%swap3A_400, %swap3A_401] {strides = array<i32>} : memref<128x128xf32, #tpu.memory_space<vmem>>, vector<1x16xf32>,
        %swap3A_403 = vector.shape_cast %swap3A_402 : vector<1x16xf32> to vector<16xf32>
        %swap3A_404 = vector.shape_cast %get3A_395 : vector<16xf32> to vector<1x16xf32>
        tpu.vector_store %arg10[%swap3A_400, %swap3A_401], %swap3A_404 {strides = array<i32>} : memref<128x128xf32, #tpu.memory_space<vmem>>, vector<1x16xf32>,
        %slice3A_405 = vector.extract_strided_slice %mul3A_197 {offsets = [3], sizes = [1], strides = [1]} : vector<16xi32> to vector<1xi32>
        %squeeze3A_406 = vector.extract %slice3A_405[0] : i32 from vector<1xi32>
        %add3A_407 = arith.constant 3 : i32
        %add3A_408 = arith.addi %mul3A_186, %add3A_407 : i32
        %add3A_409 = arith.constant 0 : i32
        %add3A_410 = arith.addi %squeeze3A_406, %add3A_409 : i32
        %get3A_411 = arith.index_cast %add3A_408 : i32 to index
        %get3A_412 = arith.index_cast %add3A_410 : i32 to index
        %get3A_413 = tpu.vector_load %arg8[%get3A_411, %get3A_412] {strides = array<i32>} : memref<256x128xf32, #tpu.memory_space<vmem>>, vector<1x16xf32>,
        %get3A_414 = vector.shape_cast %get3A_413 : vector<1x16xf32> to vector<16xf32>
        %mul3A_415 = arith.constant 8 : i32
        %mul3A_416 = arith.muli %mul3A_415, %scan3A_184 : i32
        %add3A_417 = arith.constant 1 : i32
        %add3A_418 = arith.addi %mul3A_416, %add3A_417 : i32
        %swap3A_419 = arith.index_cast %add3A_418 : i32 to index
        %swap3A_420 = arith.constant 64 : index
        %swap3A_421 = tpu.vector_load %arg10[%swap3A_419, %swap3A_420] {strides = array<i32>} : memref<128x128xf32, #tpu.memory_space<vmem>>, vector<1x16xf32>,
        %swap3A_422 = vector.shape_cast %swap3A_421 : vector<1x16xf32> to vector<16xf32>
        %swap3A_423 = vector.shape_cast %get3A_414 : vector<16xf32> to vector<1x16xf32>
        tpu.vector_store %arg10[%swap3A_419, %swap3A_420], %swap3A_423 {strides = array<i32>} : memref<128x128xf32, #tpu.memory_space<vmem>>, vector<1x16xf32>,
        %add3A_424 = arith.constant 3 : i32
        %add3A_425 = arith.addi %mul3A_186, %add3A_424 : i32
        %add3A_426 = arith.constant 16 : i32
        %add3A_427 = arith.addi %squeeze3A_406, %add3A_426 : i32
        %get3A_428 = arith.index_cast %add3A_425 : i32 to index
        %get3A_429 = arith.index_cast %add3A_427 : i32 to index
        %get3A_430 = tpu.vector_load %arg8[%get3A_428, %get3A_429] {strides = array<i32>} : memref<256x128xf32, #tpu.memory_space<vmem>>, vector<1x16xf32>,
        %get3A_431 = vector.shape_cast %get3A_430 : vector<1x16xf32> to vector<16xf32>
        %mul3A_432 = arith.constant 8 : i32
        %mul3A_433 = arith.muli %mul3A_432, %scan3A_184 : i32
        %add3A_434 = arith.constant 1 : i32
        %add3A_435 = arith.addi %mul3A_433, %add3A_434 : i32
        %swap3A_436 = arith.index_cast %add3A_435 : i32 to index
        %swap3A_437 = arith.constant 80 : index
        %swap3A_438 = tpu.vector_load %arg10[%swap3A_436, %swap3A_437] {strides = array<i32>} : memref<128x128xf32, #tpu.memory_space<vmem>>, vector<1x16xf32>,
        %swap3A_439 = vector.shape_cast %swap3A_438 : vector<1x16xf32> to vector<16xf32>
        %swap3A_440 = vector.shape_cast %get3A_431 : vector<16xf32> to vector<1x16xf32>
        tpu.vector_store %arg10[%swap3A_436, %swap3A_437], %swap3A_440 {strides = array<i32>} : memref<128x128xf32, #tpu.memory_space<vmem>>, vector<1x16xf32>,
        %add3A_441 = arith.constant 3 : i32
        %add3A_442 = arith.addi %mul3A_186, %add3A_441 : i32
        %add3A_443 = arith.constant 32 : i32
        %add3A_444 = arith.addi %squeeze3A_406, %add3A_443 : i32
        %get3A_445 = arith.index_cast %add3A_442 : i32 to index
        %get3A_446 = arith.index_cast %add3A_444 : i32 to index
        %get3A_447 = tpu.vector_load %arg8[%get3A_445, %get3A_446] {strides = array<i32>} : memref<256x128xf32, #tpu.memory_space<vmem>>, vector<1x16xf32>,
        %get3A_448 = vector.shape_cast %get3A_447 : vector<1x16xf32> to vector<16xf32>
        %mul3A_449 = arith.constant 8 : i32
        %mul3A_450 = arith.muli %mul3A_449, %scan3A_184 : i32
        %add3A_451 = arith.constant 1 : i32
        %add3A_452 = arith.addi %mul3A_450, %add3A_451 : i32
        %swap3A_453 = arith.index_cast %add3A_452 : i32 to index
        %swap3A_454 = arith.constant 96 : index
        %swap3A_455 = tpu.vector_load %arg10[%swap3A_453, %swap3A_454] {strides = array<i32>} : memref<128x128xf32, #tpu.memory_space<vmem>>, vector<1x16xf32>,
        %swap3A_456 = vector.shape_cast %swap3A_455 : vector<1x16xf32> to vector<16xf32>
        %swap3A_457 = vector.shape_cast %get3A_448 : vector<16xf32> to vector<1x16xf32>
        tpu.vector_store %arg10[%swap3A_453, %swap3A_454], %swap3A_457 {strides = array<i32>} : memref<128x128xf32, #tpu.memory_space<vmem>>, vector<1x16xf32>,
        %add3A_458 = arith.constant 3 : i32
        %add3A_459 = arith.addi %mul3A_186, %add3A_458 : i32
        %add3A_460 = arith.constant 48 : i32
        %add3A_461 = arith.addi %squeeze3A_406, %add3A_460 : i32
        %get3A_462 = arith.index_cast %add3A_459 : i32 to index
        %get3A_463 = arith.index_cast %add3A_461 : i32 to index
        %get3A_464 = tpu.vector_load %arg8[%get3A_462, %get3A_463] {strides = array<i32>} : memref<256x128xf32, #tpu.memory_space<vmem>>, vector<1x16xf32>,
        %get3A_465 = vector.shape_cast %get3A_464 : vector<1x16xf32> to vector<16xf32>
        %mul3A_466 = arith.constant 8 : i32
        %mul3A_467 = arith.muli %mul3A_466, %scan3A_184 : i32
        %add3A_468 = arith.constant 1 : i32
        %add3A_469 = arith.addi %mul3A_467, %add3A_468 : i32
        %swap3A_470 = arith.index_cast %add3A_469 : i32 to index
        %swap3A_471 = arith.constant 112 : index
        %swap3A_472 = tpu.vector_load %arg10[%swap3A_470, %swap3A_471] {strides = array<i32>} : memref<128x128xf32, #tpu.memory_space<vmem>>, vector<1x16xf32>,
        %swap3A_473 = vector.shape_cast %swap3A_472 : vector<1x16xf32> to vector<16xf32>
        %swap3A_474 = vector.shape_cast %get3A_465 : vector<16xf32> to vector<1x16xf32>
        tpu.vector_store %arg10[%swap3A_470, %swap3A_471], %swap3A_474 {strides = array<i32>} : memref<128x128xf32, #tpu.memory_space<vmem>>, vector<1x16xf32>,
        %slice3A_475 = vector.extract_strided_slice %mul3A_197 {offsets = [4], sizes = [1], strides = [1]} : vector<16xi32> to vector<1xi32>
        %squeeze3A_476 = vector.extract %slice3A_475[0] : i32 from vector<1xi32>
        %add3A_477 = arith.constant 4 : i32
        %add3A_478 = arith.addi %mul3A_186, %add3A_477 : i32
        %add3A_479 = arith.constant 0 : i32
        %add3A_480 = arith.addi %squeeze3A_476, %add3A_479 : i32
        %get3A_481 = arith.index_cast %add3A_478 : i32 to index
        %get3A_482 = arith.index_cast %add3A_480 : i32 to index
        %get3A_483 = tpu.vector_load %arg8[%get3A_481, %get3A_482] {strides = array<i32>} : memref<256x128xf32, #tpu.memory_space<vmem>>, vector<1x16xf32>,
        %get3A_484 = vector.shape_cast %get3A_483 : vector<1x16xf32> to vector<16xf32>
        %mul3A_485 = arith.constant 8 : i32
        %mul3A_486 = arith.muli %mul3A_485, %scan3A_184 : i32
        %add3A_487 = arith.constant 2 : i32
        %add3A_488 = arith.addi %mul3A_486, %add3A_487 : i32
        %swap3A_489 = arith.index_cast %add3A_488 : i32 to index
        %swap3A_490 = arith.constant 0 : index
        %swap3A_491 = tpu.vector_load %arg10[%swap3A_489, %swap3A_490] {strides = array<i32>} : memref<128x128xf32, #tpu.memory_space<vmem>>, vector<1x16xf32>,
        %swap3A_492 = vector.shape_cast %swap3A_491 : vector<1x16xf32> to vector<16xf32>
        %swap3A_493 = vector.shape_cast %get3A_484 : vector<16xf32> to vector<1x16xf32>
        tpu.vector_store %arg10[%swap3A_489, %swap3A_490], %swap3A_493 {strides = array<i32>} : memref<128x128xf32, #tpu.memory_space<vmem>>, vector<1x16xf32>,
        %add3A_494 = arith.constant 4 : i32
        %add3A_495 = arith.addi %mul3A_186, %add3A_494 : i32
        %add3A_496 = arith.constant 16 : i32
        %add3A_497 = arith.addi %squeeze3A_476, %add3A_496 : i32
        %get3A_498 = arith.index_cast %add3A_495 : i32 to index
        %get3A_499 = arith.index_cast %add3A_497 : i32 to index
        %get3A_500 = tpu.vector_load %arg8[%get3A_498, %get3A_499] {strides = array<i32>} : memref<256x128xf32, #tpu.memory_space<vmem>>, vector<1x16xf32>,
        %get3A_501 = vector.shape_cast %get3A_500 : vector<1x16xf32> to vector<16xf32>
        %mul3A_502 = arith.constant 8 : i32
        %mul3A_503 = arith.muli %mul3A_502, %scan3A_184 : i32
        %add3A_504 = arith.constant 2 : i32
        %add3A_505 = arith.addi %mul3A_503, %add3A_504 : i32
        %swap3A_506 = arith.index_cast %add3A_505 : i32 to index
        %swap3A_507 = arith.constant 16 : index
        %swap3A_508 = tpu.vector_load %arg10[%swap3A_506, %swap3A_507] {strides = array<i32>} : memref<128x128xf32, #tpu.memory_space<vmem>>, vector<1x16xf32>,
        %swap3A_509 = vector.shape_cast %swap3A_508 : vector<1x16xf32> to vector<16xf32>
        %swap3A_510 = vector.shape_cast %get3A_501 : vector<16xf32> to vector<1x16xf32>
        tpu.vector_store %arg10[%swap3A_506, %swap3A_507], %swap3A_510 {strides = array<i32>} : memref<128x128xf32, #tpu.memory_space<vmem>>, vector<1x16xf32>,
        %add3A_511 = arith.constant 4 : i32
        %add3A_512 = arith.addi %mul3A_186, %add3A_511 : i32
        %add3A_513 = arith.constant 32 : i32
        %add3A_514 = arith.addi %squeeze3A_476, %add3A_513 : i32
        %get3A_515 = arith.index_cast %add3A_512 : i32 to index
        %get3A_516 = arith.index_cast %add3A_514 : i32 to index
        %get3A_517 = tpu.vector_load %arg8[%get3A_515, %get3A_516] {strides = array<i32>} : memref<256x128xf32, #tpu.memory_space<vmem>>, vector<1x16xf32>,
        %get3A_518 = vector.shape_cast %get3A_517 : vector<1x16xf32> to vector<16xf32>
        %mul3A_519 = arith.constant 8 : i32
        %mul3A_520 = arith.muli %mul3A_519, %scan3A_184 : i32
        %add3A_521 = arith.constant 2 : i32
        %add3A_522 = arith.addi %mul3A_520, %add3A_521 : i32
        %swap3A_523 = arith.index_cast %add3A_522 : i32 to index
        %swap3A_524 = arith.constant 32 : index
        %swap3A_525 = tpu.vector_load %arg10[%swap3A_523, %swap3A_524] {strides = array<i32>} : memref<128x128xf32, #tpu.memory_space<vmem>>, vector<1x16xf32>,
        %swap3A_526 = vector.shape_cast %swap3A_525 : vector<1x16xf32> to vector<16xf32>
        %swap3A_527 = vector.shape_cast %get3A_518 : vector<16xf32> to vector<1x16xf32>
        tpu.vector_store %arg10[%swap3A_523, %swap3A_524], %swap3A_527 {strides = array<i32>} : memref<128x128xf32, #tpu.memory_space<vmem>>, vector<1x16xf32>,
        %add3A_528 = arith.constant 4 : i32
        %add3A_529 = arith.addi %mul3A_186, %add3A_528 : i32
        %add3A_530 = arith.constant 48 : i32
        %add3A_531 = arith.addi %squeeze3A_476, %add3A_530 : i32
        %get3A_532 = arith.index_cast %add3A_529 : i32 to index
        %get3A_533 = arith.index_cast %add3A_531 : i32 to index
        %get3A_534 = tpu.vector_load %arg8[%get3A_532, %get3A_533] {strides = array<i32>} : memref<256x128xf32, #tpu.memory_space<vmem>>, vector<1x16xf32>,
        %get3A_535 = vector.shape_cast %get3A_534 : vector<1x16xf32> to vector<16xf32>
        %mul3A_536 = arith.constant 8 : i32
        %mul3A_537 = arith.muli %mul3A_536, %scan3A_184 : i32
        %add3A_538 = arith.constant 2 : i32
        %add3A_539 = arith.addi %mul3A_537, %add3A_538 : i32
        %swap3A_540 = arith.index_cast %add3A_539 : i32 to index
        %swap3A_541 = arith.constant 48 : index
        %swap3A_542 = tpu.vector_load %arg10[%swap3A_540, %swap3A_541] {strides = array<i32>} : memref<128x128xf32, #tpu.memory_space<vmem>>, vector<1x16xf32>,
        %swap3A_543 = vector.shape_cast %swap3A_542 : vector<1x16xf32> to vector<16xf32>
        %swap3A_544 = vector.shape_cast %get3A_535 : vector<16xf32> to vector<1x16xf32>
        tpu.vector_store %arg10[%swap3A_540, %swap3A_541], %swap3A_544 {strides = array<i32>} : memref<128x128xf32, #tpu.memory_space<vmem>>, vector<1x16xf32>,
        %slice3A_545 = vector.extract_strided_slice %mul3A_197 {offsets = [5], sizes = [1], strides = [1]} : vector<16xi32> to vector<1xi32>
        %squeeze3A_546 = vector.extract %slice3A_545[0] : i32 from vector<1xi32>
        %add3A_547 = arith.constant 5 : i32
        %add3A_548 = arith.addi %mul3A_186, %add3A_547 : i32
        %add3A_549 = arith.constant 0 : i32
        %add3A_550 = arith.addi %squeeze3A_546, %add3A_549 : i32
        %get3A_551 = arith.index_cast %add3A_548 : i32 to index
        %get3A_552 = arith.index_cast %add3A_550 : i32 to index
        %get3A_553 = tpu.vector_load %arg8[%get3A_551, %get3A_552] {strides = array<i32>} : memref<256x128xf32, #tpu.memory_space<vmem>>, vector<1x16xf32>,
        %get3A_554 = vector.shape_cast %get3A_553 : vector<1x16xf32> to vector<16xf32>
        %mul3A_555 = arith.constant 8 : i32
        %mul3A_556 = arith.muli %mul3A_555, %scan3A_184 : i32
        %add3A_557 = arith.constant 2 : i32
        %add3A_558 = arith.addi %mul3A_556, %add3A_557 : i32
        %swap3A_559 = arith.index_cast %add3A_558 : i32 to index
        %swap3A_560 = arith.constant 64 : index
        %swap3A_561 = tpu.vector_load %arg10[%swap3A_559, %swap3A_560] {strides = array<i32>} : memref<128x128xf32, #tpu.memory_space<vmem>>, vector<1x16xf32>,
        %swap3A_562 = vector.shape_cast %swap3A_561 : vector<1x16xf32> to vector<16xf32>
        %swap3A_563 = vector.shape_cast %get3A_554 : vector<16xf32> to vector<1x16xf32>
        tpu.vector_store %arg10[%swap3A_559, %swap3A_560], %swap3A_563 {strides = array<i32>} : memref<128x128xf32, #tpu.memory_space<vmem>>, vector<1x16xf32>,
        %add3A_564 = arith.constant 5 : i32
        %add3A_565 = arith.addi %mul3A_186, %add3A_564 : i32
        %add3A_566 = arith.constant 16 : i32
        %add3A_567 = arith.addi %squeeze3A_546, %add3A_566 : i32
        %get3A_568 = arith.index_cast %add3A_565 : i32 to index
        %get3A_569 = arith.index_cast %add3A_567 : i32 to index
        %get3A_570 = tpu.vector_load %arg8[%get3A_568, %get3A_569] {strides = array<i32>} : memref<256x128xf32, #tpu.memory_space<vmem>>, vector<1x16xf32>,
        %get3A_571 = vector.shape_cast %get3A_570 : vector<1x16xf32> to vector<16xf32>
        %mul3A_572 = arith.constant 8 : i32
        %mul3A_573 = arith.muli %mul3A_572, %scan3A_184 : i32
        %add3A_574 = arith.constant 2 : i32
        %add3A_575 = arith.addi %mul3A_573, %add3A_574 : i32
        %swap3A_576 = arith.index_cast %add3A_575 : i32 to index
        %swap3A_577 = arith.constant 80 : index
        %swap3A_578 = tpu.vector_load %arg10[%swap3A_576, %swap3A_577] {strides = array<i32>} : memref<128x128xf32, #tpu.memory_space<vmem>>, vector<1x16xf32>,
        %swap3A_579 = vector.shape_cast %swap3A_578 : vector<1x16xf32> to vector<16xf32>
        %swap3A_580 = vector.shape_cast %get3A_571 : vector<16xf32> to vector<1x16xf32>
        tpu.vector_store %arg10[%swap3A_576, %swap3A_577], %swap3A_580 {strides = array<i32>} : memref<128x128xf32, #tpu.memory_space<vmem>>, vector<1x16xf32>,
        %add3A_581 = arith.constant 5 : i32
        %add3A_582 = arith.addi %mul3A_186, %add3A_581 : i32
        %add3A_583 = arith.constant 32 : i32
        %add3A_584 = arith.addi %squeeze3A_546, %add3A_583 : i32
        %get3A_585 = arith.index_cast %add3A_582 : i32 to index
        %get3A_586 = arith.index_cast %add3A_584 : i32 to index
        %get3A_587 = tpu.vector_load %arg8[%get3A_585, %get3A_586] {strides = array<i32>} : memref<256x128xf32, #tpu.memory_space<vmem>>, vector<1x16xf32>,
        %get3A_588 = vector.shape_cast %get3A_587 : vector<1x16xf32> to vector<16xf32>
        %mul3A_589 = arith.constant 8 : i32
        %mul3A_590 = arith.muli %mul3A_589, %scan3A_184 : i32
        %add3A_591 = arith.constant 2 : i32
        %add3A_592 = arith.addi %mul3A_590, %add3A_591 : i32
        %swap3A_593 = arith.index_cast %add3A_592 : i32 to index
        %swap3A_594 = arith.constant 96 : index
        %swap3A_595 = tpu.vector_load %arg10[%swap3A_593, %swap3A_594] {strides = array<i32>} : memref<128x128xf32, #tpu.memory_space<vmem>>, vector<1x16xf32>,
        %swap3A_596 = vector.shape_cast %swap3A_595 : vector<1x16xf32> to vector<16xf32>
        %swap3A_597 = vector.shape_cast %get3A_588 : vector<16xf32> to vector<1x16xf32>
        tpu.vector_store %arg10[%swap3A_593, %swap3A_594], %swap3A_597 {strides = array<i32>} : memref<128x128xf32, #tpu.memory_space<vmem>>, vector<1x16xf32>,
        %add3A_598 = arith.constant 5 : i32
        %add3A_599 = arith.addi %mul3A_186, %add3A_598 : i32
        %add3A_600 = arith.constant 48 : i32
        %add3A_601 = arith.addi %squeeze3A_546, %add3A_600 : i32
        %get3A_602 = arith.index_cast %add3A_599 : i32 to index
        %get3A_603 = arith.index_cast %add3A_601 : i32 to index
        %get3A_604 = tpu.vector_load %arg8[%get3A_602, %get3A_603] {strides = array<i32>} : memref<256x128xf32, #tpu.memory_space<vmem>>, vector<1x16xf32>,
        %get3A_605 = vector.shape_cast %get3A_604 : vector<1x16xf32> to vector<16xf32>
        %mul3A_606 = arith.constant 8 : i32
        %mul3A_607 = arith.muli %mul3A_606, %scan3A_184 : i32
        %add3A_608 = arith.constant 2 : i32
        %add3A_609 = arith.addi %mul3A_607, %add3A_608 : i32
        %swap3A_610 = arith.index_cast %add3A_609 : i32 to index
        %swap3A_611 = arith.constant 112 : index
        %swap3A_612 = tpu.vector_load %arg10[%swap3A_610, %swap3A_611] {strides = array<i32>} : memref<128x128xf32, #tpu.memory_space<vmem>>, vector<1x16xf32>,
        %swap3A_613 = vector.shape_cast %swap3A_612 : vector<1x16xf32> to vector<16xf32>
        %swap3A_614 = vector.shape_cast %get3A_605 : vector<16xf32> to vector<1x16xf32>
        tpu.vector_store %arg10[%swap3A_610, %swap3A_611], %swap3A_614 {strides = array<i32>} : memref<128x128xf32, #tpu.memory_space<vmem>>, vector<1x16xf32>,
        %slice3A_615 = vector.extract_strided_slice %mul3A_197 {offsets = [6], sizes = [1], strides = [1]} : vector<16xi32> to vector<1xi32>
        %squeeze3A_616 = vector.extract %slice3A_615[0] : i32 from vector<1xi32>
        %add3A_617 = arith.constant 6 : i32
        %add3A_618 = arith.addi %mul3A_186, %add3A_617 : i32
        %add3A_619 = arith.constant 0 : i32
        %add3A_620 = arith.addi %squeeze3A_616, %add3A_619 : i32
        %get3A_621 = arith.index_cast %add3A_618 : i32 to index
        %get3A_622 = arith.index_cast %add3A_620 : i32 to index
        %get3A_623 = tpu.vector_load %arg8[%get3A_621, %get3A_622] {strides = array<i32>} : memref<256x128xf32, #tpu.memory_space<vmem>>, vector<1x16xf32>,
        %get3A_624 = vector.shape_cast %get3A_623 : vector<1x16xf32> to vector<16xf32>
        %mul3A_625 = arith.constant 8 : i32
        %mul3A_626 = arith.muli %mul3A_625, %scan3A_184 : i32
        %add3A_627 = arith.constant 3 : i32
        %add3A_628 = arith.addi %mul3A_626, %add3A_627 : i32
        %swap3A_629 = arith.index_cast %add3A_628 : i32 to index
        %swap3A_630 = arith.constant 0 : index
        %swap3A_631 = tpu.vector_load %arg10[%swap3A_629, %swap3A_630] {strides = array<i32>} : memref<128x128xf32, #tpu.memory_space<vmem>>, vector<1x16xf32>,
        %swap3A_632 = vector.shape_cast %swap3A_631 : vector<1x16xf32> to vector<16xf32>
        %swap3A_633 = vector.shape_cast %get3A_624 : vector<16xf32> to vector<1x16xf32>
        tpu.vector_store %arg10[%swap3A_629, %swap3A_630], %swap3A_633 {strides = array<i32>} : memref<128x128xf32, #tpu.memory_space<vmem>>, vector<1x16xf32>,
        %add3A_634 = arith.constant 6 : i32
        %add3A_635 = arith.addi %mul3A_186, %add3A_634 : i32
        %add3A_636 = arith.constant 16 : i32
        %add3A_637 = arith.addi %squeeze3A_616, %add3A_636 : i32
        %get3A_638 = arith.index_cast %add3A_635 : i32 to index
        %get3A_639 = arith.index_cast %add3A_637 : i32 to index
        %get3A_640 = tpu.vector_load %arg8[%get3A_638, %get3A_639] {strides = array<i32>} : memref<256x128xf32, #tpu.memory_space<vmem>>, vector<1x16xf32>,
        %get3A_641 = vector.shape_cast %get3A_640 : vector<1x16xf32> to vector<16xf32>
        %mul3A_642 = arith.constant 8 : i32
        %mul3A_643 = arith.muli %mul3A_642, %scan3A_184 : i32
        %add3A_644 = arith.constant 3 : i32
        %add3A_645 = arith.addi %mul3A_643, %add3A_644 : i32
        %swap3A_646 = arith.index_cast %add3A_645 : i32 to index
        %swap3A_647 = arith.constant 16 : index
        %swap3A_648 = tpu.vector_load %arg10[%swap3A_646, %swap3A_647] {strides = array<i32>} : memref<128x128xf32, #tpu.memory_space<vmem>>, vector<1x16xf32>,
        %swap3A_649 = vector.shape_cast %swap3A_648 : vector<1x16xf32> to vector<16xf32>
        %swap3A_650 = vector.shape_cast %get3A_641 : vector<16xf32> to vector<1x16xf32>
        tpu.vector_store %arg10[%swap3A_646, %swap3A_647], %swap3A_650 {strides = array<i32>} : memref<128x128xf32, #tpu.memory_space<vmem>>, vector<1x16xf32>,
        %add3A_651 = arith.constant 6 : i32
        %add3A_652 = arith.addi %mul3A_186, %add3A_651 : i32
        %add3A_653 = arith.constant 32 : i32
        %add3A_654 = arith.addi %squeeze3A_616, %add3A_653 : i32
        %get3A_655 = arith.index_cast %add3A_652 : i32 to index
        %get3A_656 = arith.index_cast %add3A_654 : i32 to index
        %get3A_657 = tpu.vector_load %arg8[%get3A_655, %get3A_656] {strides = array<i32>} : memref<256x128xf32, #tpu.memory_space<vmem>>, vector<1x16xf32>,
        %get3A_658 = vector.shape_cast %get3A_657 : vector<1x16xf32> to vector<16xf32>
        %mul3A_659 = arith.constant 8 : i32
        %mul3A_660 = arith.muli %mul3A_659, %scan3A_184 : i32
        %add3A_661 = arith.constant 3 : i32
        %add3A_662 = arith.addi %mul3A_660, %add3A_661 : i32
        %swap3A_663 = arith.index_cast %add3A_662 : i32 to index
        %swap3A_664 = arith.constant 32 : index
        %swap3A_665 = tpu.vector_load %arg10[%swap3A_663, %swap3A_664] {strides = array<i32>} : memref<128x128xf32, #tpu.memory_space<vmem>>, vector<1x16xf32>,
        %swap3A_666 = vector.shape_cast %swap3A_665 : vector<1x16xf32> to vector<16xf32>
        %swap3A_667 = vector.shape_cast %get3A_658 : vector<16xf32> to vector<1x16xf32>
        tpu.vector_store %arg10[%swap3A_663, %swap3A_664], %swap3A_667 {strides = array<i32>} : memref<128x128xf32, #tpu.memory_space<vmem>>, vector<1x16xf32>,
        %add3A_668 = arith.constant 6 : i32
        %add3A_669 = arith.addi %mul3A_186, %add3A_668 : i32
        %add3A_670 = arith.constant 48 : i32
        %add3A_671 = arith.addi %squeeze3A_616, %add3A_670 : i32
        %get3A_672 = arith.index_cast %add3A_669 : i32 to index
        %get3A_673 = arith.index_cast %add3A_671 : i32 to index
        %get3A_674 = tpu.vector_load %arg8[%get3A_672, %get3A_673] {strides = array<i32>} : memref<256x128xf32, #tpu.memory_space<vmem>>, vector<1x16xf32>,
        %get3A_675 = vector.shape_cast %get3A_674 : vector<1x16xf32> to vector<16xf32>
        %mul3A_676 = arith.constant 8 : i32
        %mul3A_677 = arith.muli %mul3A_676, %scan3A_184 : i32
        %add3A_678 = arith.constant 3 : i32
        %add3A_679 = arith.addi %mul3A_677, %add3A_678 : i32
        %swap3A_680 = arith.index_cast %add3A_679 : i32 to index
        %swap3A_681 = arith.constant 48 : index
        %swap3A_682 = tpu.vector_load %arg10[%swap3A_680, %swap3A_681] {strides = array<i32>} : memref<128x128xf32, #tpu.memory_space<vmem>>, vector<1x16xf32>,
        %swap3A_683 = vector.shape_cast %swap3A_682 : vector<1x16xf32> to vector<16xf32>
        %swap3A_684 = vector.shape_cast %get3A_675 : vector<16xf32> to vector<1x16xf32>
        tpu.vector_store %arg10[%swap3A_680, %swap3A_681], %swap3A_684 {strides = array<i32>} : memref<128x128xf32, #tpu.memory_space<vmem>>, vector<1x16xf32>,
        %slice3A_685 = vector.extract_strided_slice %mul3A_197 {offsets = [7], sizes = [1], strides = [1]} : vector<16xi32> to vector<1xi32>
        %squeeze3A_686 = vector.extract %slice3A_685[0] : i32 from vector<1xi32>
        %add3A_687 = arith.constant 7 : i32
        %add3A_688 = arith.addi %mul3A_186, %add3A_687 : i32
        %add3A_689 = arith.constant 0 : i32
        %add3A_690 = arith.addi %squeeze3A_686, %add3A_689 : i32
        %get3A_691 = arith.index_cast %add3A_688 : i32 to index
        %get3A_692 = arith.index_cast %add3A_690 : i32 to index
        %get3A_693 = tpu.vector_load %arg8[%get3A_691, %get3A_692] {strides = array<i32>} : memref<256x128xf32, #tpu.memory_space<vmem>>, vector<1x16xf32>,
        %get3A_694 = vector.shape_cast %get3A_693 : vector<1x16xf32> to vector<16xf32>
        %mul3A_695 = arith.constant 8 : i32
        %mul3A_696 = arith.muli %mul3A_695, %scan3A_184 : i32
        %add3A_697 = arith.constant 3 : i32
        %add3A_698 = arith.addi %mul3A_696, %add3A_697 : i32
        %swap3A_699 = arith.index_cast %add3A_698 : i32 to index
        %swap3A_700 = arith.constant 64 : index
        %swap3A_701 = tpu.vector_load %arg10[%swap3A_699, %swap3A_700] {strides = array<i32>} : memref<128x128xf32, #tpu.memory_space<vmem>>, vector<1x16xf32>,
        %swap3A_702 = vector.shape_cast %swap3A_701 : vector<1x16xf32> to vector<16xf32>
        %swap3A_703 = vector.shape_cast %get3A_694 : vector<16xf32> to vector<1x16xf32>
        tpu.vector_store %arg10[%swap3A_699, %swap3A_700], %swap3A_703 {strides = array<i32>} : memref<128x128xf32, #tpu.memory_space<vmem>>, vector<1x16xf32>,
        %add3A_704 = arith.constant 7 : i32
        %add3A_705 = arith.addi %mul3A_186, %add3A_704 : i32
        %add3A_706 = arith.constant 16 : i32
        %add3A_707 = arith.addi %squeeze3A_686, %add3A_706 : i32
        %get3A_708 = arith.index_cast %add3A_705 : i32 to index
        %get3A_709 = arith.index_cast %add3A_707 : i32 to index
        %get3A_710 = tpu.vector_load %arg8[%get3A_708, %get3A_709] {strides = array<i32>} : memref<256x128xf32, #tpu.memory_space<vmem>>, vector<1x16xf32>,
        %get3A_711 = vector.shape_cast %get3A_710 : vector<1x16xf32> to vector<16xf32>
        %mul3A_712 = arith.constant 8 : i32
        %mul3A_713 = arith.muli %mul3A_712, %scan3A_184 : i32
        %add3A_714 = arith.constant 3 : i32
        %add3A_715 = arith.addi %mul3A_713, %add3A_714 : i32
        %swap3A_716 = arith.index_cast %add3A_715 : i32 to index
        %swap3A_717 = arith.constant 80 : index
        %swap3A_718 = tpu.vector_load %arg10[%swap3A_716, %swap3A_717] {strides = array<i32>} : memref<128x128xf32, #tpu.memory_space<vmem>>, vector<1x16xf32>,
        %swap3A_719 = vector.shape_cast %swap3A_718 : vector<1x16xf32> to vector<16xf32>
        %swap3A_720 = vector.shape_cast %get3A_711 : vector<16xf32> to vector<1x16xf32>
        tpu.vector_store %arg10[%swap3A_716, %swap3A_717], %swap3A_720 {strides = array<i32>} : memref<128x128xf32, #tpu.memory_space<vmem>>, vector<1x16xf32>,
        %add3A_721 = arith.constant 7 : i32
        %add3A_722 = arith.addi %mul3A_186, %add3A_721 : i32
        %add3A_723 = arith.constant 32 : i32
        %add3A_724 = arith.addi %squeeze3A_686, %add3A_723 : i32
        %get3A_725 = arith.index_cast %add3A_722 : i32 to index
        %get3A_726 = arith.index_cast %add3A_724 : i32 to index
        %get3A_727 = tpu.vector_load %arg8[%get3A_725, %get3A_726] {strides = array<i32>} : memref<256x128xf32, #tpu.memory_space<vmem>>, vector<1x16xf32>,
        %get3A_728 = vector.shape_cast %get3A_727 : vector<1x16xf32> to vector<16xf32>
        %mul3A_729 = arith.constant 8 : i32
        %mul3A_730 = arith.muli %mul3A_729, %scan3A_184 : i32
        %add3A_731 = arith.constant 3 : i32
        %add3A_732 = arith.addi %mul3A_730, %add3A_731 : i32
        %swap3A_733 = arith.index_cast %add3A_732 : i32 to index
        %swap3A_734 = arith.constant 96 : index
        %swap3A_735 = tpu.vector_load %arg10[%swap3A_733, %swap3A_734] {strides = array<i32>} : memref<128x128xf32, #tpu.memory_space<vmem>>, vector<1x16xf32>,
        %swap3A_736 = vector.shape_cast %swap3A_735 : vector<1x16xf32> to vector<16xf32>
        %swap3A_737 = vector.shape_cast %get3A_728 : vector<16xf32> to vector<1x16xf32>
        tpu.vector_store %arg10[%swap3A_733, %swap3A_734], %swap3A_737 {strides = array<i32>} : memref<128x128xf32, #tpu.memory_space<vmem>>, vector<1x16xf32>,
        %add3A_738 = arith.constant 7 : i32
        %add3A_739 = arith.addi %mul3A_186, %add3A_738 : i32
        %add3A_740 = arith.constant 48 : i32
        %add3A_741 = arith.addi %squeeze3A_686, %add3A_740 : i32
        %get3A_742 = arith.index_cast %add3A_739 : i32 to index
        %get3A_743 = arith.index_cast %add3A_741 : i32 to index
        %get3A_744 = tpu.vector_load %arg8[%get3A_742, %get3A_743] {strides = array<i32>} : memref<256x128xf32, #tpu.memory_space<vmem>>, vector<1x16xf32>,
        %get3A_745 = vector.shape_cast %get3A_744 : vector<1x16xf32> to vector<16xf32>
        %mul3A_746 = arith.constant 8 : i32
        %mul3A_747 = arith.muli %mul3A_746, %scan3A_184 : i32
        %add3A_748 = arith.constant 3 : i32
        %add3A_749 = arith.addi %mul3A_747, %add3A_748 : i32
        %swap3A_750 = arith.index_cast %add3A_749 : i32 to index
        %swap3A_751 = arith.constant 112 : index
        %swap3A_752 = tpu.vector_load %arg10[%swap3A_750, %swap3A_751] {strides = array<i32>} : memref<128x128xf32, #tpu.memory_space<vmem>>, vector<1x16xf32>,
        %swap3A_753 = vector.shape_cast %swap3A_752 : vector<1x16xf32> to vector<16xf32>
        %swap3A_754 = vector.shape_cast %get3A_745 : vector<16xf32> to vector<1x16xf32>
        tpu.vector_store %arg10[%swap3A_750, %swap3A_751], %swap3A_754 {strides = array<i32>} : memref<128x128xf32, #tpu.memory_space<vmem>>, vector<1x16xf32>,
        %slice3A_755 = vector.extract_strided_slice %mul3A_197 {offsets = [8], sizes = [1], strides = [1]} : vector<16xi32> to vector<1xi32>
        %squeeze3A_756 = vector.extract %slice3A_755[0] : i32 from vector<1xi32>
        %add3A_757 = arith.constant 8 : i32
        %add3A_758 = arith.addi %mul3A_186, %add3A_757 : i32
        %add3A_759 = arith.constant 0 : i32
        %add3A_760 = arith.addi %squeeze3A_756, %add3A_759 : i32
        %get3A_761 = arith.index_cast %add3A_758 : i32 to index
        %get3A_762 = arith.index_cast %add3A_760 : i32 to index
        %get3A_763 = tpu.vector_load %arg8[%get3A_761, %get3A_762] {strides = array<i32>} : memref<256x128xf32, #tpu.memory_space<vmem>>, vector<1x16xf32>,
        %get3A_764 = vector.shape_cast %get3A_763 : vector<1x16xf32> to vector<16xf32>
        %mul3A_765 = arith.constant 8 : i32
        %mul3A_766 = arith.muli %mul3A_765, %scan3A_184 : i32
        %add3A_767 = arith.constant 4 : i32
        %add3A_768 = arith.addi %mul3A_766, %add3A_767 : i32
        %swap3A_769 = arith.index_cast %add3A_768 : i32 to index
        %swap3A_770 = arith.constant 0 : index
        %swap3A_771 = tpu.vector_load %arg10[%swap3A_769, %swap3A_770] {strides = array<i32>} : memref<128x128xf32, #tpu.memory_space<vmem>>, vector<1x16xf32>,
        %swap3A_772 = vector.shape_cast %swap3A_771 : vector<1x16xf32> to vector<16xf32>
        %swap3A_773 = vector.shape_cast %get3A_764 : vector<16xf32> to vector<1x16xf32>
        tpu.vector_store %arg10[%swap3A_769, %swap3A_770], %swap3A_773 {strides = array<i32>} : memref<128x128xf32, #tpu.memory_space<vmem>>, vector<1x16xf32>,
        %add3A_774 = arith.constant 8 : i32
        %add3A_775 = arith.addi %mul3A_186, %add3A_774 : i32
        %add3A_776 = arith.constant 16 : i32
        %add3A_777 = arith.addi %squeeze3A_756, %add3A_776 : i32
        %get3A_778 = arith.index_cast %add3A_775 : i32 to index
        %get3A_779 = arith.index_cast %add3A_777 : i32 to index
        %get3A_780 = tpu.vector_load %arg8[%get3A_778, %get3A_779] {strides = array<i32>} : memref<256x128xf32, #tpu.memory_space<vmem>>, vector<1x16xf32>,
        %get3A_781 = vector.shape_cast %get3A_780 : vector<1x16xf32> to vector<16xf32>
        %mul3A_782 = arith.constant 8 : i32
        %mul3A_783 = arith.muli %mul3A_782, %scan3A_184 : i32
        %add3A_784 = arith.constant 4 : i32
        %add3A_785 = arith.addi %mul3A_783, %add3A_784 : i32
        %swap3A_786 = arith.index_cast %add3A_785 : i32 to index
        %swap3A_787 = arith.constant 16 : index
        %swap3A_788 = tpu.vector_load %arg10[%swap3A_786, %swap3A_787] {strides = array<i32>} : memref<128x128xf32, #tpu.memory_space<vmem>>, vector<1x16xf32>,
        %swap3A_789 = vector.shape_cast %swap3A_788 : vector<1x16xf32> to vector<16xf32>
        %swap3A_790 = vector.shape_cast %get3A_781 : vector<16xf32> to vector<1x16xf32>
        tpu.vector_store %arg10[%swap3A_786, %swap3A_787], %swap3A_790 {strides = array<i32>} : memref<128x128xf32, #tpu.memory_space<vmem>>, vector<1x16xf32>,
        %add3A_791 = arith.constant 8 : i32
        %add3A_792 = arith.addi %mul3A_186, %add3A_791 : i32
        %add3A_793 = arith.constant 32 : i32
        %add3A_794 = arith.addi %squeeze3A_756, %add3A_793 : i32
        %get3A_795 = arith.index_cast %add3A_792 : i32 to index
        %get3A_796 = arith.index_cast %add3A_794 : i32 to index
        %get3A_797 = tpu.vector_load %arg8[%get3A_795, %get3A_796] {strides = array<i32>} : memref<256x128xf32, #tpu.memory_space<vmem>>, vector<1x16xf32>,
        %get3A_798 = vector.shape_cast %get3A_797 : vector<1x16xf32> to vector<16xf32>
        %mul3A_799 = arith.constant 8 : i32
        %mul3A_800 = arith.muli %mul3A_799, %scan3A_184 : i32
        %add3A_801 = arith.constant 4 : i32
        %add3A_802 = arith.addi %mul3A_800, %add3A_801 : i32
        %swap3A_803 = arith.index_cast %add3A_802 : i32 to index
        %swap3A_804 = arith.constant 32 : index
        %swap3A_805 = tpu.vector_load %arg10[%swap3A_803, %swap3A_804] {strides = array<i32>} : memref<128x128xf32, #tpu.memory_space<vmem>>, vector<1x16xf32>,
        %swap3A_806 = vector.shape_cast %swap3A_805 : vector<1x16xf32> to vector<16xf32>
        %swap3A_807 = vector.shape_cast %get3A_798 : vector<16xf32> to vector<1x16xf32>
        tpu.vector_store %arg10[%swap3A_803, %swap3A_804], %swap3A_807 {strides = array<i32>} : memref<128x128xf32, #tpu.memory_space<vmem>>, vector<1x16xf32>,
        %add3A_808 = arith.constant 8 : i32
        %add3A_809 = arith.addi %mul3A_186, %add3A_808 : i32
        %add3A_810 = arith.constant 48 : i32
        %add3A_811 = arith.addi %squeeze3A_756, %add3A_810 : i32
        %get3A_812 = arith.index_cast %add3A_809 : i32 to index
        %get3A_813 = arith.index_cast %add3A_811 : i32 to index
        %get3A_814 = tpu.vector_load %arg8[%get3A_812, %get3A_813] {strides = array<i32>} : memref<256x128xf32, #tpu.memory_space<vmem>>, vector<1x16xf32>,
        %get3A_815 = vector.shape_cast %get3A_814 : vector<1x16xf32> to vector<16xf32>
        %mul3A_816 = arith.constant 8 : i32
        %mul3A_817 = arith.muli %mul3A_816, %scan3A_184 : i32
        %add3A_818 = arith.constant 4 : i32
        %add3A_819 = arith.addi %mul3A_817, %add3A_818 : i32
        %swap3A_820 = arith.index_cast %add3A_819 : i32 to index
        %swap3A_821 = arith.constant 48 : index
        %swap3A_822 = tpu.vector_load %arg10[%swap3A_820, %swap3A_821] {strides = array<i32>} : memref<128x128xf32, #tpu.memory_space<vmem>>, vector<1x16xf32>,
        %swap3A_823 = vector.shape_cast %swap3A_822 : vector<1x16xf32> to vector<16xf32>
        %swap3A_824 = vector.shape_cast %get3A_815 : vector<16xf32> to vector<1x16xf32>
        tpu.vector_store %arg10[%swap3A_820, %swap3A_821], %swap3A_824 {strides = array<i32>} : memref<128x128xf32, #tpu.memory_space<vmem>>, vector<1x16xf32>,
        %slice3A_825 = vector.extract_strided_slice %mul3A_197 {offsets = [9], sizes = [1], strides = [1]} : vector<16xi32> to vector<1xi32>
        %squeeze3A_826 = vector.extract %slice3A_825[0] : i32 from vector<1xi32>
        %add3A_827 = arith.constant 9 : i32
        %add3A_828 = arith.addi %mul3A_186, %add3A_827 : i32
        %add3A_829 = arith.constant 0 : i32
        %add3A_830 = arith.addi %squeeze3A_826, %add3A_829 : i32
        %get3A_831 = arith.index_cast %add3A_828 : i32 to index
        %get3A_832 = arith.index_cast %add3A_830 : i32 to index
        %get3A_833 = tpu.vector_load %arg8[%get3A_831, %get3A_832] {strides = array<i32>} : memref<256x128xf32, #tpu.memory_space<vmem>>, vector<1x16xf32>,
        %get3A_834 = vector.shape_cast %get3A_833 : vector<1x16xf32> to vector<16xf32>
        %mul3A_835 = arith.constant 8 : i32
        %mul3A_836 = arith.muli %mul3A_835, %scan3A_184 : i32
        %add3A_837 = arith.constant 4 : i32
        %add3A_838 = arith.addi %mul3A_836, %add3A_837 : i32
        %swap3A_839 = arith.index_cast %add3A_838 : i32 to index
        %swap3A_840 = arith.constant 64 : index
        %swap3A_841 = tpu.vector_load %arg10[%swap3A_839, %swap3A_840] {strides = array<i32>} : memref<128x128xf32, #tpu.memory_space<vmem>>, vector<1x16xf32>,
        %swap3A_842 = vector.shape_cast %swap3A_841 : vector<1x16xf32> to vector<16xf32>
        %swap3A_843 = vector.shape_cast %get3A_834 : vector<16xf32> to vector<1x16xf32>
        tpu.vector_store %arg10[%swap3A_839, %swap3A_840], %swap3A_843 {strides = array<i32>} : memref<128x128xf32, #tpu.memory_space<vmem>>, vector<1x16xf32>,
        %add3A_844 = arith.constant 9 : i32
        %add3A_845 = arith.addi %mul3A_186, %add3A_844 : i32
        %add3A_846 = arith.constant 16 : i32
        %add3A_847 = arith.addi %squeeze3A_826, %add3A_846 : i32
        %get3A_848 = arith.index_cast %add3A_845 : i32 to index
        %get3A_849 = arith.index_cast %add3A_847 : i32 to index
        %get3A_850 = tpu.vector_load %arg8[%get3A_848, %get3A_849] {strides = array<i32>} : memref<256x128xf32, #tpu.memory_space<vmem>>, vector<1x16xf32>,
        %get3A_851 = vector.shape_cast %get3A_850 : vector<1x16xf32> to vector<16xf32>
        %mul3A_852 = arith.constant 8 : i32
        %mul3A_853 = arith.muli %mul3A_852, %scan3A_184 : i32
        %add3A_854 = arith.constant 4 : i32
        %add3A_855 = arith.addi %mul3A_853, %add3A_854 : i32
        %swap3A_856 = arith.index_cast %add3A_855 : i32 to index
        %swap3A_857 = arith.constant 80 : index
        %swap3A_858 = tpu.vector_load %arg10[%swap3A_856, %swap3A_857] {strides = array<i32>} : memref<128x128xf32, #tpu.memory_space<vmem>>, vector<1x16xf32>,
        %swap3A_859 = vector.shape_cast %swap3A_858 : vector<1x16xf32> to vector<16xf32>
        %swap3A_860 = vector.shape_cast %get3A_851 : vector<16xf32> to vector<1x16xf32>
        tpu.vector_store %arg10[%swap3A_856, %swap3A_857], %swap3A_860 {strides = array<i32>} : memref<128x128xf32, #tpu.memory_space<vmem>>, vector<1x16xf32>,
        %add3A_861 = arith.constant 9 : i32
        %add3A_862 = arith.addi %mul3A_186, %add3A_861 : i32
        %add3A_863 = arith.constant 32 : i32
        %add3A_864 = arith.addi %squeeze3A_826, %add3A_863 : i32
        %get3A_865 = arith.index_cast %add3A_862 : i32 to index
        %get3A_866 = arith.index_cast %add3A_864 : i32 to index
        %get3A_867 = tpu.vector_load %arg8[%get3A_865, %get3A_866] {strides = array<i32>} : memref<256x128xf32, #tpu.memory_space<vmem>>, vector<1x16xf32>,
        %get3A_868 = vector.shape_cast %get3A_867 : vector<1x16xf32> to vector<16xf32>
        %mul3A_869 = arith.constant 8 : i32
        %mul3A_870 = arith.muli %mul3A_869, %scan3A_184 : i32
        %add3A_871 = arith.constant 4 : i32
        %add3A_872 = arith.addi %mul3A_870, %add3A_871 : i32
        %swap3A_873 = arith.index_cast %add3A_872 : i32 to index
        %swap3A_874 = arith.constant 96 : index
        %swap3A_875 = tpu.vector_load %arg10[%swap3A_873, %swap3A_874] {strides = array<i32>} : memref<128x128xf32, #tpu.memory_space<vmem>>, vector<1x16xf32>,
        %swap3A_876 = vector.shape_cast %swap3A_875 : vector<1x16xf32> to vector<16xf32>
        %swap3A_877 = vector.shape_cast %get3A_868 : vector<16xf32> to vector<1x16xf32>
        tpu.vector_store %arg10[%swap3A_873, %swap3A_874], %swap3A_877 {strides = array<i32>} : memref<128x128xf32, #tpu.memory_space<vmem>>, vector<1x16xf32>,
        %add3A_878 = arith.constant 9 : i32
        %add3A_879 = arith.addi %mul3A_186, %add3A_878 : i32
        %add3A_880 = arith.constant 48 : i32
        %add3A_881 = arith.addi %squeeze3A_826, %add3A_880 : i32
        %get3A_882 = arith.index_cast %add3A_879 : i32 to index
        %get3A_883 = arith.index_cast %add3A_881 : i32 to index
        %get3A_884 = tpu.vector_load %arg8[%get3A_882, %get3A_883] {strides = array<i32>} : memref<256x128xf32, #tpu.memory_space<vmem>>, vector<1x16xf32>,
        %get3A_885 = vector.shape_cast %get3A_884 : vector<1x16xf32> to vector<16xf32>
        %mul3A_886 = arith.constant 8 : i32
        %mul3A_887 = arith.muli %mul3A_886, %scan3A_184 : i32
        %add3A_888 = arith.constant 4 : i32
        %add3A_889 = arith.addi %mul3A_887, %add3A_888 : i32
        %swap3A_890 = arith.index_cast %add3A_889 : i32 to index
        %swap3A_891 = arith.constant 112 : index
        %swap3A_892 = tpu.vector_load %arg10[%swap3A_890, %swap3A_891] {strides = array<i32>} : memref<128x128xf32, #tpu.memory_space<vmem>>, vector<1x16xf32>,
        %swap3A_893 = vector.shape_cast %swap3A_892 : vector<1x16xf32> to vector<16xf32>
        %swap3A_894 = vector.shape_cast %get3A_885 : vector<16xf32> to vector<1x16xf32>
        tpu.vector_store %arg10[%swap3A_890, %swap3A_891], %swap3A_894 {strides = array<i32>} : memref<128x128xf32, #tpu.memory_space<vmem>>, vector<1x16xf32>,
        %slice3A_895 = vector.extract_strided_slice %mul3A_197 {offsets = [10], sizes = [1], strides = [1]} : vector<16xi32> to vector<1xi32>
        %squeeze3A_896 = vector.extract %slice3A_895[0] : i32 from vector<1xi32>
        %add3A_897 = arith.constant 10 : i32
        %add3A_898 = arith.addi %mul3A_186, %add3A_897 : i32
        %add3A_899 = arith.constant 0 : i32
        %add3A_900 = arith.addi %squeeze3A_896, %add3A_899 : i32
        %get3A_901 = arith.index_cast %add3A_898 : i32 to index
        %get3A_902 = arith.index_cast %add3A_900 : i32 to index
        %get3A_903 = tpu.vector_load %arg8[%get3A_901, %get3A_902] {strides = array<i32>} : memref<256x128xf32, #tpu.memory_space<vmem>>, vector<1x16xf32>,
        %get3A_904 = vector.shape_cast %get3A_903 : vector<1x16xf32> to vector<16xf32>
        %mul3A_905 = arith.constant 8 : i32
        %mul3A_906 = arith.muli %mul3A_905, %scan3A_184 : i32
        %add3A_907 = arith.constant 5 : i32
        %add3A_908 = arith.addi %mul3A_906, %add3A_907 : i32
        %swap3A_909 = arith.index_cast %add3A_908 : i32 to index
        %swap3A_910 = arith.constant 0 : index
        %swap3A_911 = tpu.vector_load %arg10[%swap3A_909, %swap3A_910] {strides = array<i32>} : memref<128x128xf32, #tpu.memory_space<vmem>>, vector<1x16xf32>,
        %swap3A_912 = vector.shape_cast %swap3A_911 : vector<1x16xf32> to vector<16xf32>
        %swap3A_913 = vector.shape_cast %get3A_904 : vector<16xf32> to vector<1x16xf32>
        tpu.vector_store %arg10[%swap3A_909, %swap3A_910], %swap3A_913 {strides = array<i32>} : memref<128x128xf32, #tpu.memory_space<vmem>>, vector<1x16xf32>,
        %add3A_914 = arith.constant 10 : i32
        %add3A_915 = arith.addi %mul3A_186, %add3A_914 : i32
        %add3A_916 = arith.constant 16 : i32
        %add3A_917 = arith.addi %squeeze3A_896, %add3A_916 : i32
        %get3A_918 = arith.index_cast %add3A_915 : i32 to index
        %get3A_919 = arith.index_cast %add3A_917 : i32 to index
        %get3A_920 = tpu.vector_load %arg8[%get3A_918, %get3A_919] {strides = array<i32>} : memref<256x128xf32, #tpu.memory_space<vmem>>, vector<1x16xf32>,
        %get3A_921 = vector.shape_cast %get3A_920 : vector<1x16xf32> to vector<16xf32>
        %mul3A_922 = arith.constant 8 : i32
        %mul3A_923 = arith.muli %mul3A_922, %scan3A_184 : i32
        %add3A_924 = arith.constant 5 : i32
        %add3A_925 = arith.addi %mul3A_923, %add3A_924 : i32
        %swap3A_926 = arith.index_cast %add3A_925 : i32 to index
        %swap3A_927 = arith.constant 16 : index
        %swap3A_928 = tpu.vector_load %arg10[%swap3A_926, %swap3A_927] {strides = array<i32>} : memref<128x128xf32, #tpu.memory_space<vmem>>, vector<1x16xf32>,
        %swap3A_929 = vector.shape_cast %swap3A_928 : vector<1x16xf32> to vector<16xf32>
        %swap3A_930 = vector.shape_cast %get3A_921 : vector<16xf32> to vector<1x16xf32>
        tpu.vector_store %arg10[%swap3A_926, %swap3A_927], %swap3A_930 {strides = array<i32>} : memref<128x128xf32, #tpu.memory_space<vmem>>, vector<1x16xf32>,
        %add3A_931 = arith.constant 10 : i32
        %add3A_932 = arith.addi %mul3A_186, %add3A_931 : i32
        %add3A_933 = arith.constant 32 : i32
        %add3A_934 = arith.addi %squeeze3A_896, %add3A_933 : i32
        %get3A_935 = arith.index_cast %add3A_932 : i32 to index
        %get3A_936 = arith.index_cast %add3A_934 : i32 to index
        %get3A_937 = tpu.vector_load %arg8[%get3A_935, %get3A_936] {strides = array<i32>} : memref<256x128xf32, #tpu.memory_space<vmem>>, vector<1x16xf32>,
        %get3A_938 = vector.shape_cast %get3A_937 : vector<1x16xf32> to vector<16xf32>
        %mul3A_939 = arith.constant 8 : i32
        %mul3A_940 = arith.muli %mul3A_939, %scan3A_184 : i32
        %add3A_941 = arith.constant 5 : i32
        %add3A_942 = arith.addi %mul3A_940, %add3A_941 : i32
        %swap3A_943 = arith.index_cast %add3A_942 : i32 to index
        %swap3A_944 = arith.constant 32 : index
        %swap3A_945 = tpu.vector_load %arg10[%swap3A_943, %swap3A_944] {strides = array<i32>} : memref<128x128xf32, #tpu.memory_space<vmem>>, vector<1x16xf32>,
        %swap3A_946 = vector.shape_cast %swap3A_945 : vector<1x16xf32> to vector<16xf32>
        %swap3A_947 = vector.shape_cast %get3A_938 : vector<16xf32> to vector<1x16xf32>
        tpu.vector_store %arg10[%swap3A_943, %swap3A_944], %swap3A_947 {strides = array<i32>} : memref<128x128xf32, #tpu.memory_space<vmem>>, vector<1x16xf32>,
        %add3A_948 = arith.constant 10 : i32
        %add3A_949 = arith.addi %mul3A_186, %add3A_948 : i32
        %add3A_950 = arith.constant 48 : i32
        %add3A_951 = arith.addi %squeeze3A_896, %add3A_950 : i32
        %get3A_952 = arith.index_cast %add3A_949 : i32 to index
        %get3A_953 = arith.index_cast %add3A_951 : i32 to index
        %get3A_954 = tpu.vector_load %arg8[%get3A_952, %get3A_953] {strides = array<i32>} : memref<256x128xf32, #tpu.memory_space<vmem>>, vector<1x16xf32>,
        %get3A_955 = vector.shape_cast %get3A_954 : vector<1x16xf32> to vector<16xf32>
        %mul3A_956 = arith.constant 8 : i32
        %mul3A_957 = arith.muli %mul3A_956, %scan3A_184 : i32
        %add3A_958 = arith.constant 5 : i32
        %add3A_959 = arith.addi %mul3A_957, %add3A_958 : i32
        %swap3A_960 = arith.index_cast %add3A_959 : i32 to index
        %swap3A_961 = arith.constant 48 : index
        %swap3A_962 = tpu.vector_load %arg10[%swap3A_960, %swap3A_961] {strides = array<i32>} : memref<128x128xf32, #tpu.memory_space<vmem>>, vector<1x16xf32>,
        %swap3A_963 = vector.shape_cast %swap3A_962 : vector<1x16xf32> to vector<16xf32>
        %swap3A_964 = vector.shape_cast %get3A_955 : vector<16xf32> to vector<1x16xf32>
        tpu.vector_store %arg10[%swap3A_960, %swap3A_961], %swap3A_964 {strides = array<i32>} : memref<128x128xf32, #tpu.memory_space<vmem>>, vector<1x16xf32>,
        %slice3A_965 = vector.extract_strided_slice %mul3A_197 {offsets = [11], sizes = [1], strides = [1]} : vector<16xi32> to vector<1xi32>
        %squeeze3A_966 = vector.extract %slice3A_965[0] : i32 from vector<1xi32>
        %add3A_967 = arith.constant 11 : i32
        %add3A_968 = arith.addi %mul3A_186, %add3A_967 : i32
        %add3A_969 = arith.constant 0 : i32
        %add3A_970 = arith.addi %squeeze3A_966, %add3A_969 : i32
        %get3A_971 = arith.index_cast %add3A_968 : i32 to index
        %get3A_972 = arith.index_cast %add3A_970 : i32 to index
        %get3A_973 = tpu.vector_load %arg8[%get3A_971, %get3A_972] {strides = array<i32>} : memref<256x128xf32, #tpu.memory_space<vmem>>, vector<1x16xf32>,
        %get3A_974 = vector.shape_cast %get3A_973 : vector<1x16xf32> to vector<16xf32>
        %mul3A_975 = arith.constant 8 : i32
        %mul3A_976 = arith.muli %mul3A_975, %scan3A_184 : i32
        %add3A_977 = arith.constant 5 : i32
        %add3A_978 = arith.addi %mul3A_976, %add3A_977 : i32
        %swap3A_979 = arith.index_cast %add3A_978 : i32 to index
        %swap3A_980 = arith.constant 64 : index
        %swap3A_981 = tpu.vector_load %arg10[%swap3A_979, %swap3A_980] {strides = array<i32>} : memref<128x128xf32, #tpu.memory_space<vmem>>, vector<1x16xf32>,
        %swap3A_982 = vector.shape_cast %swap3A_981 : vector<1x16xf32> to vector<16xf32>
        %swap3A_983 = vector.shape_cast %get3A_974 : vector<16xf32> to vector<1x16xf32>
        tpu.vector_store %arg10[%swap3A_979, %swap3A_980], %swap3A_983 {strides = array<i32>} : memref<128x128xf32, #tpu.memory_space<vmem>>, vector<1x16xf32>,
        %add3A_984 = arith.constant 11 : i32
        %add3A_985 = arith.addi %mul3A_186, %add3A_984 : i32
        %add3A_986 = arith.constant 16 : i32
        %add3A_987 = arith.addi %squeeze3A_966, %add3A_986 : i32
        %get3A_988 = arith.index_cast %add3A_985 : i32 to index
        %get3A_989 = arith.index_cast %add3A_987 : i32 to index
        %get3A_990 = tpu.vector_load %arg8[%get3A_988, %get3A_989] {strides = array<i32>} : memref<256x128xf32, #tpu.memory_space<vmem>>, vector<1x16xf32>,
        %get3A_991 = vector.shape_cast %get3A_990 : vector<1x16xf32> to vector<16xf32>
        %mul3A_992 = arith.constant 8 : i32
        %mul3A_993 = arith.muli %mul3A_992, %scan3A_184 : i32
        %add3A_994 = arith.constant 5 : i32
        %add3A_995 = arith.addi %mul3A_993, %add3A_994 : i32
        %swap3A_996 = arith.index_cast %add3A_995 : i32 to index
        %swap3A_997 = arith.constant 80 : index
        %swap3A_998 = tpu.vector_load %arg10[%swap3A_996, %swap3A_997] {strides = array<i32>} : memref<128x128xf32, #tpu.memory_space<vmem>>, vector<1x16xf32>,
        %swap3A_999 = vector.shape_cast %swap3A_998 : vector<1x16xf32> to vector<16xf32>
        %swap3A_1000 = vector.shape_cast %get3A_991 : vector<16xf32> to vector<1x16xf32>
        tpu.vector_store %arg10[%swap3A_996, %swap3A_997], %swap3A_1000 {strides = array<i32>} : memref<128x128xf32, #tpu.memory_space<vmem>>, vector<1x16xf32>,
        %add3A_1001 = arith.constant 11 : i32
        %add3A_1002 = arith.addi %mul3A_186, %add3A_1001 : i32
        %add3A_1003 = arith.constant 32 : i32
        %add3A_1004 = arith.addi %squeeze3A_966, %add3A_1003 : i32
        %get3A_1005 = arith.index_cast %add3A_1002 : i32 to index
        %get3A_1006 = arith.index_cast %add3A_1004 : i32 to index
        %get3A_1007 = tpu.vector_load %arg8[%get3A_1005, %get3A_1006] {strides = array<i32>} : memref<256x128xf32, #tpu.memory_space<vmem>>, vector<1x16xf32>,
        %get3A_1008 = vector.shape_cast %get3A_1007 : vector<1x16xf32> to vector<16xf32>
        %mul3A_1009 = arith.constant 8 : i32
        %mul3A_1010 = arith.muli %mul3A_1009, %scan3A_184 : i32
        %add3A_1011 = arith.constant 5 : i32
        %add3A_1012 = arith.addi %mul3A_1010, %add3A_1011 : i32
        %swap3A_1013 = arith.index_cast %add3A_1012 : i32 to index
        %swap3A_1014 = arith.constant 96 : index
        %swap3A_1015 = tpu.vector_load %arg10[%swap3A_1013, %swap3A_1014] {strides = array<i32>} : memref<128x128xf32, #tpu.memory_space<vmem>>, vector<1x16xf32>,
        %swap3A_1016 = vector.shape_cast %swap3A_1015 : vector<1x16xf32> to vector<16xf32>
        %swap3A_1017 = vector.shape_cast %get3A_1008 : vector<16xf32> to vector<1x16xf32>
        tpu.vector_store %arg10[%swap3A_1013, %swap3A_1014], %swap3A_1017 {strides = array<i32>} : memref<128x128xf32, #tpu.memory_space<vmem>>, vector<1x16xf32>,
        %add3A_1018 = arith.constant 11 : i32
        %add3A_1019 = arith.addi %mul3A_186, %add3A_1018 : i32
        %add3A_1020 = arith.constant 48 : i32
        %add3A_1021 = arith.addi %squeeze3A_966, %add3A_1020 : i32
        %get3A_1022 = arith.index_cast %add3A_1019 : i32 to index
        %get3A_1023 = arith.index_cast %add3A_1021 : i32 to index
        %get3A_1024 = tpu.vector_load %arg8[%get3A_1022, %get3A_1023] {strides = array<i32>} : memref<256x128xf32, #tpu.memory_space<vmem>>, vector<1x16xf32>,
        %get3A_1025 = vector.shape_cast %get3A_1024 : vector<1x16xf32> to vector<16xf32>
        %mul3A_1026 = arith.constant 8 : i32
        %mul3A_1027 = arith.muli %mul3A_1026, %scan3A_184 : i32
        %add3A_1028 = arith.constant 5 : i32
        %add3A_1029 = arith.addi %mul3A_1027, %add3A_1028 : i32
        %swap3A_1030 = arith.index_cast %add3A_1029 : i32 to index
        %swap3A_1031 = arith.constant 112 : index
        %swap3A_1032 = tpu.vector_load %arg10[%swap3A_1030, %swap3A_1031] {strides = array<i32>} : memref<128x128xf32, #tpu.memory_space<vmem>>, vector<1x16xf32>,
        %swap3A_1033 = vector.shape_cast %swap3A_1032 : vector<1x16xf32> to vector<16xf32>
        %swap3A_1034 = vector.shape_cast %get3A_1025 : vector<16xf32> to vector<1x16xf32>
        tpu.vector_store %arg10[%swap3A_1030, %swap3A_1031], %swap3A_1034 {strides = array<i32>} : memref<128x128xf32, #tpu.memory_space<vmem>>, vector<1x16xf32>,
        %slice3A_1035 = vector.extract_strided_slice %mul3A_197 {offsets = [12], sizes = [1], strides = [1]} : vector<16xi32> to vector<1xi32>
        %squeeze3A_1036 = vector.extract %slice3A_1035[0] : i32 from vector<1xi32>
        %add3A_1037 = arith.constant 12 : i32
        %add3A_1038 = arith.addi %mul3A_186, %add3A_1037 : i32
        %add3A_1039 = arith.constant 0 : i32
        %add3A_1040 = arith.addi %squeeze3A_1036, %add3A_1039 : i32
        %get3A_1041 = arith.index_cast %add3A_1038 : i32 to index
        %get3A_1042 = arith.index_cast %add3A_1040 : i32 to index
        %get3A_1043 = tpu.vector_load %arg8[%get3A_1041, %get3A_1042] {strides = array<i32>} : memref<256x128xf32, #tpu.memory_space<vmem>>, vector<1x16xf32>,
        %get3A_1044 = vector.shape_cast %get3A_1043 : vector<1x16xf32> to vector<16xf32>
        %mul3A_1045 = arith.constant 8 : i32
        %mul3A_1046 = arith.muli %mul3A_1045, %scan3A_184 : i32
        %add3A_1047 = arith.constant 6 : i32
        %add3A_1048 = arith.addi %mul3A_1046, %add3A_1047 : i32
        %swap3A_1049 = arith.index_cast %add3A_1048 : i32 to index
        %swap3A_1050 = arith.constant 0 : index
        %swap3A_1051 = tpu.vector_load %arg10[%swap3A_1049, %swap3A_1050] {strides = array<i32>} : memref<128x128xf32, #tpu.memory_space<vmem>>, vector<1x16xf32>,
        %swap3A_1052 = vector.shape_cast %swap3A_1051 : vector<1x16xf32> to vector<16xf32>
        %swap3A_1053 = vector.shape_cast %get3A_1044 : vector<16xf32> to vector<1x16xf32>
        tpu.vector_store %arg10[%swap3A_1049, %swap3A_1050], %swap3A_1053 {strides = array<i32>} : memref<128x128xf32, #tpu.memory_space<vmem>>, vector<1x16xf32>,
        %add3A_1054 = arith.constant 12 : i32
        %add3A_1055 = arith.addi %mul3A_186, %add3A_1054 : i32
        %add3A_1056 = arith.constant 16 : i32
        %add3A_1057 = arith.addi %squeeze3A_1036, %add3A_1056 : i32
        %get3A_1058 = arith.index_cast %add3A_1055 : i32 to index
        %get3A_1059 = arith.index_cast %add3A_1057 : i32 to index
        %get3A_1060 = tpu.vector_load %arg8[%get3A_1058, %get3A_1059] {strides = array<i32>} : memref<256x128xf32, #tpu.memory_space<vmem>>, vector<1x16xf32>,
        %get3A_1061 = vector.shape_cast %get3A_1060 : vector<1x16xf32> to vector<16xf32>
        %mul3A_1062 = arith.constant 8 : i32
        %mul3A_1063 = arith.muli %mul3A_1062, %scan3A_184 : i32
        %add3A_1064 = arith.constant 6 : i32
        %add3A_1065 = arith.addi %mul3A_1063, %add3A_1064 : i32
        %swap3A_1066 = arith.index_cast %add3A_1065 : i32 to index
        %swap3A_1067 = arith.constant 16 : index
        %swap3A_1068 = tpu.vector_load %arg10[%swap3A_1066, %swap3A_1067] {strides = array<i32>} : memref<128x128xf32, #tpu.memory_space<vmem>>, vector<1x16xf32>,
        %swap3A_1069 = vector.shape_cast %swap3A_1068 : vector<1x16xf32> to vector<16xf32>
        %swap3A_1070 = vector.shape_cast %get3A_1061 : vector<16xf32> to vector<1x16xf32>
        tpu.vector_store %arg10[%swap3A_1066, %swap3A_1067], %swap3A_1070 {strides = array<i32>} : memref<128x128xf32, #tpu.memory_space<vmem>>, vector<1x16xf32>,
        %add3A_1071 = arith.constant 12 : i32
        %add3A_1072 = arith.addi %mul3A_186, %add3A_1071 : i32
        %add3A_1073 = arith.constant 32 : i32
        %add3A_1074 = arith.addi %squeeze3A_1036, %add3A_1073 : i32
        %get3A_1075 = arith.index_cast %add3A_1072 : i32 to index
        %get3A_1076 = arith.index_cast %add3A_1074 : i32 to index
        %get3A_1077 = tpu.vector_load %arg8[%get3A_1075, %get3A_1076] {strides = array<i32>} : memref<256x128xf32, #tpu.memory_space<vmem>>, vector<1x16xf32>,
        %get3A_1078 = vector.shape_cast %get3A_1077 : vector<1x16xf32> to vector<16xf32>
        %mul3A_1079 = arith.constant 8 : i32
        %mul3A_1080 = arith.muli %mul3A_1079, %scan3A_184 : i32
        %add3A_1081 = arith.constant 6 : i32
        %add3A_1082 = arith.addi %mul3A_1080, %add3A_1081 : i32
        %swap3A_1083 = arith.index_cast %add3A_1082 : i32 to index
        %swap3A_1084 = arith.constant 32 : index
        %swap3A_1085 = tpu.vector_load %arg10[%swap3A_1083, %swap3A_1084] {strides = array<i32>} : memref<128x128xf32, #tpu.memory_space<vmem>>, vector<1x16xf32>,
        %swap3A_1086 = vector.shape_cast %swap3A_1085 : vector<1x16xf32> to vector<16xf32>
        %swap3A_1087 = vector.shape_cast %get3A_1078 : vector<16xf32> to vector<1x16xf32>
        tpu.vector_store %arg10[%swap3A_1083, %swap3A_1084], %swap3A_1087 {strides = array<i32>} : memref<128x128xf32, #tpu.memory_space<vmem>>, vector<1x16xf32>,
        %add3A_1088 = arith.constant 12 : i32
        %add3A_1089 = arith.addi %mul3A_186, %add3A_1088 : i32
        %add3A_1090 = arith.constant 48 : i32
        %add3A_1091 = arith.addi %squeeze3A_1036, %add3A_1090 : i32
        %get3A_1092 = arith.index_cast %add3A_1089 : i32 to index
        %get3A_1093 = arith.index_cast %add3A_1091 : i32 to index
        %get3A_1094 = tpu.vector_load %arg8[%get3A_1092, %get3A_1093] {strides = array<i32>} : memref<256x128xf32, #tpu.memory_space<vmem>>, vector<1x16xf32>,
        %get3A_1095 = vector.shape_cast %get3A_1094 : vector<1x16xf32> to vector<16xf32>
        %mul3A_1096 = arith.constant 8 : i32
        %mul3A_1097 = arith.muli %mul3A_1096, %scan3A_184 : i32
        %add3A_1098 = arith.constant 6 : i32
        %add3A_1099 = arith.addi %mul3A_1097, %add3A_1098 : i32
        %swap3A_1100 = arith.index_cast %add3A_1099 : i32 to index
        %swap3A_1101 = arith.constant 48 : index
        %swap3A_1102 = tpu.vector_load %arg10[%swap3A_1100, %swap3A_1101] {strides = array<i32>} : memref<128x128xf32, #tpu.memory_space<vmem>>, vector<1x16xf32>,
        %swap3A_1103 = vector.shape_cast %swap3A_1102 : vector<1x16xf32> to vector<16xf32>
        %swap3A_1104 = vector.shape_cast %get3A_1095 : vector<16xf32> to vector<1x16xf32>
        tpu.vector_store %arg10[%swap3A_1100, %swap3A_1101], %swap3A_1104 {strides = array<i32>} : memref<128x128xf32, #tpu.memory_space<vmem>>, vector<1x16xf32>,
        %slice3A_1105 = vector.extract_strided_slice %mul3A_197 {offsets = [13], sizes = [1], strides = [1]} : vector<16xi32> to vector<1xi32>
        %squeeze3A_1106 = vector.extract %slice3A_1105[0] : i32 from vector<1xi32>
        %add3A_1107 = arith.constant 13 : i32
        %add3A_1108 = arith.addi %mul3A_186, %add3A_1107 : i32
        %add3A_1109 = arith.constant 0 : i32
        %add3A_1110 = arith.addi %squeeze3A_1106, %add3A_1109 : i32
        %get3A_1111 = arith.index_cast %add3A_1108 : i32 to index
        %get3A_1112 = arith.index_cast %add3A_1110 : i32 to index
        %get3A_1113 = tpu.vector_load %arg8[%get3A_1111, %get3A_1112] {strides = array<i32>} : memref<256x128xf32, #tpu.memory_space<vmem>>, vector<1x16xf32>,
        %get3A_1114 = vector.shape_cast %get3A_1113 : vector<1x16xf32> to vector<16xf32>
        %mul3A_1115 = arith.constant 8 : i32
        %mul3A_1116 = arith.muli %mul3A_1115, %scan3A_184 : i32
        %add3A_1117 = arith.constant 6 : i32
        %add3A_1118 = arith.addi %mul3A_1116, %add3A_1117 : i32
        %swap3A_1119 = arith.index_cast %add3A_1118 : i32 to index
        %swap3A_1120 = arith.constant 64 : index
        %swap3A_1121 = tpu.vector_load %arg10[%swap3A_1119, %swap3A_1120] {strides = array<i32>} : memref<128x128xf32, #tpu.memory_space<vmem>>, vector<1x16xf32>,
        %swap3A_1122 = vector.shape_cast %swap3A_1121 : vector<1x16xf32> to vector<16xf32>
        %swap3A_1123 = vector.shape_cast %get3A_1114 : vector<16xf32> to vector<1x16xf32>
        tpu.vector_store %arg10[%swap3A_1119, %swap3A_1120], %swap3A_1123 {strides = array<i32>} : memref<128x128xf32, #tpu.memory_space<vmem>>, vector<1x16xf32>,
        %add3A_1124 = arith.constant 13 : i32
        %add3A_1125 = arith.addi %mul3A_186, %add3A_1124 : i32
        %add3A_1126 = arith.constant 16 : i32
        %add3A_1127 = arith.addi %squeeze3A_1106, %add3A_1126 : i32
        %get3A_1128 = arith.index_cast %add3A_1125 : i32 to index
        %get3A_1129 = arith.index_cast %add3A_1127 : i32 to index
        %get3A_1130 = tpu.vector_load %arg8[%get3A_1128, %get3A_1129] {strides = array<i32>} : memref<256x128xf32, #tpu.memory_space<vmem>>, vector<1x16xf32>,
        %get3A_1131 = vector.shape_cast %get3A_1130 : vector<1x16xf32> to vector<16xf32>
        %mul3A_1132 = arith.constant 8 : i32
        %mul3A_1133 = arith.muli %mul3A_1132, %scan3A_184 : i32
        %add3A_1134 = arith.constant 6 : i32
        %add3A_1135 = arith.addi %mul3A_1133, %add3A_1134 : i32
        %swap3A_1136 = arith.index_cast %add3A_1135 : i32 to index
        %swap3A_1137 = arith.constant 80 : index
        %swap3A_1138 = tpu.vector_load %arg10[%swap3A_1136, %swap3A_1137] {strides = array<i32>} : memref<128x128xf32, #tpu.memory_space<vmem>>, vector<1x16xf32>,
        %swap3A_1139 = vector.shape_cast %swap3A_1138 : vector<1x16xf32> to vector<16xf32>
        %swap3A_1140 = vector.shape_cast %get3A_1131 : vector<16xf32> to vector<1x16xf32>
        tpu.vector_store %arg10[%swap3A_1136, %swap3A_1137], %swap3A_1140 {strides = array<i32>} : memref<128x128xf32, #tpu.memory_space<vmem>>, vector<1x16xf32>,
        %add3A_1141 = arith.constant 13 : i32
        %add3A_1142 = arith.addi %mul3A_186, %add3A_1141 : i32
        %add3A_1143 = arith.constant 32 : i32
        %add3A_1144 = arith.addi %squeeze3A_1106, %add3A_1143 : i32
        %get3A_1145 = arith.index_cast %add3A_1142 : i32 to index
        %get3A_1146 = arith.index_cast %add3A_1144 : i32 to index
        %get3A_1147 = tpu.vector_load %arg8[%get3A_1145, %get3A_1146] {strides = array<i32>} : memref<256x128xf32, #tpu.memory_space<vmem>>, vector<1x16xf32>,
        %get3A_1148 = vector.shape_cast %get3A_1147 : vector<1x16xf32> to vector<16xf32>
        %mul3A_1149 = arith.constant 8 : i32
        %mul3A_1150 = arith.muli %mul3A_1149, %scan3A_184 : i32
        %add3A_1151 = arith.constant 6 : i32
        %add3A_1152 = arith.addi %mul3A_1150, %add3A_1151 : i32
        %swap3A_1153 = arith.index_cast %add3A_1152 : i32 to index
        %swap3A_1154 = arith.constant 96 : index
        %swap3A_1155 = tpu.vector_load %arg10[%swap3A_1153, %swap3A_1154] {strides = array<i32>} : memref<128x128xf32, #tpu.memory_space<vmem>>, vector<1x16xf32>,
        %swap3A_1156 = vector.shape_cast %swap3A_1155 : vector<1x16xf32> to vector<16xf32>
        %swap3A_1157 = vector.shape_cast %get3A_1148 : vector<16xf32> to vector<1x16xf32>
        tpu.vector_store %arg10[%swap3A_1153, %swap3A_1154], %swap3A_1157 {strides = array<i32>} : memref<128x128xf32, #tpu.memory_space<vmem>>, vector<1x16xf32>,
        %add3A_1158 = arith.constant 13 : i32
        %add3A_1159 = arith.addi %mul3A_186, %add3A_1158 : i32
        %add3A_1160 = arith.constant 48 : i32
        %add3A_1161 = arith.addi %squeeze3A_1106, %add3A_1160 : i32
        %get3A_1162 = arith.index_cast %add3A_1159 : i32 to index
        %get3A_1163 = arith.index_cast %add3A_1161 : i32 to index
        %get3A_1164 = tpu.vector_load %arg8[%get3A_1162, %get3A_1163] {strides = array<i32>} : memref<256x128xf32, #tpu.memory_space<vmem>>, vector<1x16xf32>,
        %get3A_1165 = vector.shape_cast %get3A_1164 : vector<1x16xf32> to vector<16xf32>
        %mul3A_1166 = arith.constant 8 : i32
        %mul3A_1167 = arith.muli %mul3A_1166, %scan3A_184 : i32
        %add3A_1168 = arith.constant 6 : i32
        %add3A_1169 = arith.addi %mul3A_1167, %add3A_1168 : i32
        %swap3A_1170 = arith.index_cast %add3A_1169 : i32 to index
        %swap3A_1171 = arith.constant 112 : index
        %swap3A_1172 = tpu.vector_load %arg10[%swap3A_1170, %swap3A_1171] {strides = array<i32>} : memref<128x128xf32, #tpu.memory_space<vmem>>, vector<1x16xf32>,
        %swap3A_1173 = vector.shape_cast %swap3A_1172 : vector<1x16xf32> to vector<16xf32>
        %swap3A_1174 = vector.shape_cast %get3A_1165 : vector<16xf32> to vector<1x16xf32>
        tpu.vector_store %arg10[%swap3A_1170, %swap3A_1171], %swap3A_1174 {strides = array<i32>} : memref<128x128xf32, #tpu.memory_space<vmem>>, vector<1x16xf32>,
        %slice3A_1175 = vector.extract_strided_slice %mul3A_197 {offsets = [14], sizes = [1], strides = [1]} : vector<16xi32> to vector<1xi32>
        %squeeze3A_1176 = vector.extract %slice3A_1175[0] : i32 from vector<1xi32>
        %add3A_1177 = arith.constant 14 : i32
        %add3A_1178 = arith.addi %mul3A_186, %add3A_1177 : i32
        %add3A_1179 = arith.constant 0 : i32
        %add3A_1180 = arith.addi %squeeze3A_1176, %add3A_1179 : i32
        %get3A_1181 = arith.index_cast %add3A_1178 : i32 to index
        %get3A_1182 = arith.index_cast %add3A_1180 : i32 to index
        %get3A_1183 = tpu.vector_load %arg8[%get3A_1181, %get3A_1182] {strides = array<i32>} : memref<256x128xf32, #tpu.memory_space<vmem>>, vector<1x16xf32>,
        %get3A_1184 = vector.shape_cast %get3A_1183 : vector<1x16xf32> to vector<16xf32>
        %mul3A_1185 = arith.constant 8 : i32
        %mul3A_1186 = arith.muli %mul3A_1185, %scan3A_184 : i32
        %add3A_1187 = arith.constant 7 : i32
        %add3A_1188 = arith.addi %mul3A_1186, %add3A_1187 : i32
        %swap3A_1189 = arith.index_cast %add3A_1188 : i32 to index
        %swap3A_1190 = arith.constant 0 : index
        %swap3A_1191 = tpu.vector_load %arg10[%swap3A_1189, %swap3A_1190] {strides = array<i32>} : memref<128x128xf32, #tpu.memory_space<vmem>>, vector<1x16xf32>,
        %swap3A_1192 = vector.shape_cast %swap3A_1191 : vector<1x16xf32> to vector<16xf32>
        %swap3A_1193 = vector.shape_cast %get3A_1184 : vector<16xf32> to vector<1x16xf32>
        tpu.vector_store %arg10[%swap3A_1189, %swap3A_1190], %swap3A_1193 {strides = array<i32>} : memref<128x128xf32, #tpu.memory_space<vmem>>, vector<1x16xf32>,
        %add3A_1194 = arith.constant 14 : i32
        %add3A_1195 = arith.addi %mul3A_186, %add3A_1194 : i32
        %add3A_1196 = arith.constant 16 : i32
        %add3A_1197 = arith.addi %squeeze3A_1176, %add3A_1196 : i32
        %get3A_1198 = arith.index_cast %add3A_1195 : i32 to index
        %get3A_1199 = arith.index_cast %add3A_1197 : i32 to index
        %get3A_1200 = tpu.vector_load %arg8[%get3A_1198, %get3A_1199] {strides = array<i32>} : memref<256x128xf32, #tpu.memory_space<vmem>>, vector<1x16xf32>,
        %get3A_1201 = vector.shape_cast %get3A_1200 : vector<1x16xf32> to vector<16xf32>
        %mul3A_1202 = arith.constant 8 : i32
        %mul3A_1203 = arith.muli %mul3A_1202, %scan3A_184 : i32
        %add3A_1204 = arith.constant 7 : i32
        %add3A_1205 = arith.addi %mul3A_1203, %add3A_1204 : i32
        %swap3A_1206 = arith.index_cast %add3A_1205 : i32 to index
        %swap3A_1207 = arith.constant 16 : index
        %swap3A_1208 = tpu.vector_load %arg10[%swap3A_1206, %swap3A_1207] {strides = array<i32>} : memref<128x128xf32, #tpu.memory_space<vmem>>, vector<1x16xf32>,
        %swap3A_1209 = vector.shape_cast %swap3A_1208 : vector<1x16xf32> to vector<16xf32>
        %swap3A_1210 = vector.shape_cast %get3A_1201 : vector<16xf32> to vector<1x16xf32>
        tpu.vector_store %arg10[%swap3A_1206, %swap3A_1207], %swap3A_1210 {strides = array<i32>} : memref<128x128xf32, #tpu.memory_space<vmem>>, vector<1x16xf32>,
        %add3A_1211 = arith.constant 14 : i32
        %add3A_1212 = arith.addi %mul3A_186, %add3A_1211 : i32
        %add3A_1213 = arith.constant 32 : i32
        %add3A_1214 = arith.addi %squeeze3A_1176, %add3A_1213 : i32
        %get3A_1215 = arith.index_cast %add3A_1212 : i32 to index
        %get3A_1216 = arith.index_cast %add3A_1214 : i32 to index
        %get3A_1217 = tpu.vector_load %arg8[%get3A_1215, %get3A_1216] {strides = array<i32>} : memref<256x128xf32, #tpu.memory_space<vmem>>, vector<1x16xf32>,
        %get3A_1218 = vector.shape_cast %get3A_1217 : vector<1x16xf32> to vector<16xf32>
        %mul3A_1219 = arith.constant 8 : i32
        %mul3A_1220 = arith.muli %mul3A_1219, %scan3A_184 : i32
        %add3A_1221 = arith.constant 7 : i32
        %add3A_1222 = arith.addi %mul3A_1220, %add3A_1221 : i32
        %swap3A_1223 = arith.index_cast %add3A_1222 : i32 to index
        %swap3A_1224 = arith.constant 32 : index
        %swap3A_1225 = tpu.vector_load %arg10[%swap3A_1223, %swap3A_1224] {strides = array<i32>} : memref<128x128xf32, #tpu.memory_space<vmem>>, vector<1x16xf32>,
        %swap3A_1226 = vector.shape_cast %swap3A_1225 : vector<1x16xf32> to vector<16xf32>
        %swap3A_1227 = vector.shape_cast %get3A_1218 : vector<16xf32> to vector<1x16xf32>
        tpu.vector_store %arg10[%swap3A_1223, %swap3A_1224], %swap3A_1227 {strides = array<i32>} : memref<128x128xf32, #tpu.memory_space<vmem>>, vector<1x16xf32>,
        %add3A_1228 = arith.constant 14 : i32
        %add3A_1229 = arith.addi %mul3A_186, %add3A_1228 : i32
        %add3A_1230 = arith.constant 48 : i32
        %add3A_1231 = arith.addi %squeeze3A_1176, %add3A_1230 : i32
        %get3A_1232 = arith.index_cast %add3A_1229 : i32 to index
        %get3A_1233 = arith.index_cast %add3A_1231 : i32 to index
        %get3A_1234 = tpu.vector_load %arg8[%get3A_1232, %get3A_1233] {strides = array<i32>} : memref<256x128xf32, #tpu.memory_space<vmem>>, vector<1x16xf32>,
        %get3A_1235 = vector.shape_cast %get3A_1234 : vector<1x16xf32> to vector<16xf32>
        %mul3A_1236 = arith.constant 8 : i32
        %mul3A_1237 = arith.muli %mul3A_1236, %scan3A_184 : i32
        %add3A_1238 = arith.constant 7 : i32
        %add3A_1239 = arith.addi %mul3A_1237, %add3A_1238 : i32
        %swap3A_1240 = arith.index_cast %add3A_1239 : i32 to index
        %swap3A_1241 = arith.constant 48 : index
        %swap3A_1242 = tpu.vector_load %arg10[%swap3A_1240, %swap3A_1241] {strides = array<i32>} : memref<128x128xf32, #tpu.memory_space<vmem>>, vector<1x16xf32>,
        %swap3A_1243 = vector.shape_cast %swap3A_1242 : vector<1x16xf32> to vector<16xf32>
        %swap3A_1244 = vector.shape_cast %get3A_1235 : vector<16xf32> to vector<1x16xf32>
        tpu.vector_store %arg10[%swap3A_1240, %swap3A_1241], %swap3A_1244 {strides = array<i32>} : memref<128x128xf32, #tpu.memory_space<vmem>>, vector<1x16xf32>,
        %slice3A_1245 = vector.extract_strided_slice %mul3A_197 {offsets = [15], sizes = [1], strides = [1]} : vector<16xi32> to vector<1xi32>
        %squeeze3A_1246 = vector.extract %slice3A_1245[0] : i32 from vector<1xi32>
        %add3A_1247 = arith.constant 15 : i32
        %add3A_1248 = arith.addi %mul3A_186, %add3A_1247 : i32
        %add3A_1249 = arith.constant 0 : i32
        %add3A_1250 = arith.addi %squeeze3A_1246, %add3A_1249 : i32
        %get3A_1251 = arith.index_cast %add3A_1248 : i32 to index
        %get3A_1252 = arith.index_cast %add3A_1250 : i32 to index
        %get3A_1253 = tpu.vector_load %arg8[%get3A_1251, %get3A_1252] {strides = array<i32>} : memref<256x128xf32, #tpu.memory_space<vmem>>, vector<1x16xf32>,
        %get3A_1254 = vector.shape_cast %get3A_1253 : vector<1x16xf32> to vector<16xf32>
        %mul3A_1255 = arith.constant 8 : i32
        %mul3A_1256 = arith.muli %mul3A_1255, %scan3A_184 : i32
        %add3A_1257 = arith.constant 7 : i32
        %add3A_1258 = arith.addi %mul3A_1256, %add3A_1257 : i32
        %swap3A_1259 = arith.index_cast %add3A_1258 : i32 to index
        %swap3A_1260 = arith.constant 64 : index
        %swap3A_1261 = tpu.vector_load %arg10[%swap3A_1259, %swap3A_1260] {strides = array<i32>} : memref<128x128xf32, #tpu.memory_space<vmem>>, vector<1x16xf32>,
        %swap3A_1262 = vector.shape_cast %swap3A_1261 : vector<1x16xf32> to vector<16xf32>
        %swap3A_1263 = vector.shape_cast %get3A_1254 : vector<16xf32> to vector<1x16xf32>
        tpu.vector_store %arg10[%swap3A_1259, %swap3A_1260], %swap3A_1263 {strides = array<i32>} : memref<128x128xf32, #tpu.memory_space<vmem>>, vector<1x16xf32>,
        %add3A_1264 = arith.constant 15 : i32
        %add3A_1265 = arith.addi %mul3A_186, %add3A_1264 : i32
        %add3A_1266 = arith.constant 16 : i32
        %add3A_1267 = arith.addi %squeeze3A_1246, %add3A_1266 : i32
        %get3A_1268 = arith.index_cast %add3A_1265 : i32 to index
        %get3A_1269 = arith.index_cast %add3A_1267 : i32 to index
        %get3A_1270 = tpu.vector_load %arg8[%get3A_1268, %get3A_1269] {strides = array<i32>} : memref<256x128xf32, #tpu.memory_space<vmem>>, vector<1x16xf32>,
        %get3A_1271 = vector.shape_cast %get3A_1270 : vector<1x16xf32> to vector<16xf32>
        %mul3A_1272 = arith.constant 8 : i32
        %mul3A_1273 = arith.muli %mul3A_1272, %scan3A_184 : i32
        %add3A_1274 = arith.constant 7 : i32
        %add3A_1275 = arith.addi %mul3A_1273, %add3A_1274 : i32
        %swap3A_1276 = arith.index_cast %add3A_1275 : i32 to index
        %swap3A_1277 = arith.constant 80 : index
        %swap3A_1278 = tpu.vector_load %arg10[%swap3A_1276, %swap3A_1277] {strides = array<i32>} : memref<128x128xf32, #tpu.memory_space<vmem>>, vector<1x16xf32>,
        %swap3A_1279 = vector.shape_cast %swap3A_1278 : vector<1x16xf32> to vector<16xf32>
        %swap3A_1280 = vector.shape_cast %get3A_1271 : vector<16xf32> to vector<1x16xf32>
        tpu.vector_store %arg10[%swap3A_1276, %swap3A_1277], %swap3A_1280 {strides = array<i32>} : memref<128x128xf32, #tpu.memory_space<vmem>>, vector<1x16xf32>,
        %add3A_1281 = arith.constant 15 : i32
        %add3A_1282 = arith.addi %mul3A_186, %add3A_1281 : i32
        %add3A_1283 = arith.constant 32 : i32
        %add3A_1284 = arith.addi %squeeze3A_1246, %add3A_1283 : i32
        %get3A_1285 = arith.index_cast %add3A_1282 : i32 to index
        %get3A_1286 = arith.index_cast %add3A_1284 : i32 to index
        %get3A_1287 = tpu.vector_load %arg8[%get3A_1285, %get3A_1286] {strides = array<i32>} : memref<256x128xf32, #tpu.memory_space<vmem>>, vector<1x16xf32>,
        %get3A_1288 = vector.shape_cast %get3A_1287 : vector<1x16xf32> to vector<16xf32>
        %mul3A_1289 = arith.constant 8 : i32
        %mul3A_1290 = arith.muli %mul3A_1289, %scan3A_184 : i32
        %add3A_1291 = arith.constant 7 : i32
        %add3A_1292 = arith.addi %mul3A_1290, %add3A_1291 : i32
        %swap3A_1293 = arith.index_cast %add3A_1292 : i32 to index
        %swap3A_1294 = arith.constant 96 : index
        %swap3A_1295 = tpu.vector_load %arg10[%swap3A_1293, %swap3A_1294] {strides = array<i32>} : memref<128x128xf32, #tpu.memory_space<vmem>>, vector<1x16xf32>,
        %swap3A_1296 = vector.shape_cast %swap3A_1295 : vector<1x16xf32> to vector<16xf32>
        %swap3A_1297 = vector.shape_cast %get3A_1288 : vector<16xf32> to vector<1x16xf32>
        tpu.vector_store %arg10[%swap3A_1293, %swap3A_1294], %swap3A_1297 {strides = array<i32>} : memref<128x128xf32, #tpu.memory_space<vmem>>, vector<1x16xf32>,
        %add3A_1298 = arith.constant 15 : i32
        %add3A_1299 = arith.addi %mul3A_186, %add3A_1298 : i32
        %add3A_1300 = arith.constant 48 : i32
        %add3A_1301 = arith.addi %squeeze3A_1246, %add3A_1300 : i32
        %get3A_1302 = arith.index_cast %add3A_1299 : i32 to index
        %get3A_1303 = arith.index_cast %add3A_1301 : i32 to index
        %get3A_1304 = tpu.vector_load %arg8[%get3A_1302, %get3A_1303] {strides = array<i32>} : memref<256x128xf32, #tpu.memory_space<vmem>>, vector<1x16xf32>,
        %get3A_1305 = vector.shape_cast %get3A_1304 : vector<1x16xf32> to vector<16xf32>
        %mul3A_1306 = arith.constant 8 : i32
        %mul3A_1307 = arith.muli %mul3A_1306, %scan3A_184 : i32
        %add3A_1308 = arith.constant 7 : i32
        %add3A_1309 = arith.addi %mul3A_1307, %add3A_1308 : i32
        %swap3A_1310 = arith.index_cast %add3A_1309 : i32 to index
        %swap3A_1311 = arith.constant 112 : index
        %swap3A_1312 = tpu.vector_load %arg10[%swap3A_1310, %swap3A_1311] {strides = array<i32>} : memref<128x128xf32, #tpu.memory_space<vmem>>, vector<1x16xf32>,
        %swap3A_1313 = vector.shape_cast %swap3A_1312 : vector<1x16xf32> to vector<16xf32>
        %swap3A_1314 = vector.shape_cast %get3A_1305 : vector<16xf32> to vector<1x16xf32>
        tpu.vector_store %arg10[%swap3A_1310, %swap3A_1311], %swap3A_1314 {strides = array<i32>} : memref<128x128xf32, #tpu.memory_space<vmem>>, vector<1x16xf32>,
      }
      %scan3A_144 = arith.constant 16 : i32
      %mul3A_145 = arith.constant 256 : i32
      %mul3A_146 = arith.muli %add3A_128, %mul3A_145 : i32
      %add3A_147 = arith.addi %mul3A_2, %mul3A_146 : i32
      %jit3A_148 = arith.constant 2 : i32
      %div3A_149 = arith.divsi %add3A_147, %jit3A_148 : i32
      %sign3A_150 = arith.constant 0 : i32
      %sign3A_151 = arith.cmpi sgt, %add3A_147, %sign3A_150 : i32
      %sign3A_152 = arith.extui %sign3A_151 : i1 to i32
      %sign3A_153 = arith.constant 0 : i32
      %sign3A_154 = arith.cmpi slt, %add3A_147, %sign3A_153 : i32
      %sign3A_155 = arith.extui %sign3A_154 : i1 to i32
      %sign3A_156 = arith.subi %sign3A_152, %sign3A_155 : i32
      %sign3A_157 = arith.constant 0 : i32
      %sign3A_158 = arith.cmpi sgt, %jit3A_148, %sign3A_157 : i32
      %sign3A_159 = arith.extui %sign3A_158 : i1 to i32
      %sign3A_160 = arith.constant 0 : i32
      %sign3A_161 = arith.cmpi slt, %jit3A_148, %sign3A_160 : i32
      %sign3A_162 = arith.extui %sign3A_161 : i1 to i32
      %sign3A_163 = arith.subi %sign3A_159, %sign3A_162 : i32
      %ne3A_164 = arith.cmpi ne, %sign3A_156, %sign3A_163 : i32
      %rem3A_165 = arith.remsi %add3A_147, %jit3A_148 : i32
      %ne3A_166 = arith.constant 0 : i32
      %ne3A_167 = arith.cmpi ne, %rem3A_165, %ne3A_166 : i32
      %and3A_168 = arith.andi %ne3A_164, %ne3A_167 : i1
      %sub3A_169 = arith.constant 1 : i32
      %sub3A_170 = arith.subi %div3A_149, %sub3A_169 : i32
      %select_n3A_171 = arith.select %and3A_168, %sub3A_170, %div3A_149 : i32
      %multiple_of3A_172 = tpu.assume_multiple %select_n3A_171, 8 : i32
      %dma_start3A_173 = arith.constant 0 : i32
      %dma_start3A_174 = tpu.memref_slice %arg4[%multiple_of3A_172, %dma_start3A_173] : memref<212992x128xf32, #tpu.memory_space<hbm>> -> memref<128x128xf32, #tpu.memory_space<hbm>>
      %dma_start3A_175 = arith.constant 0 : i32
      %dma_start3A_176 = tpu.memref_slice %arg4[%multiple_of3A_172, %dma_start3A_175] : memref<212992x128xf32, #tpu.memory_space<hbm>> -> memref<128x128xf32, #tpu.memory_space<hbm>>
      tpu.enqueue_dma source(%arg10 : memref<128x128xf32, #tpu.memory_space<vmem>>) target(%dma_start3A_176 : memref<128x128xf32, #tpu.memory_space<hbm>>) target_semaphore(%arg14 : memref<!tpu.dma_semaphore, #tpu.memory_space<semaphore_mem>>)
      %add3A_177 = arith.constant 2 : i32
      %add3A_178 = arith.addi %add3A_128, %add3A_177 : i32
      %lt3A_179 = arith.constant 52 : i32
      %lt3A_180 = arith.cmpi slt, %add3A_178, %lt3A_179 : i32
      %convert_element_type3A_181 = arith.extui %lt3A_180 : i1 to i32
      %cond3A_182 = arith.constant 0 : i32
      %cond3A_183 = arith.cmpi ne, %convert_element_type3A_181, %cond3A_182 : i32
      scf.if %cond3A_183 {
        %add3A_184 = arith.constant 2 : i32
        %add3A_185 = arith.addi %add3A_128, %add3A_184 : i32
        %mul3A_186 = arith.constant 256 : i32
        %mul3A_187 = arith.muli %add3A_185, %mul3A_186 : i32
        %dma_start3A_188 = tpu.memref_slice %arg6[%mul3A_187] : memref<13312xi32, #tpu.memory_space<vmem>> -> memref<256xi32, #tpu.memory_space<vmem>>
        %dma_start3A_189 = arith.constant 0 : i32
        %dma_start3A_190 = arith.constant 0 : i32
        %dma_start3A_191 = tpu.memref_slice %arg3[%dma_start3A_189, %dma_start3A_190] : memref<500000x128xf32, #tpu.memory_space<hbm>> -> memref<500000x128xf32, #tpu.memory_space<hbm>>
        tpu.enqueue_indirect_dma source(%dma_start3A_191 : memref<500000x128xf32, #tpu.memory_space<hbm>>) target(%arg8 : memref<256x128xf32, #tpu.memory_space<vmem>>) offsets(%dma_start3A_188 : memref<256xi32, #tpu.memory_space<vmem>>) semaphore(%arg12 : memref<!tpu.dma_semaphore, #tpu.memory_space<semaphore_mem>>)
      } else {
      }
    }
    %scan3A_22 = arith.constant 26 : i32
    %jit3A = arith.constant 2 : i32
    %div3A = arith.divsi %mul3A_2, %jit3A : i32
    %sign3A = arith.constant 0 : i32
    %sign3A_23 = arith.cmpi sgt, %mul3A_2, %sign3A : i32
    %sign3A_24 = arith.extui %sign3A_23 : i1 to i32
    %sign3A_25 = arith.constant 0 : i32
    %sign3A_26 = arith.cmpi slt, %mul3A_2, %sign3A_25 : i32
    %sign3A_27 = arith.extui %sign3A_26 : i1 to i32
    %sign3A_28 = arith.subi %sign3A_24, %sign3A_27 : i32
    %sign3A_29 = arith.constant 0 : i32
    %sign3A_30 = arith.cmpi sgt, %jit3A, %sign3A_29 : i32
    %sign3A_31 = arith.extui %sign3A_30 : i1 to i32
    %sign3A_32 = arith.constant 0 : i32
    %sign3A_33 = arith.cmpi slt, %jit3A, %sign3A_32 : i32
    %sign3A_34 = arith.extui %sign3A_33 : i1 to i32
    %sign3A_35 = arith.subi %sign3A_31, %sign3A_34 : i32
    %ne3A = arith.cmpi ne, %sign3A_28, %sign3A_35 : i32
    %rem3A = arith.remsi %mul3A_2, %jit3A : i32
    %ne3A_36 = arith.constant 0 : i32
    %ne3A_37 = arith.cmpi ne, %rem3A, %ne3A_36 : i32
    %and3A = arith.andi %ne3A, %ne3A_37 : i1
    %sub3A = arith.constant 1 : i32
    %sub3A_38 = arith.subi %div3A, %sub3A : i32
    %select_n3A = arith.select %and3A, %sub3A_38, %div3A : i32
    %multiple_of3A = tpu.assume_multiple %select_n3A, 8 : i32
    %dma_wait3A = arith.constant 0 : i32
    %dma_wait3A_39 = tpu.memref_slice %arg4[%multiple_of3A, %dma_wait3A] : memref<212992x128xf32, #tpu.memory_space<hbm>> -> memref<128x128xf32, #tpu.memory_space<hbm>>
    %dma_wait3A_40 = arith.constant 0 : i32
    %dma_wait3A_41 = tpu.memref_slice %arg4[%multiple_of3A, %dma_wait3A_40] : memref<212992x128xf32, #tpu.memory_space<hbm>> -> memref<128x128xf32, #tpu.memory_space<hbm>>
    tpu.wait_dma2 semaphore(%arg13 : memref<!tpu.dma_semaphore, #tpu.memory_space<semaphore_mem>>) src(%arg9 : memref<128x128xf32, #tpu.memory_space<vmem>>) dst(%dma_wait3A_41 : memref<128x128xf32, #tpu.memory_space<hbm>>)
    %jit3A_42 = arith.constant 2 : i32
    %div3A_43 = arith.divsi %mul3A_2, %jit3A_42 : i32
    %sign3A_44 = arith.constant 0 : i32
    %sign3A_45 = arith.cmpi sgt, %mul3A_2, %sign3A_44 : i32
    %sign3A_46 = arith.extui %sign3A_45 : i1 to i32
    %sign3A_47 = arith.constant 0 : i32
    %sign3A_48 = arith.cmpi slt, %mul3A_2, %sign3A_47 : i32
    %sign3A_49 = arith.extui %sign3A_48 : i1 to i32
    %sign3A_50 = arith.subi %sign3A_46, %sign3A_49 : i32
    %sign3A_51 = arith.constant 0 : i32
    %sign3A_52 = arith.cmpi sgt, %jit3A_42, %sign3A_51 : i32
    %sign3A_53 = arith.extui %sign3A_52 : i1 to i32
    %sign3A_54 = arith.constant 0 : i32
    %sign3A_55 = arith.cmpi slt, %jit3A_42, %sign3A_54 : i32
    %sign3A_56 = arith.extui %sign3A_55 : i1 to i32
    %sign3A_57 = arith.subi %sign3A_53, %sign3A_56 : i32
    %ne3A_58 = arith.cmpi ne, %sign3A_50, %sign3A_57 : i32
    %rem3A_59 = arith.remsi %mul3A_2, %jit3A_42 : i32
    %ne3A_60 = arith.constant 0 : i32
    %ne3A_61 = arith.cmpi ne, %rem3A_59, %ne3A_60 : i32
    %and3A_62 = arith.andi %ne3A_58, %ne3A_61 : i1
    %sub3A_63 = arith.constant 1 : i32
    %sub3A_64 = arith.subi %div3A_43, %sub3A_63 : i32
    %select_n3A_65 = arith.select %and3A_62, %sub3A_64, %div3A_43 : i32
    %multiple_of3A_66 = tpu.assume_multiple %select_n3A_65, 8 : i32
    %dma_wait3A_67 = arith.constant 0 : i32
    %dma_wait3A_68 = tpu.memref_slice %arg4[%multiple_of3A_66, %dma_wait3A_67] : memref<212992x128xf32, #tpu.memory_space<hbm>> -> memref<128x128xf32, #tpu.memory_space<hbm>>
    %dma_wait3A_69 = arith.constant 0 : i32
    %dma_wait3A_70 = tpu.memref_slice %arg4[%multiple_of3A_66, %dma_wait3A_69] : memref<212992x128xf32, #tpu.memory_space<hbm>> -> memref<128x128xf32, #tpu.memory_space<hbm>>
    tpu.wait_dma2 semaphore(%arg14 : memref<!tpu.dma_semaphore, #tpu.memory_space<semaphore_mem>>) src(%arg10 : memref<128x128xf32, #tpu.memory_space<vmem>>) dst(%dma_wait3A_70 : memref<128x128xf32, #tpu.memory_space<hbm>>)
    return
  }
}

</mosaic_0001>

<sc_bundles>
// kernel: kernel.3.cloned.1.call-start
scs
__scs_entry_jumppad:
0x0: {  	(pc) =	sbr.rel $0x88, $3  }
0x1: {  	(tag) =	ssettag $0x0;
	lr =	simm.s32 $0x1  }
0x2: {  	[smem:$0x3F9F] =	sst lr;
	_ =	strace $0xD0000000  }
0x3: {  	_ = 	snop  }
0x4: {  	_ = 	snop  }
0x5: {  	_ = 	snop  }
0x6: {  	_ = 	snop  }
0x7: {  	_ = 	snop  }
__scs_overlays_trampoline_lowered:
0x8: {  	[smem:$0x3FAE] =	sst s0  }
0x9: {  	[smem:$0x3FAF] =	sst s1  }
0xa: {  	[smem:$0x3FB0] =	sst s2  }
0xb: {  	[smem:$0x3FB1] =	sst s3  }
0xc: {  	[smem:$0x3FB2] =	sst s4  }
0xd: {  	[smem:$0x3FB3] =	sst s5  }
0xe: {  	[smem:$0x3FB4] =	sst s6  }
0xf: {  	[smem:$0x3FB5] =	sst s7  }
0x10: {  	[smem:$0x3FB6] =	sst s8  }
0x11: {  	[smem:$0x3FB7] =	sst s9;
	s0 =	simm.s32 @!p0 $0x0  }
0x12: {  	s1 =	sld [smem:$0x3F9D];
	s0 =	simm.s32 @p0 $0x1  }
0x13: {  	[smem:$0x3FB8] =	sst s0;
	s0 =	simm.s32 @!p1 $0x0  }
0x14: {  	s2 =	sld [smem:$0x3F9C];
	s0 =	simm.s32 @p1 $0x1  }
0x15: {  	[smem:$0x3FB9] =	sst s0;
	s0 =	simm.s32 @!p2 $0x0  }
0x16: {  	s3 =	sld [smem:$0x3FDB];
	s0 =	simm.s32 @p2 $0x1  }
0x17: {  	s4 =	simm.s32 $0x1BF5;
	[smem:$0x3FBB] =	sst s0  }
0x18: {  	s0 =	sld [smem:$0x3F9E];
	_ =	swait.ge [sflag:s4], $0x0  }
0x19: {  	s7 =	sld [smem:$0x3F9F]  }
0x1a: {  	s8 =	sadd.s32 $0xFFFFE003, lr  }
0x1b: {  	s9 =	sadd.s32 $0xFFFFFEF7, lr;
	s5 =	simm.s32 $0xFFFFFFFF;
	p2 =	slt.u32 s8, $0xFFFFF086  }
0x1c: {  	p1 =	slt.u32 s9, $0xF7A;
	s5 =	simm.s32 @!p2 $0x0  }
0x1d: {  	s5 =	simm.s32 @p1 $0x1;
	p0 =	seq.s32 s7, s2  }
0x1e: {  	s7 =	smul.u32 @!p0 $0xF7A, s2;
	p2 =	seq.s32 @!p0 s5, $0x0  }
0x1f: {  	s9 =	smul.u32 $0xF7A, s1;
	s8 =	simm.s32 @!p0 $0x1BF5;
	p2 =	por !p2, p0  }
0x20: {  	[sflag:s8] =	ssyncset.s32 @!p0 $0xFFFFF086;
	s6 =	sadd.s32 @!p0 s3, s7;
	s7 =	simm.s32 @!p0 $0x108  }
0x21: {  	s3 =	sadd.s32 s3, s9;
	s6 =	sadd.s32 @!p0 $0x88, s6;
	s7 =	simm.s32 @p2 $0x1082  }
0x22: {  	[simem:s7], [sflag:s8] =	dma.local @!p0 [hbm:s6], $0xF7A  }
0x23: {  	s9 =	sor.u32 $0xD0000000, s2;
	s6 =	simm.s32 $0x108;
	_ =	swait.ge @!p0 [sflag:s8], $0x0  }
0x24: {  	s3 =	sadd.s32 $0x88, s3;
	s6 =	simm.s32 @!p1 $0x1082;
	[sflag:s4] =	ssyncset.s32 $0xFFFFF086  }
0x25: {  	[simem:s6], [sflag:s4] =	dma.local [hbm:s3], $0xF7A  }
0x26: {  	[smem:$0x3F9F] =	sst s1;
	(tag) =	ssettag s2;
	_ =	strace s9  }
0x27: {  	s1 =	sld [smem:$0x3FAF]  }
0x28: {  	s2 =	sld [smem:$0x3FB0]  }
0x29: {  	s4 =	sld [smem:$0x3FB2]  }
0x2a: {  	p0 =	seq.s32 s5, $0x0;
	s5 =	sld [smem:$0x3FB3]  }
0x2b: {  	s6 =	sld [smem:$0x3FB4]  }
0x2c: {  	s7 =	sld [smem:$0x3FB5]  }
0x2d: {  	s3 =	simm.s32 $0x108;
	s8 =	sld [smem:$0x3FB6]  }
0x2e: {  	s3 =	simm.s32 @!p0 $0x1082;
	s9 =	sld [smem:$0x3FB7]  }
0x2f: {  	lr =	sadd.s32 s0, s3;
	s0 =	sld [smem:$0x3FAE]  }
0x30: {  	s3 =	sld [smem:$0x3FB1]  }
0x31: {  	[smem:$0x3FBA] =	sst s10  }
0x32: {  	s10 =	sld [smem:$0x3FB8];
	_ =	sdelay $0x3  }
0x33: {  	p0 =	seq.s32 s10, $0x1;
	s10 =	sld [smem:$0x3FBA];
	_ =	sdelay $0x3  }
0x34: {  	[smem:$0x3FBA] =	sst s10  }
0x35: {  	s10 =	sld [smem:$0x3FB9];
	_ =	sdelay $0x3  }
0x36: {  	p1 =	seq.s32 s10, $0x1;
	s10 =	sld [smem:$0x3FBA];
	_ =	sdelay $0x3  }
0x37: {  	[smem:$0x3FBA] =	sst s10  }
0x38: {  	s10 =	sld [smem:$0x3FBB]  }
0x39: {  	_ = 	snop;
	(pc) =	sbr.ind lr, $3  }
0x3a: {  	_ = 	snop  }
0x3b: {  	_ = 	snop  }
0x3c: {  	p2 =	seq.s32 s10, $0x1;
	s10 =	sld [smem:$0x3FBA]  }
0x3d: {  	_ =	shalt  }
0x3e: {  	_ =	shalt  }
0x3f: {  	_ =	shalt  }
0x40: {  	_ =	shalt  }
0x41: {  	_ =	shalt  }
0x42: {  	_ =	shalt  }
0x43: {  	_ =	shalt  }
0x44: {  	_ =	shalt  }
0x45: {  	_ =	shalt  }
0x46: {  	_ =	shalt  }
0x47: {  	_ =	shalt  }
0x48: {  	_ =	shalt  }
0x49: {  	_ =	shalt  }
0x4a: {  	_ =	shalt  }
0x4b: {  	_ =	shalt  }
0x4c: {  	_ =	shalt  }
0x4d: {  	_ =	shalt  }
0x4e: {  	_ =	shalt  }
0x4f: {  	_ =	shalt  }
0x50: {  	_ =	shalt  }
0x51: {  	_ =	shalt  }
0x52: {  	_ =	shalt  }
0x53: {  	_ =	shalt  }
0x54: {  	_ =	shalt  }
0x55: {  	_ =	shalt  }
0x56: {  	_ =	shalt  }
0x57: {  	_ =	shalt  }
0x58: {  	_ =	shalt  }
0x59: {  	_ =	shalt  }
0x5a: {  	_ =	shalt  }
0x5b: {  	_ =	shalt  }
0x5c: {  	_ =	shalt  }
0x5d: {  	_ =	shalt  }
0x5e: {  	_ =	shalt  }
0x5f: {  	_ =	shalt  }
0x60: {  	_ =	shalt  }
0x61: {  	_ =	shalt  }
0x62: {  	_ =	shalt  }
0x63: {  	_ =	shalt  }
0x64: {  	_ =	shalt  }
0x65: {  	_ =	shalt  }
0x66: {  	_ =	shalt  }
0x67: {  	_ =	shalt  }
0x68: {  	_ =	shalt  }
0x69: {  	_ =	shalt  }
0x6a: {  	_ =	shalt  }
0x6b: {  	_ =	shalt  }
0x6c: {  	_ =	shalt  }
0x6d: {  	_ =	shalt  }
0x6e: {  	_ =	shalt  }
0x6f: {  	_ =	shalt  }
0x70: {  	_ =	shalt  }
0x71: {  	_ =	shalt  }
0x72: {  	_ =	shalt  }
0x73: {  	_ =	shalt  }
0x74: {  	_ =	shalt  }
0x75: {  	_ =	shalt  }
0x76: {  	_ =	shalt  }
0x77: {  	_ =	shalt  }
0x78: {  	_ =	shalt  }
0x79: {  	_ =	shalt  }
0x7a: {  	_ =	shalt  }
0x7b: {  	_ =	shalt  }
0x7c: {  	_ =	shalt  }
0x7d: {  	_ =	shalt  }
0x7e: {  	_ =	shalt  }
0x7f: {  	_ =	shalt  }
0x80: {  	_ =	shalt  }
0x81: {  	_ =	shalt  }
0x82: {  	_ =	shalt  }
0x83: {  	_ =	shalt  }
0x84: {  	_ =	shalt  }
0x85: {  	_ =	shalt  }
0x86: {  	_ =	shalt  }
0x87: {  	_ =	shalt  }
.Lfunc_end0:
.L_simem_size_0:
called_computation.1_lowered:
.L_overlay_start_0:
0x88: {  	s2 =	sld [smem:$0x3FD9]  }
0x89: {  	s3 =	sld [smem:$0x3FFE];
	_ =	sdelay $0x1  }
0x8a: {  	s1 =	srdreg.scid  }
0x8b: {  	s0 =	sand.u32 $0x1, s1  }
0x8c: {  	s17 =	sshll.u32 s0, $0xA;
	s2 =	sadd.s32 s3, s2  }
0x8d: {  	s2 =	sadd.s32 s2, s17  }
0x8e: {  	[smem:$0x3FC6] =	sst s2  }
0x8f: {  	_ = 	snop  }
0x90: {  	s2 =	sld [smem:$0x3FD0];
	(tm) =	ssettm $0x1  }
0x91: {  	s18 =	sld [smem:$0x3FFB];
	_ =	sdelay $0x3  }
0x92: {  	_ =	strace s18  }
0x93: {  	s3 =	sld [smem:$0x3FFC];
	_ =	sdelay $0x3  }
0x94: {  	_ =	strace s3  }
0x95: {  	s3 =	sld [smem:$0x3FFD];
	_ =	sdelay $0x3  }
0x96: {  	_ =	strace s3  }
0x97: {  	_ =	strace $0x8FFFFFFF  }
0x98: {  	s19 =	sld [smem:$0x3FDB];
	_ =	sdelay $0x1  }
0x99: {  	s4 =	simm.s32 $_scs_section_size  }
0x9a: {  	s5 =	simm.s32 $_size__tile_overlayer_lowered;
	s6 =	simm.s32 $_tile_overlayer_lowered  }
0x9b: {  	s22 =	simm.s32 $0x1BFF;
	s21 =	sshll.u32 s6, $0x1;
	s3 =	sadd.s32 s4, s19  }
0x9c: {  	s7 =	simm.s32 $0x0;
	s20 =	sshll.u32 s5, $0x1;
	s5 =	sadd.s32 s21, s3  }
0x9d: {  	[timem:s7], [sflag:s22] =	dma.local [hbm:s5], s20  }
0x9e: {  	_ =	swait.ge [sflag:s22], s20  }
0x9f: {  	s4 =	ssub.s32 $0x0, s20;
	[sflag:s22] =	ssyncset.done $0x0  }
0xa0: {  	[sflag:s22] =	ssyncadd.s32 s4;
	_ =	sdelay $0x1  }
0xa1: {  	s23 =	simm.s32 $0x1B8B  }
0xa2: {  	_ =	swait.ge [sflag:s23], $0x1  }
0xa3: {  	[sflag:s23] =	ssyncset.done $0x0  }
0xa4: {  	s25 =	simm.s32 $0x1B8E;
	s24 =	sld [smem:$0x3FFE];
	[sflag:s23] =	ssyncadd.s32 $0xFFFFFFFF  }
0xa5: {  	s26 =	simm.s32 $execute0_lowered;
	[smem:$0x3FD2] =	sst s25  }
0xa6: {  	s5 =	sshll.u32 s26, $0x1;
	_ =	strace $0x80000046;
	[dreg:$0x1] =	wrdreg $0xFFFFFFFF  }
0xa7: {  	s28 =	simm.s32 $_size_execute0_lowered;
	s3 =	sadd.s32 s3, s5;
	[dreg:$0x0] =	wrdreg $0x0  }
0xa8: {  	s5 =	sshll.u32 s28, $0x1;
	[dreg:$0x2] =	wrdreg s3  }
0xa9: {  	[dreg:$0x3] =	wrdreg s5  }
0xaa: {  	[dreg:$0x4] =	wrdreg $0xC0  }
0xab: {  	_ =	task [dreg:s7], $0x5FFFF  }
0xac: {  	[dreg:$0x1] =	wrdreg $0xFFFFFFFF  }
0xad: {  	[dreg:$0x0] =	wrdreg $0x60  }
0xae: {  	[dreg:$0x2] =	wrdreg s24  }
0xaf: {  	[dreg:$0x3] =	wrdreg s2  }
0xb0: {  	[dreg:$0x4] =	wrdreg $0x9  }
0xb1: {  	_ =	task.clear_ibuf [dreg:s7], $0x5FFFF;
	_ =	strace $0x90000046  }
0xb2: {  	s29 =	simm.s32 $0x9;
	_ =	strace $0x80000048  }
0xb3: {  	_ =	swait.ge [sflag:s29], $0x1  }
0xb4: {  	[sflag:s29] =	ssyncadd.s32 $0xFFFFFFFF  }
0xb5: {  	_ =	strace $0x90000048  }
0xb6: {  	_ =	sfence  }
0xb7: {  	s30 =	sld [smem:$0x0];
	_ =	sdelay $0x2  }
0xb8: {  	s31 =	sshll.u32 s1, $0xD;
	s1 =	sshrl.u32 s1, $0x2  }
0xb9: {  	s3 =	sand.u32 $0x4000, s31;
	s1 =	sadd.s32 s1, s30  }
0xba: {  	s0 =	sor.u32 s3, s0;
	s1 =	sshll.u32 s1, $0x11  }
0xbb: {  	s0 =	sor.u32 s1, s0  }
0xbc: {  	s0 =	sadd.s32 $0x8F2B, s0  }
0xbd: {  	[sflag:s0] =	ssyncadd.remote.s32 $0x1  }
0xbe: {  	_ =	sfence.sel $0xFFFF  }
0xbf: {  	[dreg:$0x0] =	wrdreg $0xFFFFFFFF;
	(pc) =	sbr.abs _section_cstart, $3  }
0xc0: {  	[dreg:$0x1] =	wrdreg $0xFFFFFFFF  }
0xc1: {  	_ =	task.clear_ibuf [dreg:s7], $0x2FFFF;
	_ =	strace $0x9FFFFFFF  }
0xc2: {  	(tm) =	ssettm $0x7FFFFFFF  }
0xc3: {  	_ =	shalt  }
tec
execute0_lowered:
.L_overlay_start_1:
0x0: {  	(tag) =	ssettag $0x1  }
0x1: {  	s1 =	srdreg.scid;
	s4 =	rddreg [dreg:$0x0]  }
0x2: {  	s0 =	stileid.u32;
	s2 =	rddreg [dreg:$0x1]  }
0x3: {  	s3 =	simm.s32 $0x0;
	s9 =	simm.s32 $0x100;
	s10 =	simm.s32 $0x3400  }
0x4: {  	s11 =	simm.s32 $0x6800;
	s12 =	simm.s32 $0x3500;
	s13 =	simm.s32 $0xE800  }
0x5: {  	s14 =	simm.s32 $0x1;
	s15 =	simm.s32 $0x16800;
	s16 =	simm.s32 $0x2  }
0x6: {  	s17 =	simm.s32 $0x1A800;
	s18 =	simm.s32 $0x3;
	s19 =	simm.s32 $0x4  }
0x7: {  	s20 =	simm.s32 $0x0;
	s5 =	sand.u32 $0x1, s1;
	s31 =	sshll.u32 s0, $0x1  }
.Ltmp0:
0x8: {  	s1 =	rddreg [dreg:$0x2];
	s6 =	sor.u32 s5, s31;
	(pc) =	sbr.rel .LBB2_1-.Ltmp0, $4  }
0x9: {  	[smem:$0x7FF] =	sst s3;
	s5 =	ssub.s32 $0x2, s5;
	s7 =	smul.u32 $0x680, s6  }
0xa: {  	_ =	strace $0x80000047;
	s8 =	sshrl.u32 s5, $0x1;
	s6 =	smul.u32 $0xD0000, s6  }
0xb: {  	s8 =	ssub.s32 s5, s8;
	s7 =	sadd.s32 s7, s4;
	s4 =	sadd.s32 $0xF42E00, s4  }
0xc: {  	s5 =	sadd.s32 $0xA00, s7;
	s7 =	smax.u32 s8, $0x1;
	s8 =	simm.s32 $0x5  }
.LBB2_10:
0xd: {  	s20 =	sadd.s32 $0x1, s20  }
0xe: {  	_ =	swait.ge [sflag:s18], $0x4000;
	p0 =	sne.s32 s20, s7  }
.Ltmp1:
0xf: {  	[sflag:s18] =	ssyncset.done $0x0;
	(pc) =	sbr.rel @!p0 .LBB2_11-.Ltmp1, $4  }
0x10: {  	[sflag:s18] =	ssyncadd.s32 $0xFFFFC000  }
0x11: {  	_ =	swait.ge [sflag:s19], $0x4000  }
0x12: {  	[sflag:s19] =	ssyncset.done $0x0  }
0x13: {  	[sflag:s19] =	ssyncadd.s32 $0xFFFFC000  }
.LBB2_1:
0x14: {  	[tilespmem:s3], [sflag:$0x5] =	stream.linear.gather [hbm4b:s5+s3], $0x3400, $0x38;
	[tilespmem:$0x1E800] =	vst v63  }
0x15: {  	_ =	swait.ge [sflag:s8], $0x3400  }
0x16: {  	[sflag:s8] =	ssyncset.done $0x0  }
0x17: {  	s21 =	simm.s32 $0x0;
	[sflag:s8] =	ssyncadd.s32 $0xFFFFCC00  }
0x18: {  	s22 =	simm.s32 $0x40;
	v0 =	vld [tilespmem:s21+$0x0]  }
.LBB2_2:
0x19: {  	p0 =	sne.s32 s22, $0xCFC0  }
.Ltmp2:
0x1a: {  	_ = 	snop;
	(pc) =	sbr.rel @p0 .LBB2_2-.Ltmp2, $3  }
0x1b: {  	_ =	sdelay $0x1  }
0x1c: {  	s23 =	sshra.s32 s22, $0x2;
	s22 =	sadd.s32 $0x40, s22;
	v1 =	vshrl.u32 v0, $0x1  }
0x1d: {  	v0 =	vld [tilespmem:s23+$0x0];
	[tilespmem:s21+$0x3400] =	vst v1;
	s21 =	smov.u32 s23  }
0x1e: {  	_ =	sdelay $0x3  }
0x1f: {  	v0 =	vshrl.u32 v0, $0x1  }
0x20: {  	[tilespmem:s21+$0x3400] =	vst v0  }
0x21: {  	[tilespmem:s11], [sflag:$0x1] =	stream.indirect.gather [hbm4b:s4+s9], $0x80, s10, s9, $0xb8;
	[tilespmem:$0x1E800] =	vst v63  }
0x22: {  	s21 =	simm.s32 $0x0  }
0x23: {  	[tilespmem:s13], [sflag:$0x2] =	stream.indirect.gather [hbm4b:s4+s9], $0x80, s12, s9, $0xb8;
	[tilespmem:$0x1E800] =	vst v63  }
.LBB2_4:
0x24: {  	_ =	swait.ge [sflag:s14], $0x8000  }
0x25: {  	p0 =	seq.s32 s21, $0x0;
	[sflag:s14] =	ssyncset.done $0x0  }
0x26: {  	s22 =	simm.s32 @!p0 $0x3;
	[sflag:s14] =	ssyncadd.s32 $0xFFFF8000  }
0x27: {  	s24 =	sshll.u32 s21, $0xB;
	s23 =	sshll.u32 s21, $0x1;
	_ =	swait.ge @!p0 [sflag:s22], $0x4000  }
0x28: {  	s25 =	simm.s32 $0x16A00;
	s26 =	simm.s32 $0x0;
	[sflag:s22] =	ssyncset.done @!p0 $0x0  }
0x29: {  	s28 =	simm.s32 $0x0;
	[sflag:s22] =	ssyncadd.s32 @!p0 $0xFFFFC000;
	s22 =	sshrl.u32 s24, $0x2  }
.LBB2_5:
0x2a: {  	s29 =	sand.u32 $0x80, s26  }
0x2b: {  	s30 =	sand.u32 $0x70, s26;
	s29 =	sadd.s32 s29, s22  }
0x2c: {  	s29 =	sadd.s32 s30, s29  }
0x2d: {  	v0 =	vld [tilespmem:s29+$0x0];
	_ =	sdelay $0x4  }
0x2e: {  	v0 =	vshll.u32 v0, $0x6  }
0x2f: {  	s30 =	sshra.s32 s28, $0x2;
	v0 =	vand.u32 $0x40, v0  }
0x30: {  	v0 =	vadd.s32 s30, v0  }
0x31: {  	(v2sf) =	vpush v0, $0x1  }
0x32: {  	(v2sf) =	vpush v0, $0x0;
	_ =	sdelay $0xd  }
0x33: {  	s29 =	spop (v2sf)  }
0x34: {  	s31 =	spop (v2sf)  }
0x35: {  	v1 =	vld [tilespmem:s31+$0x6800];
	_ =	sdelay $0x4  }
0x36: {  	[tilespmem:s25+$0xFFFFFE00] =	vst v1  }
0x37: {  	v1 =	vld [tilespmem:s31+$0x6810];
	_ =	sdelay $0x4  }
0x38: {  	[tilespmem:s25+$0xFFFFFE10] =	vst v1  }
0x39: {  	v1 =	vld [tilespmem:s31+$0x6820];
	_ =	sdelay $0x4  }
0x3a: {  	[tilespmem:s25+$0xFFFFFE20] =	vst v1  }
0x3b: {  	v1 =	vld [tilespmem:s31+$0x6830];
	_ =	sdelay $0x4  }
0x3c: {  	[tilespmem:s25+$0xFFFFFE30] =	vst v1  }
0x3d: {  	v1 =	vld [tilespmem:s29+$0x6880];
	_ =	sdelay $0x4  }
0x3e: {  	[tilespmem:s25+$0xFFFFFE40] =	vst v1  }
0x3f: {  	v1 =	vld [tilespmem:s29+$0x6890]  }
0x40: {  	(v2sf) =	vpush v0, $0x3  }
0x41: {  	(v2sf) =	vpush v0, $0x2;
	_ =	sdelay $0x2  }
0x42: {  	[tilespmem:s25+$0xFFFFFE50] =	vst v1  }
0x43: {  	v1 =	vld [tilespmem:s29+$0x68A0];
	_ =	sdelay $0x4  }
0x44: {  	[tilespmem:s25+$0xFFFFFE60] =	vst v1  }
0x45: {  	v1 =	vld [tilespmem:s29+$0x68B0];
	_ =	sdelay $0x3  }
0x46: {  	s29 =	spop (v2sf)  }
0x47: {  	s31 =	spop (v2sf);
	[tilespmem:s25+$0xFFFFFE70] =	vst v1  }
0x48: {  	v1 =	vld [tilespmem:s31+$0x6900];
	_ =	sdelay $0x4  }
0x49: {  	[tilespmem:s25+$0xFFFFFE80] =	vst v1  }
0x4a: {  	v1 =	vld [tilespmem:s31+$0x6910];
	_ =	sdelay $0x4  }
0x4b: {  	[tilespmem:s25+$0xFFFFFE90] =	vst v1  }
0x4c: {  	v1 =	vld [tilespmem:s31+$0x6920];
	_ =	sdelay $0x4  }
0x4d: {  	[tilespmem:s25+$0xFFFFFEA0] =	vst v1  }
0x4e: {  	v1 =	vld [tilespmem:s31+$0x6930];
	_ =	sdelay $0x4  }
0x4f: {  	[tilespmem:s25+$0xFFFFFEB0] =	vst v1  }
0x50: {  	v1 =	vld [tilespmem:s29+$0x6980];
	_ =	sdelay $0x4  }
0x51: {  	[tilespmem:s25+$0xFFFFFEC0] =	vst v1  }
0x52: {  	v1 =	vld [tilespmem:s29+$0x6990]  }
0x53: {  	(v2sf) =	vpush v0, $0x5  }
0x54: {  	(v2sf) =	vpush v0, $0x4;
	_ =	sdelay $0x2  }
0x55: {  	[tilespmem:s25+$0xFFFFFED0] =	vst v1  }
0x56: {  	v1 =	vld [tilespmem:s29+$0x69A0];
	_ =	sdelay $0x4  }
0x57: {  	[tilespmem:s25+$0xFFFFFEE0] =	vst v1  }
0x58: {  	v1 =	vld [tilespmem:s29+$0x69B0];
	_ =	sdelay $0x3  }
0x59: {  	s29 =	spop (v2sf)  }
0x5a: {  	s31 =	spop (v2sf);
	[tilespmem:s25+$0xFFFFFEF0] =	vst v1  }
0x5b: {  	v1 =	vld [tilespmem:s31+$0x6A00];
	_ =	sdelay $0x4  }
0x5c: {  	[tilespmem:s25+$0xFFFFFF00] =	vst v1  }
0x5d: {  	v1 =	vld [tilespmem:s31+$0x6A10];
	_ =	sdelay $0x4  }
0x5e: {  	[tilespmem:s25+$0xFFFFFF10] =	vst v1  }
0x5f: {  	v1 =	vld [tilespmem:s31+$0x6A20];
	_ =	sdelay $0x4  }
0x60: {  	[tilespmem:s25+$0xFFFFFF20] =	vst v1  }
0x61: {  	v1 =	vld [tilespmem:s31+$0x6A30];
	_ =	sdelay $0x4  }
0x62: {  	[tilespmem:s25+$0xFFFFFF30] =	vst v1  }
0x63: {  	v1 =	vld [tilespmem:s29+$0x6A80];
	_ =	sdelay $0x4  }
0x64: {  	[tilespmem:s25+$0xFFFFFF40] =	vst v1  }
0x65: {  	v1 =	vld [tilespmem:s29+$0x6A90]  }
0x66: {  	(v2sf) =	vpush v0, $0x7  }
0x67: {  	(v2sf) =	vpush v0, $0x6;
	_ =	sdelay $0x2  }
0x68: {  	[tilespmem:s25+$0xFFFFFF50] =	vst v1  }
0x69: {  	v1 =	vld [tilespmem:s29+$0x6AA0];
	_ =	sdelay $0x4  }
0x6a: {  	[tilespmem:s25+$0xFFFFFF60] =	vst v1  }
0x6b: {  	v1 =	vld [tilespmem:s29+$0x6AB0];
	_ =	sdelay $0x3  }
0x6c: {  	s29 =	spop (v2sf)  }
0x6d: {  	s31 =	spop (v2sf);
	[tilespmem:s25+$0xFFFFFF70] =	vst v1  }
0x6e: {  	v1 =	vld [tilespmem:s31+$0x6B00];
	_ =	sdelay $0x4  }
0x6f: {  	[tilespmem:s25+$0xFFFFFF80] =	vst v1  }
0x70: {  	v1 =	vld [tilespmem:s31+$0x6B10];
	_ =	sdelay $0x4  }
0x71: {  	[tilespmem:s25+$0xFFFFFF90] =	vst v1  }
0x72: {  	v1 =	vld [tilespmem:s31+$0x6B20];
	_ =	sdelay $0x4  }
0x73: {  	[tilespmem:s25+$0xFFFFFFA0] =	vst v1  }
0x74: {  	v1 =	vld [tilespmem:s31+$0x6B30];
	_ =	sdelay $0x4  }
0x75: {  	[tilespmem:s25+$0xFFFFFFB0] =	vst v1  }
0x76: {  	v1 =	vld [tilespmem:s29+$0x6B80];
	_ =	sdelay $0x4  }
0x77: {  	[tilespmem:s25+$0xFFFFFFC0] =	vst v1  }
0x78: {  	v1 =	vld [tilespmem:s29+$0x6B90]  }
0x79: {  	(v2sf) =	vpush v0, $0x9  }
0x7a: {  	(v2sf) =	vpush v0, $0x8;
	_ =	sdelay $0x2  }
0x7b: {  	[tilespmem:s25+$0xFFFFFFD0] =	vst v1  }
0x7c: {  	v1 =	vld [tilespmem:s29+$0x6BA0];
	_ =	sdelay $0x4  }
0x7d: {  	[tilespmem:s25+$0xFFFFFFE0] =	vst v1  }
0x7e: {  	v1 =	vld [tilespmem:s29+$0x6BB0];
	_ =	sdelay $0x3  }
0x7f: {  	s29 =	spop (v2sf)  }
0x80: {  	s31 =	spop (v2sf);
	[tilespmem:s25+$0xFFFFFFF0] =	vst v1  }
0x81: {  	v1 =	vld [tilespmem:s31+$0x6C00];
	_ =	sdelay $0x4  }
0x82: {  	[tilespmem:s25+$0x0] =	vst v1  }
0x83: {  	v1 =	vld [tilespmem:s31+$0x6C10];
	_ =	sdelay $0x4  }
0x84: {  	[tilespmem:s25+$0x10] =	vst v1  }
0x85: {  	v1 =	vld [tilespmem:s31+$0x6C20];
	_ =	sdelay $0x4  }
0x86: {  	[tilespmem:s25+$0x20] =	vst v1  }
0x87: {  	v1 =	vld [tilespmem:s31+$0x6C30];
	_ =	sdelay $0x4  }
0x88: {  	[tilespmem:s25+$0x30] =	vst v1  }
0x89: {  	v1 =	vld [tilespmem:s29+$0x6C80];
	_ =	sdelay $0x4  }
0x8a: {  	[tilespmem:s25+$0x40] =	vst v1  }
0x8b: {  	v1 =	vld [tilespmem:s29+$0x6C90]  }
0x8c: {  	(v2sf) =	vpush v0, $0xB  }
0x8d: {  	(v2sf) =	vpush v0, $0xA;
	_ =	sdelay $0x2  }
0x8e: {  	[tilespmem:s25+$0x50] =	vst v1  }
0x8f: {  	v1 =	vld [tilespmem:s29+$0x6CA0];
	_ =	sdelay $0x4  }
0x90: {  	[tilespmem:s25+$0x60] =	vst v1  }
0x91: {  	v1 =	vld [tilespmem:s29+$0x6CB0];
	_ =	sdelay $0x3  }
0x92: {  	s29 =	spop (v2sf)  }
0x93: {  	s31 =	spop (v2sf);
	[tilespmem:s25+$0x70] =	vst v1  }
0x94: {  	v1 =	vld [tilespmem:s31+$0x6D00];
	_ =	sdelay $0x4  }
0x95: {  	[tilespmem:s25+$0x80] =	vst v1  }
0x96: {  	v1 =	vld [tilespmem:s31+$0x6D10];
	_ =	sdelay $0x4  }
0x97: {  	[tilespmem:s25+$0x90] =	vst v1  }
0x98: {  	v1 =	vld [tilespmem:s31+$0x6D20];
	_ =	sdelay $0x4  }
0x99: {  	[tilespmem:s25+$0xA0] =	vst v1  }
0x9a: {  	v1 =	vld [tilespmem:s31+$0x6D30];
	_ =	sdelay $0x4  }
0x9b: {  	[tilespmem:s25+$0xB0] =	vst v1  }
0x9c: {  	v1 =	vld [tilespmem:s29+$0x6D80];
	_ =	sdelay $0x4  }
0x9d: {  	[tilespmem:s25+$0xC0] =	vst v1  }
0x9e: {  	v1 =	vld [tilespmem:s29+$0x6D90]  }
0x9f: {  	(v2sf) =	vpush v0, $0xD  }
0xa0: {  	(v2sf) =	vpush v0, $0xC;
	_ =	sdelay $0x2  }
0xa1: {  	[tilespmem:s25+$0xD0] =	vst v1  }
0xa2: {  	v1 =	vld [tilespmem:s29+$0x6DA0];
	_ =	sdelay $0x4  }
0xa3: {  	[tilespmem:s25+$0xE0] =	vst v1  }
0xa4: {  	v1 =	vld [tilespmem:s29+$0x6DB0];
	_ =	sdelay $0x3  }
0xa5: {  	s29 =	spop (v2sf)  }
0xa6: {  	s31 =	spop (v2sf);
	[tilespmem:s25+$0xF0] =	vst v1  }
0xa7: {  	v1 =	vld [tilespmem:s31+$0x6E00];
	_ =	sdelay $0x4  }
0xa8: {  	[tilespmem:s25+$0x100] =	vst v1  }
0xa9: {  	v1 =	vld [tilespmem:s31+$0x6E10];
	_ =	sdelay $0x4  }
0xaa: {  	[tilespmem:s25+$0x110] =	vst v1  }
0xab: {  	v1 =	vld [tilespmem:s31+$0x6E20];
	_ =	sdelay $0x4  }
0xac: {  	[tilespmem:s25+$0x120] =	vst v1  }
0xad: {  	v1 =	vld [tilespmem:s31+$0x6E30];
	_ =	sdelay $0x4  }
0xae: {  	[tilespmem:s25+$0x130] =	vst v1  }
0xaf: {  	v1 =	vld [tilespmem:s29+$0x6E80];
	_ =	sdelay $0x4  }
0xb0: {  	[tilespmem:s25+$0x140] =	vst v1  }
0xb1: {  	v1 =	vld [tilespmem:s29+$0x6E90]  }
0xb2: {  	(v2sf) =	vpush v0, $0xF  }
0xb3: {  	(v2sf) =	vpush v0, $0xE;
	_ =	sdelay $0x2  }
0xb4: {  	[tilespmem:s25+$0x150] =	vst v1  }
0xb5: {  	v63 =	vld [tilespmem:s29+$0x6EA0];
	_ =	sdelay $0x4  }
0xb6: {  	[tilespmem:s25+$0x160] =	vst v63  }
0xb7: {  	v0 =	vld [tilespmem:s29+$0x6EB0];
	_ =	sdelay $0x3  }
0xb8: {  	s29 =	spop (v2sf)  }
0xb9: {  	s31 =	spop (v2sf);
	[tilespmem:s25+$0x170] =	vst v0  }
0xba: {  	v0 =	vld [tilespmem:s31+$0x6F00];
	_ =	sdelay $0x4  }
0xbb: {  	[tilespmem:s25+$0x180] =	vst v0  }
0xbc: {  	v0 =	vld [tilespmem:s31+$0x6F10];
	_ =	sdelay $0x4  }
0xbd: {  	[tilespmem:s25+$0x190] =	vst v0  }
0xbe: {  	v0 =	vld [tilespmem:s31+$0x6F20];
	_ =	sdelay $0x4  }
0xbf: {  	[tilespmem:s25+$0x1A0] =	vst v0  }
0xc0: {  	v0 =	vld [tilespmem:s31+$0x6F30];
	_ =	sdelay $0x4  }
0xc1: {  	[tilespmem:s25+$0x1B0] =	vst v0  }
0xc2: {  	v0 =	vld [tilespmem:s29+$0x6F80];
	_ =	sdelay $0x4  }
0xc3: {  	[tilespmem:s25+$0x1C0] =	vst v0  }
0xc4: {  	v0 =	vld [tilespmem:s29+$0x6F90];
	_ =	sdelay $0x4  }
0xc5: {  	[tilespmem:s25+$0x1D0] =	vst v0  }
0xc6: {  	v0 =	vld [tilespmem:s29+$0x6FA0];
	_ =	sdelay $0x4  }
0xc7: {  	[tilespmem:s25+$0x1E0] =	vst v0  }
0xc8: {  	p1 =	sne.s32 s28, $0x1E000;
	v0 =	vld [tilespmem:s29+$0x6FB0]  }
.Ltmp3:
0xc9: {  	_ = 	snop;
	(pc) =	sbr.rel @p1 .LBB2_5-.Ltmp3, $2  }
0xca: {  	_ =	sdelay $0x2  }
0xcb: {  	s26 =	sadd.s32 $0x10, s26;
	s28 =	sadd.s32 $0x2000, s28;
	[tilespmem:s25+$0x1F0] =	vst v0;
	s25 =	sadd.s32 $0x400, s25  }
0xcc: {  	s25 =	sshll.u32 s21, $0xF  }
0xcd: {  	s25 =	sadd.s32 s6, s25  }
0xce: {  	p1 =	seq.s32 s21, $0x19;
	s25 =	sshrl.u32 s25, $0x3  }
0xcf: {  	s24 =	sshrl.u32 @!p1 s24, $0x2;
	s25 =	sadd.s32 s2, s25  }
0xd0: {  	[hbm4b:s25+s3] =	stream.linear.scatter [tilespmem:s15], [sflag:$0x3], $0x4000, $0x38;
	[tilespmem:$0x1E800] =	vst v63  }
0xd1: {  	s26 =	simm.s32 @!p1 $0x6800;
	s24 =	sadd.s32 @!p1 $0x3600, s24;
	s25 =	simm.s32 @!p1 $0x100  }
0xd2: {  	[tilespmem:s26], [sflag:$0x1] =	stream.indirect.gather @!p1 [hbm4b:s4+s25], $0x80, s24, s25, $0xb8;
	[tilespmem:$0x1E800] =	vst v63  }
0xd3: {  	_ =	swait.ge [sflag:s16], $0x8000  }
0xd4: {  	[sflag:s16] =	ssyncset.done $0x0  }
0xd5: {  	s24 =	simm.s32 @!p0 $0x4;
	[sflag:s16] =	ssyncadd.s32 $0xFFFF8000  }
0xd6: {  	s23 =	sor.u32 $0x1, s23;
	s28 =	simm.s32 $0x0;
	_ =	swait.ge @!p0 [sflag:s24], $0x4000  }
0xd7: {  	s31 =	sshll.u32 s23, $0x8;
	s25 =	simm.s32 $0x0;
	[sflag:s24] =	ssyncset.done @!p0 $0x0  }
0xd8: {  	s26 =	simm.s32 $0x1AA00;
	[sflag:s24] =	ssyncadd.s32 @!p0 $0xFFFFC000;
	s24 =	sand.u32 $0x3FFFFF00, s31  }
.LBB2_7:
0xd9: {  	s29 =	sand.u32 $0x80, s25  }
0xda: {  	s30 =	sand.u32 $0x70, s25;
	s29 =	sadd.s32 s29, s24  }
0xdb: {  	s29 =	sadd.s32 s30, s29  }
0xdc: {  	v0 =	vld [tilespmem:s29+$0x0];
	_ =	sdelay $0x4  }
0xdd: {  	v0 =	vshll.u32 v0, $0x6  }
0xde: {  	s30 =	sshra.s32 s28, $0x2;
	v0 =	vand.u32 $0x40, v0  }
0xdf: {  	v0 =	vadd.s32 s30, v0  }
0xe0: {  	(v2sf) =	vpush v0, $0x1  }
0xe1: {  	(v2sf) =	vpush v0, $0x0;
	_ =	sdelay $0xd  }
0xe2: {  	s29 =	spop (v2sf)  }
0xe3: {  	s31 =	spop (v2sf)  }
0xe4: {  	v1 =	vld [tilespmem:s31+$0xE800];
	_ =	sdelay $0x4  }
0xe5: {  	[tilespmem:s26+$0xFFFFFE00] =	vst v1  }
0xe6: {  	v1 =	vld [tilespmem:s31+$0xE810];
	_ =	sdelay $0x4  }
0xe7: {  	[tilespmem:s26+$0xFFFFFE10] =	vst v1  }
0xe8: {  	v1 =	vld [tilespmem:s31+$0xE820];
	_ =	sdelay $0x4  }
0xe9: {  	[tilespmem:s26+$0xFFFFFE20] =	vst v1  }
0xea: {  	v1 =	vld [tilespmem:s31+$0xE830];
	_ =	sdelay $0x4  }
0xeb: {  	[tilespmem:s26+$0xFFFFFE30] =	vst v1  }
0xec: {  	v1 =	vld [tilespmem:s29+$0xE880];
	_ =	sdelay $0x4  }
0xed: {  	[tilespmem:s26+$0xFFFFFE40] =	vst v1  }
0xee: {  	v1 =	vld [tilespmem:s29+$0xE890]  }
0xef: {  	(v2sf) =	vpush v0, $0x3  }
0xf0: {  	(v2sf) =	vpush v0, $0x2;
	_ =	sdelay $0x2  }
0xf1: {  	[tilespmem:s26+$0xFFFFFE50] =	vst v1  }
0xf2: {  	v1 =	vld [tilespmem:s29+$0xE8A0];
	_ =	sdelay $0x4  }
0xf3: {  	[tilespmem:s26+$0xFFFFFE60] =	vst v1  }
0xf4: {  	v1 =	vld [tilespmem:s29+$0xE8B0];
	_ =	sdelay $0x3  }
0xf5: {  	s29 =	spop (v2sf)  }
0xf6: {  	s31 =	spop (v2sf);
	[tilespmem:s26+$0xFFFFFE70] =	vst v1  }
0xf7: {  	v1 =	vld [tilespmem:s31+$0xE900];
	_ =	sdelay $0x4  }
0xf8: {  	[tilespmem:s26+$0xFFFFFE80] =	vst v1  }
0xf9: {  	v1 =	vld [tilespmem:s31+$0xE910];
	_ =	sdelay $0x4  }
0xfa: {  	[tilespmem:s26+$0xFFFFFE90] =	vst v1  }
0xfb: {  	v1 =	vld [tilespmem:s31+$0xE920];
	_ =	sdelay $0x4  }
0xfc: {  	[tilespmem:s26+$0xFFFFFEA0] =	vst v1  }
0xfd: {  	v1 =	vld [tilespmem:s31+$0xE930];
	_ =	sdelay $0x4  }
0xfe: {  	[tilespmem:s26+$0xFFFFFEB0] =	vst v1  }
0xff: {  	v1 =	vld [tilespmem:s29+$0xE980];
	_ =	sdelay $0x4  }
0x100: {  	[tilespmem:s26+$0xFFFFFEC0] =	vst v1  }
0x101: {  	v1 =	vld [tilespmem:s29+$0xE990]  }
0x102: {  	(v2sf) =	vpush v0, $0x5  }
0x103: {  	(v2sf) =	vpush v0, $0x4;
	_ =	sdelay $0x2  }
0x104: {  	[tilespmem:s26+$0xFFFFFED0] =	vst v1  }
0x105: {  	v1 =	vld [tilespmem:s29+$0xE9A0];
	_ =	sdelay $0x4  }
0x106: {  	[tilespmem:s26+$0xFFFFFEE0] =	vst v1  }
0x107: {  	v1 =	vld [tilespmem:s29+$0xE9B0];
	_ =	sdelay $0x3  }
0x108: {  	s29 =	spop (v2sf)  }
0x109: {  	s31 =	spop (v2sf);
	[tilespmem:s26+$0xFFFFFEF0] =	vst v1  }
0x10a: {  	v1 =	vld [tilespmem:s31+$0xEA00];
	_ =	sdelay $0x4  }
0x10b: {  	[tilespmem:s26+$0xFFFFFF00] =	vst v1  }
0x10c: {  	v1 =	vld [tilespmem:s31+$0xEA10];
	_ =	sdelay $0x4  }
0x10d: {  	[tilespmem:s26+$0xFFFFFF10] =	vst v1  }
0x10e: {  	v1 =	vld [tilespmem:s31+$0xEA20];
	_ =	sdelay $0x4  }
0x10f: {  	[tilespmem:s26+$0xFFFFFF20] =	vst v1  }
0x110: {  	v1 =	vld [tilespmem:s31+$0xEA30];
	_ =	sdelay $0x4  }
0x111: {  	[tilespmem:s26+$0xFFFFFF30] =	vst v1  }
0x112: {  	v1 =	vld [tilespmem:s29+$0xEA80];
	_ =	sdelay $0x4  }
0x113: {  	[tilespmem:s26+$0xFFFFFF40] =	vst v1  }
0x114: {  	v1 =	vld [tilespmem:s29+$0xEA90]  }
0x115: {  	(v2sf) =	vpush v0, $0x7  }
0x116: {  	(v2sf) =	vpush v0, $0x6;
	_ =	sdelay $0x2  }
0x117: {  	[tilespmem:s26+$0xFFFFFF50] =	vst v1  }
0x118: {  	v1 =	vld [tilespmem:s29+$0xEAA0];
	_ =	sdelay $0x4  }
0x119: {  	[tilespmem:s26+$0xFFFFFF60] =	vst v1  }
0x11a: {  	v1 =	vld [tilespmem:s29+$0xEAB0];
	_ =	sdelay $0x3  }
0x11b: {  	s29 =	spop (v2sf)  }
0x11c: {  	s31 =	spop (v2sf);
	[tilespmem:s26+$0xFFFFFF70] =	vst v1  }
0x11d: {  	v1 =	vld [tilespmem:s31+$0xEB00];
	_ =	sdelay $0x4  }
0x11e: {  	[tilespmem:s26+$0xFFFFFF80] =	vst v1  }
0x11f: {  	v1 =	vld [tilespmem:s31+$0xEB10];
	_ =	sdelay $0x4  }
0x120: {  	[tilespmem:s26+$0xFFFFFF90] =	vst v1  }
0x121: {  	v1 =	vld [tilespmem:s31+$0xEB20];
	_ =	sdelay $0x4  }
0x122: {  	[tilespmem:s26+$0xFFFFFFA0] =	vst v1  }
0x123: {  	v1 =	vld [tilespmem:s31+$0xEB30];
	_ =	sdelay $0x4  }
0x124: {  	[tilespmem:s26+$0xFFFFFFB0] =	vst v1  }
0x125: {  	v1 =	vld [tilespmem:s29+$0xEB80];
	_ =	sdelay $0x4  }
0x126: {  	[tilespmem:s26+$0xFFFFFFC0] =	vst v1  }
0x127: {  	v1 =	vld [tilespmem:s29+$0xEB90]  }
0x128: {  	(v2sf) =	vpush v0, $0x9  }
0x129: {  	(v2sf) =	vpush v0, $0x8;
	_ =	sdelay $0x2  }
0x12a: {  	[tilespmem:s26+$0xFFFFFFD0] =	vst v1  }
0x12b: {  	v1 =	vld [tilespmem:s29+$0xEBA0];
	_ =	sdelay $0x4  }
0x12c: {  	[tilespmem:s26+$0xFFFFFFE0] =	vst v1  }
0x12d: {  	v1 =	vld [tilespmem:s29+$0xEBB0];
	_ =	sdelay $0x3  }
0x12e: {  	s29 =	spop (v2sf)  }
0x12f: {  	s31 =	spop (v2sf);
	[tilespmem:s26+$0xFFFFFFF0] =	vst v1  }
0x130: {  	v1 =	vld [tilespmem:s31+$0xEC00];
	_ =	sdelay $0x4  }
0x131: {  	[tilespmem:s26+$0x0] =	vst v1  }
0x132: {  	v1 =	vld [tilespmem:s31+$0xEC10];
	_ =	sdelay $0x4  }
0x133: {  	[tilespmem:s26+$0x10] =	vst v1  }
0x134: {  	v1 =	vld [tilespmem:s31+$0xEC20];
	_ =	sdelay $0x4  }
0x135: {  	[tilespmem:s26+$0x20] =	vst v1  }
0x136: {  	v1 =	vld [tilespmem:s31+$0xEC30];
	_ =	sdelay $0x4  }
0x137: {  	[tilespmem:s26+$0x30] =	vst v1  }
0x138: {  	v1 =	vld [tilespmem:s29+$0xEC80];
	_ =	sdelay $0x4  }
0x139: {  	[tilespmem:s26+$0x40] =	vst v1  }
0x13a: {  	v1 =	vld [tilespmem:s29+$0xEC90]  }
0x13b: {  	(v2sf) =	vpush v0, $0xB  }
0x13c: {  	(v2sf) =	vpush v0, $0xA;
	_ =	sdelay $0x2  }
0x13d: {  	[tilespmem:s26+$0x50] =	vst v1  }
0x13e: {  	v1 =	vld [tilespmem:s29+$0xECA0];
	_ =	sdelay $0x4  }
0x13f: {  	[tilespmem:s26+$0x60] =	vst v1  }
0x140: {  	v1 =	vld [tilespmem:s29+$0xECB0];
	_ =	sdelay $0x3  }
0x141: {  	s29 =	spop (v2sf)  }
0x142: {  	s31 =	spop (v2sf);
	[tilespmem:s26+$0x70] =	vst v1  }
0x143: {  	v1 =	vld [tilespmem:s31+$0xED00];
	_ =	sdelay $0x4  }
0x144: {  	[tilespmem:s26+$0x80] =	vst v1  }
0x145: {  	v1 =	vld [tilespmem:s31+$0xED10];
	_ =	sdelay $0x4  }
0x146: {  	[tilespmem:s26+$0x90] =	vst v1  }
0x147: {  	v1 =	vld [tilespmem:s31+$0xED20];
	_ =	sdelay $0x4  }
0x148: {  	[tilespmem:s26+$0xA0] =	vst v1  }
0x149: {  	v1 =	vld [tilespmem:s31+$0xED30];
	_ =	sdelay $0x4  }
0x14a: {  	[tilespmem:s26+$0xB0] =	vst v1  }
0x14b: {  	v1 =	vld [tilespmem:s29+$0xED80];
	_ =	sdelay $0x4  }
0x14c: {  	[tilespmem:s26+$0xC0] =	vst v1  }
0x14d: {  	v1 =	vld [tilespmem:s29+$0xED90]  }
0x14e: {  	(v2sf) =	vpush v0, $0xD  }
0x14f: {  	(v2sf) =	vpush v0, $0xC;
	_ =	sdelay $0x2  }
0x150: {  	[tilespmem:s26+$0xD0] =	vst v1  }
0x151: {  	v1 =	vld [tilespmem:s29+$0xEDA0];
	_ =	sdelay $0x4  }
0x152: {  	[tilespmem:s26+$0xE0] =	vst v1  }
0x153: {  	v1 =	vld [tilespmem:s29+$0xEDB0];
	_ =	sdelay $0x3  }
0x154: {  	s29 =	spop (v2sf)  }
0x155: {  	s31 =	spop (v2sf);
	[tilespmem:s26+$0xF0] =	vst v1  }
0x156: {  	v1 =	vld [tilespmem:s31+$0xEE00];
	_ =	sdelay $0x4  }
0x157: {  	[tilespmem:s26+$0x100] =	vst v1  }
0x158: {  	v1 =	vld [tilespmem:s31+$0xEE10];
	_ =	sdelay $0x4  }
0x159: {  	[tilespmem:s26+$0x110] =	vst v1  }
0x15a: {  	v1 =	vld [tilespmem:s31+$0xEE20];
	_ =	sdelay $0x4  }
0x15b: {  	[tilespmem:s26+$0x120] =	vst v1  }
0x15c: {  	v1 =	vld [tilespmem:s31+$0xEE30];
	_ =	sdelay $0x4  }
0x15d: {  	[tilespmem:s26+$0x130] =	vst v1  }
0x15e: {  	v1 =	vld [tilespmem:s29+$0xEE80];
	_ =	sdelay $0x4  }
0x15f: {  	[tilespmem:s26+$0x140] =	vst v1  }
0x160: {  	v1 =	vld [tilespmem:s29+$0xEE90]  }
0x161: {  	(v2sf) =	vpush v0, $0xF  }
0x162: {  	(v2sf) =	vpush v0, $0xE;
	_ =	sdelay $0x2  }
0x163: {  	[tilespmem:s26+$0x150] =	vst v1  }
0x164: {  	v63 =	vld [tilespmem:s29+$0xEEA0];
	_ =	sdelay $0x4  }
0x165: {  	[tilespmem:s26+$0x160] =	vst v63  }
0x166: {  	v0 =	vld [tilespmem:s29+$0xEEB0];
	_ =	sdelay $0x3  }
0x167: {  	s29 =	spop (v2sf)  }
0x168: {  	s31 =	spop (v2sf);
	[tilespmem:s26+$0x170] =	vst v0  }
0x169: {  	v0 =	vld [tilespmem:s31+$0xEF00];
	_ =	sdelay $0x4  }
0x16a: {  	[tilespmem:s26+$0x180] =	vst v0  }
0x16b: {  	v0 =	vld [tilespmem:s31+$0xEF10];
	_ =	sdelay $0x4  }
0x16c: {  	[tilespmem:s26+$0x190] =	vst v0  }
0x16d: {  	v0 =	vld [tilespmem:s31+$0xEF20];
	_ =	sdelay $0x4  }
0x16e: {  	[tilespmem:s26+$0x1A0] =	vst v0  }
0x16f: {  	v0 =	vld [tilespmem:s31+$0xEF30];
	_ =	sdelay $0x4  }
0x170: {  	[tilespmem:s26+$0x1B0] =	vst v0  }
0x171: {  	v0 =	vld [tilespmem:s29+$0xEF80];
	_ =	sdelay $0x4  }
0x172: {  	[tilespmem:s26+$0x1C0] =	vst v0  }
0x173: {  	v0 =	vld [tilespmem:s29+$0xEF90];
	_ =	sdelay $0x4  }
0x174: {  	[tilespmem:s26+$0x1D0] =	vst v0  }
0x175: {  	v0 =	vld [tilespmem:s29+$0xEFA0];
	_ =	sdelay $0x4  }
0x176: {  	[tilespmem:s26+$0x1E0] =	vst v0  }
0x177: {  	p0 =	sne.s32 s28, $0x1E000;
	v0 =	vld [tilespmem:s29+$0xEFB0]  }
.Ltmp4:
0x178: {  	_ = 	snop;
	(pc) =	sbr.rel @p0 .LBB2_7-.Ltmp4, $2  }
0x179: {  	_ =	sdelay $0x2  }
0x17a: {  	s25 =	sadd.s32 $0x10, s25;
	s28 =	sadd.s32 $0x2000, s28;
	[tilespmem:s26+$0x1F0] =	vst v0;
	s26 =	sadd.s32 $0x400, s26  }
.Ltmp5:
0x17b: {  	s23 =	sshll.u32 s23, $0xE;
	(pc) =	sbr.rel @p1 .LBB2_10-.Ltmp5, $4  }
0x17c: {  	s23 =	sadd.s32 s6, s23  }
0x17d: {  	s23 =	sshrl.u32 s23, $0x3  }
0x17e: {  	s23 =	sadd.s32 s2, s23  }
0x17f: {  	[hbm4b:s23+s3] =	stream.linear.scatter [tilespmem:s17], [sflag:$0x4], $0x4000, $0x38;
	[tilespmem:$0x1E800] =	vst v63  }
.Ltmp6:
0x180: {  	(pc) =	sbr.rel .LBB2_4-.Ltmp6, $3  }
0x181: {  	_ =	sdelay $0x1  }
0x182: {  	s22 =	sadd.s32 $0x3700, s22;
	s21 =	sadd.s32 $0x1, s21  }
0x183: {  	[tilespmem:s13], [sflag:$0x2] =	stream.indirect.gather [hbm4b:s4+s9], $0x80, s22, s9, $0xb8;
	[tilespmem:$0x1E800] =	vst v63  }
.LBB2_11:
0x184: {  	_ =	sfence.sel $0x180000  }
0x185: {  	[bflag:$0x0] =	sbarrier.arrive $0xFFFF  }
0x186: {  	p0 =	sne.s32 s0, $0x0;
	_ =	strace $0x90000047  }
0x187: {  	s0 =	sadd.s32 @!p0 $0x100000, s1;
	[bflag:$0x2] =	sbarrier.arrive $0xFFFF  }
0x188: {  	[sflag:s0] =	ssyncadd.tile.s32 @!p0 $0x1;
	_ =	shalt  }
.Lfunc_end2:
_tile_overlayer_lowered:
.L_overlay_start_2:
0x189: {  	(tag) =	ssettag $0x2  }
0x18a: {  	s0 =	rddreg [dreg:$0x0];
	s2 =	stileid.u32  }
0x18b: {  	s1 =	rddreg [dreg:$0x1];
	p0 =	sne.s32 s2, $0x0  }
0x18c: {  	s3 =	rddreg [dreg:$0x2];
	[bflag:$0x3] =	sbarrier.arrive $0xFFFF;
	s2 =	simm.s32 @!p0 $0x1C05  }
0x18d: {  	[timem:s3], [sflag:s2] =	dma.local @!p0 [hbm:s0], s1  }
0x18e: {  	s0 =	simm.s32 @!p0 $0x5  }
0x18f: {  	_ =	swait.ge @!p0 [sflag:s0], s1  }
0x190: {  	s1 =	ssub.s32 @!p0 $0x0, s1;
	[sflag:s0] =	ssyncset.done @!p0 $0x0  }
0x191: {  	[sflag:s0] =	ssyncadd.s32 @!p0 s1  }
0x192: {  	[bflag:$0x3] =	sbarrier.arrive $0xFFFF  }
0x193: {  	_ =	shalt  }

// kernel: sparse-core-data-format-call.cloned.1.call-start
scs
called_computation_lowered:
.L_overlay_start_0:
0x0: {  	s2 =	sld [smem:$0x3FD9]  }
0x1: {  	s3 =	sld [smem:$0x3FFE];
	_ =	sdelay $0x1  }
0x2: {  	s1 =	srdreg.scid  }
0x3: {  	s0 =	sand.u32 $0x1, s1  }
0x4: {  	s18 =	sshll.u32 s0, $0xA;
	s2 =	sadd.s32 s3, s2  }
0x5: {  	s2 =	sadd.s32 s2, s18  }
0x6: {  	[smem:$0x3FC6] =	sst s2  }
0x7: {  	_ = 	snop  }
0x8: {  	s2 =	sld [smem:$0x3FD0];
	(tm) =	ssettm $0x1  }
0x9: {  	s19 =	sld [smem:$0x3FFB];
	_ =	sdelay $0x3  }
0xa: {  	_ =	strace s19  }
0xb: {  	s3 =	sld [smem:$0x3FFC];
	_ =	sdelay $0x3  }
0xc: {  	_ =	strace s3  }
0xd: {  	s3 =	sld [smem:$0x3FFD];
	_ =	sdelay $0x3  }
0xe: {  	_ =	strace s3  }
0xf: {  	_ =	strace $0x8FFFFFFF  }
0x10: {  	s20 =	sld [smem:$0x3FDB];
	_ =	sdelay $0x1  }
0x11: {  	s4 =	simm.s32 $_scs_section_size  }
0x12: {  	s5 =	simm.s32 $_size__tile_overlayer_lowered;
	s6 =	simm.s32 $_tile_overlayer_lowered  }
0x13: {  	s23 =	simm.s32 $0x1BFF;
	s22 =	sshll.u32 s6, $0x1;
	s3 =	sadd.s32 s4, s20  }
0x14: {  	s7 =	simm.s32 $0x0;
	s21 =	sshll.u32 s5, $0x1;
	s5 =	sadd.s32 s22, s3  }
0x15: {  	[timem:s7], [sflag:s23] =	dma.local [hbm:s5], s21  }
0x16: {  	_ =	swait.ge [sflag:s23], s21  }
0x17: {  	s4 =	ssub.s32 $0x0, s21;
	[sflag:s23] =	ssyncset.done $0x0  }
0x18: {  	[sflag:s23] =	ssyncadd.s32 s4;
	_ =	sdelay $0x1  }
0x19: {  	s24 =	simm.s32 $0x1B8B  }
0x1a: {  	_ =	swait.ge [sflag:s24], $0x1  }
0x1b: {  	[sflag:s24] =	ssyncset.done $0x0  }
0x1c: {  	s26 =	simm.s32 $0x1B8E;
	s25 =	sld [smem:$0x3FFE];
	[sflag:s24] =	ssyncadd.s32 $0xFFFFFFFF  }
0x1d: {  	s27 =	simm.s32 $execute0_lowered;
	[smem:$0x3FD2] =	sst s26  }
0x1e: {  	s5 =	sshll.u32 s27, $0x1;
	_ =	strace $0x80000049;
	[dreg:$0x1] =	wrdreg $0xFFFFFFFF  }
0x1f: {  	s28 =	simm.s32 $_size_execute0_lowered;
	s3 =	sadd.s32 s3, s5;
	[dreg:$0x0] =	wrdreg $0x0  }
0x20: {  	s5 =	sshll.u32 s28, $0x1;
	[dreg:$0x2] =	wrdreg s3  }
0x21: {  	[dreg:$0x3] =	wrdreg s5  }
0x22: {  	[dreg:$0x4] =	wrdreg $0xC0  }
0x23: {  	_ =	task [dreg:s7], $0x5FFFF  }
0x24: {  	[dreg:$0x1] =	wrdreg $0xFFFFFFFF  }
0x25: {  	[dreg:$0x0] =	wrdreg $0x60  }
0x26: {  	[dreg:$0x2] =	wrdreg s25  }
0x27: {  	[dreg:$0x3] =	wrdreg s2  }
0x28: {  	[dreg:$0x4] =	wrdreg $0x9  }
0x29: {  	_ =	task.clear_ibuf [dreg:s7], $0x5FFFF;
	_ =	strace $0x90000049  }
0x2a: {  	s29 =	simm.s32 $0x9;
	_ =	strace $0x8000004B  }
0x2b: {  	_ =	swait.ge [sflag:s29], $0x1  }
0x2c: {  	[sflag:s29] =	ssyncadd.s32 $0xFFFFFFFF  }
0x2d: {  	_ =	strace $0x9000004B  }
0x2e: {  	_ =	sfence  }
0x2f: {  	s30 =	sld [smem:$0x0];
	_ =	sdelay $0x2  }
0x30: {  	s31 =	sshll.u32 s1, $0xD;
	s1 =	sshrl.u32 s1, $0x2  }
0x31: {  	s3 =	sand.u32 $0x4000, s31;
	s1 =	sadd.s32 s1, s30  }
0x32: {  	s0 =	sor.u32 s3, s0;
	s1 =	sshll.u32 s1, $0x11  }
0x33: {  	s0 =	sor.u32 s1, s0  }
0x34: {  	s0 =	sadd.s32 $0x8F2B, s0  }
0x35: {  	[sflag:s0] =	ssyncadd.remote.s32 $0x1  }
0x36: {  	_ =	sfence.sel $0xFFFF  }
0x37: {  	[dreg:$0x0] =	wrdreg $0xFFFFFFFF;
	(pc) =	sbr.abs _section_cstart, $3  }
0x38: {  	[dreg:$0x1] =	wrdreg $0xFFFFFFFF  }
0x39: {  	_ =	task.clear_ibuf [dreg:s7], $0x2FFFF;
	_ =	strace $0x9FFFFFFF  }
0x3a: {  	(tm) =	ssettm $0x7FFFFFFF  }
0x3b: {  	_ =	shalt  }
tec
execute0_lowered:
.L_overlay_start_1:
0x0: {  	(tag) =	ssettag $0x1  }
0x1: {  	s0 =	srdreg.scid  }
0x2: {  	s1 =	sshll.u32 s0, $0x4  }
0x3: {  	s0 =	stileid.u32;
	s1 =	sand.u32 $0x10, s1  }
0x4: {  	s1 =	sor.u32 s0, s1  }
0x5: {  	s6 =	rddreg [dreg:$0x0];
	s4 =	simm.s32 $0x1;
	s2 =	sshll.u32 s1, $0x7  }
0x6: {  	s7 =	simm.s32 $0x2;
	s12 =	simm.s32 $0x0;
	s1 =	ssub.s32 $0x4000, s2  }
0x7: {  	s8 =	simm.s32 $0x20000;
	s13 =	simm.s32 $0x0;
	s3 =	sand.u32 $0xF80, s1  }
0x8: {  	s9 =	simm.s32 $0x0;
	s5 =	sshrl.u32 s1, $0xC;
	p0 =	sne.s32 s3, $0x0  }
.Ltmp0:
0x9: {  	s1 =	rddreg [dreg:$0x2];
	s4 =	simm.s32 @!p0 $0x0;
	(pc) =	sbr.rel .LBB1_1-.Ltmp0, $4  }
0xa: {  	s11 =	simm.s32 $0x0;
	s3 =	rddreg [dreg:$0x1];
	s5 =	sadd.s32 s4, s5  }
0xb: {  	_ =	strace $0x8000004A;
	s4 =	simm.s32 $0x1;
	s5 =	smul.u32 $0x1A, s5  }
0xc: {  	s6 =	sadd.s32 $0xA00, s6;
	s10 =	smov.u32 s2;
	[sflag:s4] =	ssyncpa.u1 $0x0  }
0xd: {  	p0 =	por $0x0, $0x0;
	[sflag:s7] =	ssyncpa.u1 $0x0;
	s7 =	sor.u32 $0x1, s5  }
.LBB1_4:
0xe: {  	s16 =	sshll.u32 s13, $0x3;
	s17 =	sand.u32 $0x78, s13  }
0xf: {  	s30 =	sand.u32 $0x1F800, s13;
	s12 =	sshll.u32 s12, $0x11;
	s16 =	sand.u32 $0x3C00, s16  }
0x10: {  	[tilespmem:s15+$0x810 ss:$0x81] =	vst.msk $0xffff, v2;
	s31 =	sand.u32 $0x7, s13;
	s16 =	sor.u32 s17, s16;
	s17 =	sadd.s32 s3, s30  }
0x11: {  	[tilespmem:s15+$0x1020 ss:$0x81] =	vst.msk $0xffff, v0;
	s13 =	sshll.u32 s31, $0x12;
	s12 =	sadd.s32 s12, s17;
	s16 =	sshrl.u32 s16, $0x3  }
0x12: {  	[tilespmem:s15+$0x0 ss:$0x81] =	vst.msk $0xffff, v1;
	s13 =	sor.u32 $0x400, s13;
	s12 =	sadd.s32 s16, s12  }
0x13: {  	[hbm4b:s12+s13] =	stream.strided.scatter [tilespmem:s14], [sflag:$0x2], $0x2000, s8, s13, $0x20;
	[tilespmem:$0x8080] =	vst v63  }
.LBB1_5:
0x14: {  	s14 =	sadd.s32 $0x1, s9  }
0x15: {  	s12 =	sadd.s32 $0x1000, s10;
	s16 =	smov.u32 s10;
	p2 =	sgt.s32 s14, $0x19  }
0x16: {  	s16 =	smov.u32 @p2 s12  }
0x17: {  	s14 =	simm.s32 @p2 $0x0;
	p2 =	sgt.s32 s16, $0x3FFF  }
0x18: {  	s16 =	smov.u32 @p2 s2;
	p2 =	sne.s32 s11, s7  }
.Ltmp1:
0x19: {  	p1 =	slt.u32 s11, $0x2;
	(pc) =	sbr.rel @!p2 .LBB1_6-.Ltmp1, $4  }
0x1a: {  	s15 =	simm.s32 @!p1 $0x2  }
0x1b: {  	s13 =	smov.u32 s10;
	p0 =	por !p0, !p0;
	_ =	swait.ge @!p1 [sflag:s15], $0x2000  }
0x1c: {  	s12 =	smov.u32 s9;
	[sflag:s15] =	ssyncset.done @!p1 $0x0;
	s9 =	smov.u32 s14  }
0x1d: {  	s11 =	sadd.s32 $0x1, s11;
	[sflag:s15] =	ssyncadd.s32 @!p1 $0xFFFFE000;
	s10 =	smov.u32 s16  }
.LBB1_1:
0x1e: {  	p1 =	sge.u32 s11, s5  }
0x1f: {  	s31 =	sadd.s32 $0xFFFFFFFF, s11;
	s14 =	sxor.u32 @!p1 $0xFFFFFFFF, s11  }
0x20: {  	s15 =	sshll.u32 @!p1 s10, $0x9;
	s16 =	sshll.u32 @!p1 s9, $0x4;
	s17 =	simm.s32 @!p1 $0x1000  }
0x21: {  	s14 =	sshll.u32 @!p1 s14, $0xD;
	s16 =	sand.u32 @!p1 $0x1F0, s16;
	s15 =	sadd.s32 @!p1 s6, s15  }
0x22: {  	s14 =	sand.u32 @!p1 $0x2000, s14;
	s15 =	sadd.s32 @!p1 s16, s15;
	s16 =	simm.s32 @!p1 $0x40  }
0x23: {  	[tilespmem:s14], [sflag:$0x1] =	stream.strided.gather @!p1 [hbm4b:s15+s16], $0x2000, s17, s16, $0x38;
	[tilespmem:$0x8080] =	vst v63  }
0x24: {  	p1 =	sge.u32 s31, s5  }
.Ltmp2:
0x25: {  	_ = 	snop;
	(pc) =	sbr.rel @p1 .LBB1_5-.Ltmp2, $1  }
0x26: {  	_ =	sdelay $0x3  }
0x27: {  	s14 =	simm.s32 $0x1  }
0x28: {  	_ =	swait.ge [sflag:s4], $0x2000;
	s14 =	simm.s32 @!p0 $0x0  }
0x29: {  	[sflag:s4] =	ssyncset.done $0x0;
	s15 =	sshll.u32 s14, $0xD  }
0x2a: {  	[sflag:s4] =	ssyncadd.s32 $0xFFFFE000;
	s18 =	sor.u32 $0x20, s15  }
0x2b: {  	s14 =	smul.u32 $0x8100, s14;
	v3 =	vld [tilespmem:s18+$0x10]  }
0x2c: {  	s30 =	sand.u32 $0x1, s11;
	v2 =	vld [tilespmem:s18+$0xFFFFFFF0]  }
0x2d: {  	s15 =	smul.u32 $0x8100, s30;
	s14 =	sshrl.u32 s14, $0x2;
	v0 =	vld [tilespmem:s18+$0x0]  }
0x2e: {  	v1 =	vld [tilespmem:s18+$0xFFFFFFE0];
	s16 =	sor.u32 $0x4000, s14  }
0x2f: {  	s31 =	sshrl.u32 s15, $0x2;
	s15 =	sadd.s32 $0x0, s16  }
0x30: {  	s17 =	simm.s32 $0x4;
	s18 =	sadd.s32 $0x40, s18;
	s14 =	sor.u32 $0x4000, s31;
	[tilespmem:s15+$0x1830 ss:$0x81] =	vst.msk $0xffff, v3  }
.LBB1_3:
0x31: {  	v3 =	vld [tilespmem:s18+$0x10];
	p1 =	sne.s32 s17, $0x1FC;
	[tilespmem:s15+$0x810 ss:$0x81] =	vst.msk $0xffff, v2;
	s19 =	smov.u32 s17;
	s17 =	sadd.s32 $0x4, s17  }
.Ltmp3:
0x32: {  	v2 =	vld [tilespmem:s18+$0xFFFFFFF0];
	[tilespmem:s15+$0x1020 ss:$0x81] =	vst.msk $0xffff, v0;
	(pc) =	sbr.rel @p1 .LBB1_3-.Ltmp3, $4  }
0x33: {  	v0 =	vld [tilespmem:s18+$0x0];
	[tilespmem:s15+$0x0 ss:$0x81] =	vst.msk $0xffff, v1  }
0x34: {  	s15 =	sshra.s32 s19, $0x2;
	v1 =	vld [tilespmem:s18+$0xFFFFFFE0]  }
0x35: {  	s15 =	sadd.s32 s15, s16  }
0x36: {  	s18 =	sadd.s32 $0x40, s18;
	[tilespmem:s15+$0x1830 ss:$0x81] =	vst.msk $0xffff, v3  }
.Ltmp4:
0x37: {  	_ = 	snop;
	(pc) =	sbr.rel .LBB1_4-.Ltmp4, $1  }
0x38: {  	_ =	sdelay $0x3  }
.LBB1_6:
0x39: {  	_ =	sfence.sel $0x180000  }
0x3a: {  	s2 =	simm.s32 $0x1;
	[bflag:$0x0] =	sbarrier.arrive $0xFFFF  }
0x3b: {  	s31 =	simm.s32 $0x2;
	[sflag:s2] =	ssyncpa.u1 $0x1  }
0x3c: {  	[sflag:s31] =	ssyncpa.u1 $0x1  }
0x3d: {  	p0 =	sne.s32 s0, $0x0;
	_ =	strace $0x9000004A  }
0x3e: {  	s0 =	sadd.s32 @!p0 $0x100000, s1;
	[bflag:$0x2] =	sbarrier.arrive $0xFFFF  }
0x3f: {  	[sflag:s0] =	ssyncadd.tile.s32 @!p0 $0x1;
	_ =	shalt  }
.Lfunc_end1:
_tile_overlayer_lowered:
.L_overlay_start_2:
0x40: {  	(tag) =	ssettag $0x2  }
0x41: {  	s0 =	rddreg [dreg:$0x0];
	s2 =	stileid.u32  }
0x42: {  	s1 =	rddreg [dreg:$0x1];
	p0 =	sne.s32 s2, $0x0  }
0x43: {  	s3 =	rddreg [dreg:$0x2];
	[bflag:$0x3] =	sbarrier.arrive $0xFFFF;
	s2 =	simm.s32 @!p0 $0x1C01  }
0x44: {  	[timem:s3], [sflag:s2] =	dma.local @!p0 [hbm:s0], s1  }
0x45: {  	s0 =	simm.s32 @!p0 $0x1  }
0x46: {  	_ =	swait.ge @!p0 [sflag:s0], s1  }
0x47: {  	s1 =	ssub.s32 @!p0 $0x0, s1;
	[sflag:s0] =	ssyncset.done @!p0 $0x0  }
0x48: {  	[sflag:s0] =	ssyncadd.s32 @!p0 s1  }
0x49: {  	[bflag:$0x3] =	sbarrier.arrive $0xFFFF  }
0x4a: {  	_ =	shalt  }

</sc_bundles>
